<compile_context>
chip_gen: v7x
topology: tpu7x:2x2x1
jax: 0.10.2.dev20260603
libtpu: 0.0.44.dev20260713+nightly
codegen_flags: <defaults>
</compile_context>

<pallas_src>
import dataclasses
import functools

import jax
import jax.numpy as jnp
from jax import lax
from jax.experimental import pallas as pl
from jax.experimental.pallas import tpu as pltpu
from jax.experimental.pallas import tpu_sc as plsc

Q = 4096
D = 768
K = 50000
KT = 512
GRID_K = 98
KPAD = KT * GRID_K
SEG = 128
G = KPAD // SEG
SEG_PER_STEP = KT // SEG
KNN = 9
NSEL = 16
PAD_SEG = G - 1
BIG = 1e30

NW = 32
QPW = Q // NW
QB = 8
NB = QPW // QB
LANES = 16



def _cdist_body(a_ref, b_ref, d2_ref, m_ref):
    k = pl.program_id(0)
    bbf = b_ref[...].astype(jnp.bfloat16)
    bsq = bbf * bbf
    ones_row = jnp.ones((8, D), jnp.bfloat16)
    m2 = lax.dot_general(
        ones_row, bsq, (((1,), (1,)), ((), ())),
        preferred_element_type=jnp.float32)[:1]
    ab = lax.dot_general(
        a_ref[...], bbf,
        (((1,), (1,)), ((), ())),
        preferred_element_type=jnp.float32)
    e2 = m2 - 2.0 * ab
    lane_col = lax.broadcasted_iota(jnp.int32, (Q, KT), 1)
    e2 = jnp.where(lane_col < K - k * KT, e2, BIG)
    m_ref[...] = jnp.min(e2.reshape(Q, SEG_PER_STEP, SEG), axis=2)[None]
    e2r = e2.reshape(Q // 8, 8, KT)
    for j in range(SEG_PER_STEP):
        d2_ref[:, j] = e2r[:, :, j * SEG:(j + 1) * SEG]


def _cdist_call(features, memory_bank):
    return pl.pallas_call(
        _cdist_body,
        grid=(GRID_K,),
        in_specs=[
            pl.BlockSpec((Q, D), lambda k: (0, 0)),
            pl.BlockSpec((KT, D), lambda k: (k, 0)),
        ],
        out_specs=[
            pl.BlockSpec((Q // 8, SEG_PER_STEP, 8, SEG), lambda k: (0, k, 0, 0)),
            pl.BlockSpec((1, Q, SEG_PER_STEP), lambda k: (k, 0, 0)),
        ],
        out_shape=[
            jax.ShapeDtypeStruct((Q // 8, G, 8, SEG), jnp.float32),
            jax.ShapeDtypeStruct((GRID_K, Q, SEG_PER_STEP), jnp.float32),
        ],
        compiler_params=pltpu.CompilerParams(
            dimension_semantics=("parallel",)),
    )(features.astype(jnp.bfloat16), memory_bank)



def _select_body(m_ref, idx_ref):
    m = m_ref[...]
    colg = lax.broadcasted_iota(jnp.int32, (Q, G), 1)
    lane = lax.broadcasted_iota(jnp.int32, (Q, NSEL), 1)
    qrow = lax.broadcasted_iota(jnp.int32, (Q, NSEL), 0)
    out = jnp.full((Q, NSEL), PAD_SEG, jnp.int32)
    cur = m
    for j in range(KNN):
        mn = jnp.min(cur, axis=1, keepdims=True)
        am = jnp.min(jnp.where(cur == mn, colg, G), axis=1, keepdims=True)
        out = jnp.where(lane == j, am, out)
        cur = jnp.where(colg == am, BIG, cur)
    idx_ref[...] = ((qrow // 8) * G + out) * 8 + (qrow % 8)


def _select_call(m):
    return pl.pallas_call(
        _select_body,
        in_specs=[pl.BlockSpec((Q, G), lambda: (0, 0))],
        out_specs=pl.BlockSpec((Q, NSEL), lambda: (0, 0)),
        out_shape=jax.ShapeDtypeStruct((Q, NSEL), jnp.int32),
    )(m)



def _sc_topk(d2_rows, idx_flat):
    mesh = plsc.VectorSubcoreMesh(core_axis_name="c", subcore_axis_name="s")
    cp = pltpu.CompilerParams()
    if "needs_layout_passes" in pltpu.CompilerParams.__dataclass_fields__:
        cp = dataclasses.replace(cp, needs_layout_passes=False)

    @functools.partial(
        pl.kernel,
        mesh=mesh,
        compiler_params=cp,
        out_type=jax.ShapeDtypeStruct((Q * NSEL,), jnp.float32),
        scratch_types=[
            pltpu.VMEM((QB * NSEL,), jnp.int32),
            pltpu.VMEM((QB * NSEL, SEG), jnp.float32),
            pltpu.VMEM((QB * NSEL,), jnp.float32),
            pltpu.SemaphoreType.DMA,
        ],
    )
    def body(d2_hbm, idx_hbm, out_hbm, idx_v, rows_v, out_v, sem):
        wid = lax.axis_index("s") * 2 + lax.axis_index("c")
        base = wid * (QPW * NSEL)

        @pl.loop(0, NB)
        def _batch(bi):
            off = base + bi * (QB * NSEL)
            pltpu.sync_copy(idx_hbm.at[pl.ds(off, QB * NSEL)], idx_v)
            pltpu.async_copy(d2_hbm.at[idx_v], rows_v, sem).wait()

            @pl.loop(0, QB)
            def _query(q):
                acc = jnp.full((LANES,), BIG, jnp.float32)
                for r in range(KNN):
                    for c in range(SEG // LANES):
                        v = rows_v[q * NSEL + r, pl.ds(c * LANES, LANES)]
                        s = lax.sort(v)
                        acc = lax.sort(jnp.minimum(acc, lax.rev(s, (0,))))
                out_v[pl.ds(q * NSEL, LANES)] = acc

            pltpu.sync_copy(out_v, out_hbm.at[pl.ds(off, QB * NSEL)])

    return body(d2_rows, idx_flat)



def _q2_body(a_ref, o_ref):
    a = a_ref[...]
    o_ref[...] = jnp.sum(a * a, axis=1, keepdims=True)


def _q2_call(features):
    return pl.pallas_call(
        _q2_body,
        in_specs=[pl.BlockSpec((Q, D), lambda: (0, 0))],
        out_specs=pl.BlockSpec((Q, 1), lambda: (0, 0)),
        out_shape=jax.ShapeDtypeStruct((Q, 1), jnp.float32),
    )(features)



def _mean_body(t_ref, q2_ref, o_ref):
    t = t_ref[...] + q2_ref[...]
    lane = lax.broadcasted_iota(jnp.int32, (Q, NSEL), 1)
    dist = jnp.sqrt(jnp.maximum(t, 1e-12))
    o_ref[...] = jnp.sum(jnp.where(lane < KNN, dist, 0.0), axis=1,
                         keepdims=True) * (1.0 / KNN)


def _mean_call(t, q2):
    return pl.pallas_call(
        _mean_body,
        in_specs=[pl.BlockSpec((Q, NSEL), lambda: (0, 0)),
                  pl.BlockSpec((Q, 1), lambda: (0, 0))],
        out_specs=pl.BlockSpec((Q, 1), lambda: (0, 0)),
        out_shape=jax.ShapeDtypeStruct((Q, 1), jnp.float32),
    )(t, q2)


def kernel(features, memory_bank):
    d2, m3 = _cdist_call(features, memory_bank)
    q2 = _q2_call(features)
    m = jnp.transpose(m3, (1, 0, 2)).reshape(Q, G)
    idx = _select_call(m)
    t9 = _sc_topk(d2.reshape((Q // 8) * G * 8, SEG), idx.reshape(Q * NSEL))
    out = _mean_call(t9.reshape(Q, NSEL), q2)
    return out.reshape(Q)

# --- scband reference (transcript-rebuilt; emitter-appended) ---
"""Pipeline reference for scband-dinov3-anomaly-detector-21079699488979 (READ-ONLY COPY).

The authoritative reference and input builder live on the scoring server;
editing this copy changes nothing except your own understanding.
"""

import jax, jax.numpy as jnp
import numpy as np

NUM_NEIGHBORS = 9

def setup_inputs(seed: int = 0) -> dict:
    key = jax.random.key(seed)
    k1, k2 = jax.random.split(key)
    features = jax.random.normal(k1, (4096, 768), dtype=jnp.float32)
    memory_bank = jax.random.normal(k2, (50000, 768), dtype=jnp.float32)
    return {"features": features, "memory_bank": memory_bank}

def reference(features, memory_bank):
    # torch.cdist(features, memory_bank) via the expanded Euclidean form
    q2 = jnp.sum(features * features, axis=1, keepdims=True)        # [Q, 1]
    m2 = jnp.sum(memory_bank * memory_bank, axis=1)[None, :]        # [1, K]
    d2 = q2 + m2 - 2.0 * (features @ memory_bank.T)                 # [Q, K]
    distances = jnp.sqrt(jnp.maximum(d2, 1e-12))
    # aggregation == 'mean': topk smallest distances, then mean
    k = min(NUM_NEIGHBORS, memory_bank.shape[0])
    neg_top, _ = jax.lax.top_k(-distances, k)                        # largest of -dist == smallest dist
    kth_distances = -neg_top                                         # [Q, k]
    return kth_distances.mean(axis=1)                                # [Q]

if __name__ == "__main__":
    import jax
    _d = setup_inputs()
    print(jax.jit(kernel)(*tuple(_d.values())))

</pallas_src>

<mosaic_0001>
#map = affine_map<(d0, d1) -> (0, 0)>
#map1 = affine_map<(d0, d1) -> (0)>
module attributes {stable_mosaic.version = 14 : i64} {
  func.func @body(%arg0: i32, %arg1: i32, %arg2: memref<1605632x128xf32, #tpu.memory_space<hbm>>, %arg3: memref<65536xi32, #tpu.memory_space<hbm>>, %arg4: memref<65536xf32, #tpu.memory_space<hbm>>, %arg5: memref<128xi32, #tpu.memory_space<vmem>>, %arg6: memref<128x128xf32, #tpu.memory_space<vmem>>, %arg7: memref<128xf32, #tpu.memory_space<vmem>>, %arg8: memref<!tpu.dma_semaphore, #tpu.memory_space<semaphore_mem>>) attributes {dimension_semantics = [#tpu.dimension_semantics<core_parallel>, #tpu.dimension_semantics<subcore_parallel>], iteration_bounds = array<i64: 2, 16>, scalar_prefetch = 0 : i64, scratch_operands = 4 : i64, tpu.core_type = #tpu.core_type<sc_vector_subcore>, window_params = [{transform_indices = #map}, {transform_indices = #map1}, {transform_indices = #map1}]} {
    %mul3A = arith.constant 2 : i32
    %mul3A_0 = arith.muli %arg1, %mul3A : i32
    %add3A = arith.addi %mul3A_0, %arg0 : i32
    %mul3A_1 = arith.constant 2048 : i32
    %mul3A_2 = arith.muli %add3A, %mul3A_1 : i32
    %scan3A = arith.constant 0 : i32
    %scan3A_3 = arith.constant 16 : i32
    %scan3A_4 = arith.addi %scan3A, %scan3A_3 : i32
    %scan3A_5 = arith.constant 1 : i32
    scf.for %scan3A_7 = %scan3A to %scan3A_4 step %scan3A_5  : i32 {
      %mul3A_8 = arith.constant 1 : i32
      %mul3A_9 = arith.muli %scan3A_7, %mul3A_8 : i32
      %add3A_10 = arith.constant 0 : i32
      %add3A_11 = arith.addi %add3A_10, %mul3A_9 : i32
      %mul3A_12 = arith.constant 128 : i32
      %mul3A_13 = arith.muli %add3A_11, %mul3A_12 : i32
      %add3A_14 = arith.addi %mul3A_2, %mul3A_13 : i32
      "tpu.region"() ({
        %run_scoped3A = tpu.sem_alloc : memref<!tpu.dma_semaphore, #tpu.memory_space<semaphore_mem>>
        %dma_start3A_24 = tpu.memref_slice %arg3[%add3A_14] : memref<65536xi32, #tpu.memory_space<hbm>> -> memref<128xi32, #tpu.memory_space<hbm>>
        %dma_start3A_25 = tpu.memref_slice %arg3[%add3A_14] : memref<65536xi32, #tpu.memory_space<hbm>> -> memref<128xi32, #tpu.memory_space<hbm>>
        tpu.enqueue_dma source(%dma_start3A_25 : memref<128xi32, #tpu.memory_space<hbm>>) target(%arg5 : memref<128xi32, #tpu.memory_space<vmem>>) target_semaphore(%run_scoped3A : memref<!tpu.dma_semaphore, #tpu.memory_space<semaphore_mem>>)
        %dma_wait3A_26 = tpu.memref_slice %arg3[%add3A_14] : memref<65536xi32, #tpu.memory_space<hbm>> -> memref<128xi32, #tpu.memory_space<hbm>>
        %dma_wait3A_27 = tpu.memref_slice %arg3[%add3A_14] : memref<65536xi32, #tpu.memory_space<hbm>> -> memref<128xi32, #tpu.memory_space<hbm>>
        tpu.wait_dma2 semaphore(%run_scoped3A : memref<!tpu.dma_semaphore, #tpu.memory_space<semaphore_mem>>) src(%dma_wait3A_27 : memref<128xi32, #tpu.memory_space<hbm>>) dst(%arg5 : memref<128xi32, #tpu.memory_space<vmem>>)
        tpu.yield
      }) : () -> ()
      %dma_start3A = arith.constant 0 : i32
      %dma_start3A_15 = arith.constant 0 : i32
      %dma_start3A_16 = tpu.memref_slice %arg2[%dma_start3A, %dma_start3A_15] : memref<1605632x128xf32, #tpu.memory_space<hbm>> -> memref<1605632x128xf32, #tpu.memory_space<hbm>>
      tpu.enqueue_indirect_dma source(%dma_start3A_16 : memref<1605632x128xf32, #tpu.memory_space<hbm>>) target(%arg6 : memref<128x128xf32, #tpu.memory_space<vmem>>) offsets(%arg5 : memref<128xi32, #tpu.memory_space<vmem>>) semaphore(%arg8 : memref<!tpu.dma_semaphore, #tpu.memory_space<semaphore_mem>>)
      %dma_wait3A = arith.constant 0 : i32
      %dma_wait3A_17 = arith.constant 0 : i32
      %dma_wait3A_18 = tpu.memref_slice %arg2[%dma_wait3A, %dma_wait3A_17] : memref<1605632x128xf32, #tpu.memory_space<hbm>> -> memref<1605632x128xf32, #tpu.memory_space<hbm>>
      tpu.wait_indirect_dma semaphore(%arg8 : memref<!tpu.dma_semaphore, #tpu.memory_space<semaphore_mem>>) src(%dma_wait3A_18 : memref<1605632x128xf32, #tpu.memory_space<hbm>>) dst(%arg6 : memref<128x128xf32, #tpu.memory_space<vmem>>)
      %scan3A_19 = arith.constant 0 : i32
      %scan3A_20 = arith.constant 8 : i32
      %scan3A_21 = arith.addi %scan3A_19, %scan3A_20 : i32
      %scan3A_22 = arith.constant 1 : i32
      scf.for %scan3A_24 = %scan3A_19 to %scan3A_21 step %scan3A_22  : i32 {
        %mul3A_25 = arith.constant 1 : i32
        %mul3A_26 = arith.muli %scan3A_24, %mul3A_25 : i32
        %add3A_27 = arith.constant 0 : i32
        %add3A_28 = arith.addi %add3A_27, %mul3A_26 : i32
        %broadcast_in_dim3A = arith.constant 1.000000e+30 : f32
        %broadcast_in_dim3A_29 = vector.broadcast %broadcast_in_dim3A : f32 to vector<16xf32>
        %mul3A_30 = arith.constant 16 : i32
        %mul3A_31 = arith.muli %add3A_28, %mul3A_30 : i32
        %add3A_32 = arith.constant 0 : i32
        %add3A_33 = arith.addi %mul3A_31, %add3A_32 : i32
        %get3A = arith.index_cast %add3A_33 : i32 to index
        %get3A_34 = arith.constant 0 : index
        %get3A_35 = tpu.vector_load %arg6[%get3A, %get3A_34] {strides = array<i32>} : memref<128x128xf32, #tpu.memory_space<vmem>>, vector<16xf32>,
        %sort3A = arith.constant dense<true> : vector<16xi1>
        %sort3A_36, %sort3A_37, %sort3A_38 = tpu.sort %get3A_35, %get3A_35 masked %sort3A : (vector<16xf32>, vector<16xf32>, vector<16xi1>) -> (vector<16xi1>, vector<16xf32>, vector<16xf32>)
        %rev3A = arith.constant 15 : i32
        %rev3A_39 = vector.broadcast %rev3A : i32 to vector<16xi32>
        %rev3A_40 = tpu.iota {dimensions = array<i32: 0>} : vector<16xi32>
        %rev3A_41 = arith.subi %rev3A_39, %rev3A_40 : vector<16xi32>
        %rev3A_42 = tpu.dynamic_gather %sort3A_37[%rev3A_41] in [0] : vector<16xf32>, vector<16xi32> -> vector<16xf32>
        %min3A = arith.minimumf %broadcast_in_dim3A_29, %rev3A_42 : vector<16xf32>
        %sort3A_43 = arith.constant dense<true> : vector<16xi1>
        %sort3A_44, %sort3A_45, %sort3A_46 = tpu.sort %min3A, %min3A masked %sort3A_43 : (vector<16xf32>, vector<16xf32>, vector<16xi1>) -> (vector<16xi1>, vector<16xf32>, vector<16xf32>)
        %mul3A_47 = arith.constant 16 : i32
        %mul3A_48 = arith.muli %add3A_28, %mul3A_47 : i32
        %add3A_49 = arith.constant 0 : i32
        %add3A_50 = arith.addi %mul3A_48, %add3A_49 : i32
        %get3A_51 = arith.index_cast %add3A_50 : i32 to index
        %get3A_52 = arith.constant 16 : index
        %get3A_53 = tpu.vector_load %arg6[%get3A_51, %get3A_52] {strides = array<i32>} : memref<128x128xf32, #tpu.memory_space<vmem>>, vector<16xf32>,
        %sort3A_54 = arith.constant dense<true> : vector<16xi1>
        %sort3A_55, %sort3A_56, %sort3A_57 = tpu.sort %get3A_53, %get3A_53 masked %sort3A_54 : (vector<16xf32>, vector<16xf32>, vector<16xi1>) -> (vector<16xi1>, vector<16xf32>, vector<16xf32>)
        %rev3A_58 = arith.constant 15 : i32
        %rev3A_59 = vector.broadcast %rev3A_58 : i32 to vector<16xi32>
        %rev3A_60 = tpu.iota {dimensions = array<i32: 0>} : vector<16xi32>
        %rev3A_61 = arith.subi %rev3A_59, %rev3A_60 : vector<16xi32>
        %rev3A_62 = tpu.dynamic_gather %sort3A_56[%rev3A_61] in [0] : vector<16xf32>, vector<16xi32> -> vector<16xf32>
        %min3A_63 = arith.minimumf %sort3A_45, %rev3A_62 : vector<16xf32>
        %sort3A_64 = arith.constant dense<true> : vector<16xi1>
        %sort3A_65, %sort3A_66, %sort3A_67 = tpu.sort %min3A_63, %min3A_63 masked %sort3A_64 : (vector<16xf32>, vector<16xf32>, vector<16xi1>) -> (vector<16xi1>, vector<16xf32>, vector<16xf32>)
        %mul3A_68 = arith.constant 16 : i32
        %mul3A_69 = arith.muli %add3A_28, %mul3A_68 : i32
        %add3A_70 = arith.constant 0 : i32
        %add3A_71 = arith.addi %mul3A_69, %add3A_70 : i32
        %get3A_72 = arith.index_cast %add3A_71 : i32 to index
        %get3A_73 = arith.constant 32 : index
        %get3A_74 = tpu.vector_load %arg6[%get3A_72, %get3A_73] {strides = array<i32>} : memref<128x128xf32, #tpu.memory_space<vmem>>, vector<16xf32>,
        %sort3A_75 = arith.constant dense<true> : vector<16xi1>
        %sort3A_76, %sort3A_77, %sort3A_78 = tpu.sort %get3A_74, %get3A_74 masked %sort3A_75 : (vector<16xf32>, vector<16xf32>, vector<16xi1>) -> (vector<16xi1>, vector<16xf32>, vector<16xf32>)
        %rev3A_79 = arith.constant 15 : i32
        %rev3A_80 = vector.broadcast %rev3A_79 : i32 to vector<16xi32>
        %rev3A_81 = tpu.iota {dimensions = array<i32: 0>} : vector<16xi32>
        %rev3A_82 = arith.subi %rev3A_80, %rev3A_81 : vector<16xi32>
        %rev3A_83 = tpu.dynamic_gather %sort3A_77[%rev3A_82] in [0] : vector<16xf32>, vector<16xi32> -> vector<16xf32>
        %min3A_84 = arith.minimumf %sort3A_66, %rev3A_83 : vector<16xf32>
        %sort3A_85 = arith.constant dense<true> : vector<16xi1>
        %sort3A_86, %sort3A_87, %sort3A_88 = tpu.sort %min3A_84, %min3A_84 masked %sort3A_85 : (vector<16xf32>, vector<16xf32>, vector<16xi1>) -> (vector<16xi1>, vector<16xf32>, vector<16xf32>)
        %mul3A_89 = arith.constant 16 : i32
        %mul3A_90 = arith.muli %add3A_28, %mul3A_89 : i32
        %add3A_91 = arith.constant 0 : i32
        %add3A_92 = arith.addi %mul3A_90, %add3A_91 : i32
        %get3A_93 = arith.index_cast %add3A_92 : i32 to index
        %get3A_94 = arith.constant 48 : index
        %get3A_95 = tpu.vector_load %arg6[%get3A_93, %get3A_94] {strides = array<i32>} : memref<128x128xf32, #tpu.memory_space<vmem>>, vector<16xf32>,
        %sort3A_96 = arith.constant dense<true> : vector<16xi1>
        %sort3A_97, %sort3A_98, %sort3A_99 = tpu.sort %get3A_95, %get3A_95 masked %sort3A_96 : (vector<16xf32>, vector<16xf32>, vector<16xi1>) -> (vector<16xi1>, vector<16xf32>, vector<16xf32>)
        %rev3A_100 = arith.constant 15 : i32
        %rev3A_101 = vector.broadcast %rev3A_100 : i32 to vector<16xi32>
        %rev3A_102 = tpu.iota {dimensions = array<i32: 0>} : vector<16xi32>
        %rev3A_103 = arith.subi %rev3A_101, %rev3A_102 : vector<16xi32>
        %rev3A_104 = tpu.dynamic_gather %sort3A_98[%rev3A_103] in [0] : vector<16xf32>, vector<16xi32> -> vector<16xf32>
        %min3A_105 = arith.minimumf %sort3A_87, %rev3A_104 : vector<16xf32>
        %sort3A_106 = arith.constant dense<true> : vector<16xi1>
        %sort3A_107, %sort3A_108, %sort3A_109 = tpu.sort %min3A_105, %min3A_105 masked %sort3A_106 : (vector<16xf32>, vector<16xf32>, vector<16xi1>) -> (vector<16xi1>, vector<16xf32>, vector<16xf32>)
        %mul3A_110 = arith.constant 16 : i32
        %mul3A_111 = arith.muli %add3A_28, %mul3A_110 : i32
        %add3A_112 = arith.constant 0 : i32
        %add3A_113 = arith.addi %mul3A_111, %add3A_112 : i32
        %get3A_114 = arith.index_cast %add3A_113 : i32 to index
        %get3A_115 = arith.constant 64 : index
        %get3A_116 = tpu.vector_load %arg6[%get3A_114, %get3A_115] {strides = array<i32>} : memref<128x128xf32, #tpu.memory_space<vmem>>, vector<16xf32>,
        %sort3A_117 = arith.constant dense<true> : vector<16xi1>
        %sort3A_118, %sort3A_119, %sort3A_120 = tpu.sort %get3A_116, %get3A_116 masked %sort3A_117 : (vector<16xf32>, vector<16xf32>, vector<16xi1>) -> (vector<16xi1>, vector<16xf32>, vector<16xf32>)
        %rev3A_121 = arith.constant 15 : i32
        %rev3A_122 = vector.broadcast %rev3A_121 : i32 to vector<16xi32>
        %rev3A_123 = tpu.iota {dimensions = array<i32: 0>} : vector<16xi32>
        %rev3A_124 = arith.subi %rev3A_122, %rev3A_123 : vector<16xi32>
        %rev3A_125 = tpu.dynamic_gather %sort3A_119[%rev3A_124] in [0] : vector<16xf32>, vector<16xi32> -> vector<16xf32>
        %min3A_126 = arith.minimumf %sort3A_108, %rev3A_125 : vector<16xf32>
        %sort3A_127 = arith.constant dense<true> : vector<16xi1>
        %sort3A_128, %sort3A_129, %sort3A_130 = tpu.sort %min3A_126, %min3A_126 masked %sort3A_127 : (vector<16xf32>, vector<16xf32>, vector<16xi1>) -> (vector<16xi1>, vector<16xf32>, vector<16xf32>)
        %mul3A_131 = arith.constant 16 : i32
        %mul3A_132 = arith.muli %add3A_28, %mul3A_131 : i32
        %add3A_133 = arith.constant 0 : i32
        %add3A_134 = arith.addi %mul3A_132, %add3A_133 : i32
        %get3A_135 = arith.index_cast %add3A_134 : i32 to index
        %get3A_136 = arith.constant 80 : index
        %get3A_137 = tpu.vector_load %arg6[%get3A_135, %get3A_136] {strides = array<i32>} : memref<128x128xf32, #tpu.memory_space<vmem>>, vector<16xf32>,
        %sort3A_138 = arith.constant dense<true> : vector<16xi1>
        %sort3A_139, %sort3A_140, %sort3A_141 = tpu.sort %get3A_137, %get3A_137 masked %sort3A_138 : (vector<16xf32>, vector<16xf32>, vector<16xi1>) -> (vector<16xi1>, vector<16xf32>, vector<16xf32>)
        %rev3A_142 = arith.constant 15 : i32
        %rev3A_143 = vector.broadcast %rev3A_142 : i32 to vector<16xi32>
        %rev3A_144 = tpu.iota {dimensions = array<i32: 0>} : vector<16xi32>
        %rev3A_145 = arith.subi %rev3A_143, %rev3A_144 : vector<16xi32>
        %rev3A_146 = tpu.dynamic_gather %sort3A_140[%rev3A_145] in [0] : vector<16xf32>, vector<16xi32> -> vector<16xf32>
        %min3A_147 = arith.minimumf %sort3A_129, %rev3A_146 : vector<16xf32>
        %sort3A_148 = arith.constant dense<true> : vector<16xi1>
        %sort3A_149, %sort3A_150, %sort3A_151 = tpu.sort %min3A_147, %min3A_147 masked %sort3A_148 : (vector<16xf32>, vector<16xf32>, vector<16xi1>) -> (vector<16xi1>, vector<16xf32>, vector<16xf32>)
        %mul3A_152 = arith.constant 16 : i32
        %mul3A_153 = arith.muli %add3A_28, %mul3A_152 : i32
        %add3A_154 = arith.constant 0 : i32
        %add3A_155 = arith.addi %mul3A_153, %add3A_154 : i32
        %get3A_156 = arith.index_cast %add3A_155 : i32 to index
        %get3A_157 = arith.constant 96 : index
        %get3A_158 = tpu.vector_load %arg6[%get3A_156, %get3A_157] {strides = array<i32>} : memref<128x128xf32, #tpu.memory_space<vmem>>, vector<16xf32>,
        %sort3A_159 = arith.constant dense<true> : vector<16xi1>
        %sort3A_160, %sort3A_161, %sort3A_162 = tpu.sort %get3A_158, %get3A_158 masked %sort3A_159 : (vector<16xf32>, vector<16xf32>, vector<16xi1>) -> (vector<16xi1>, vector<16xf32>, vector<16xf32>)
        %rev3A_163 = arith.constant 15 : i32
        %rev3A_164 = vector.broadcast %rev3A_163 : i32 to vector<16xi32>
        %rev3A_165 = tpu.iota {dimensions = array<i32: 0>} : vector<16xi32>
        %rev3A_166 = arith.subi %rev3A_164, %rev3A_165 : vector<16xi32>
        %rev3A_167 = tpu.dynamic_gather %sort3A_161[%rev3A_166] in [0] : vector<16xf32>, vector<16xi32> -> vector<16xf32>
        %min3A_168 = arith.minimumf %sort3A_150, %rev3A_167 : vector<16xf32>
        %sort3A_169 = arith.constant dense<true> : vector<16xi1>
        %sort3A_170, %sort3A_171, %sort3A_172 = tpu.sort %min3A_168, %min3A_168 masked %sort3A_169 : (vector<16xf32>, vector<16xf32>, vector<16xi1>) -> (vector<16xi1>, vector<16xf32>, vector<16xf32>)
        %mul3A_173 = arith.constant 16 : i32
        %mul3A_174 = arith.muli %add3A_28, %mul3A_173 : i32
        %add3A_175 = arith.constant 0 : i32
        %add3A_176 = arith.addi %mul3A_174, %add3A_175 : i32
        %get3A_177 = arith.index_cast %add3A_176 : i32 to index
        %get3A_178 = arith.constant 112 : index
        %get3A_179 = tpu.vector_load %arg6[%get3A_177, %get3A_178] {strides = array<i32>} : memref<128x128xf32, #tpu.memory_space<vmem>>, vector<16xf32>,
        %sort3A_180 = arith.constant dense<true> : vector<16xi1>
        %sort3A_181, %sort3A_182, %sort3A_183 = tpu.sort %get3A_179, %get3A_179 masked %sort3A_180 : (vector<16xf32>, vector<16xf32>, vector<16xi1>) -> (vector<16xi1>, vector<16xf32>, vector<16xf32>)
        %rev3A_184 = arith.constant 15 : i32
        %rev3A_185 = vector.broadcast %rev3A_184 : i32 to vector<16xi32>
        %rev3A_186 = tpu.iota {dimensions = array<i32: 0>} : vector<16xi32>
        %rev3A_187 = arith.subi %rev3A_185, %rev3A_186 : vector<16xi32>
        %rev3A_188 = tpu.dynamic_gather %sort3A_182[%rev3A_187] in [0] : vector<16xf32>, vector<16xi32> -> vector<16xf32>
        %min3A_189 = arith.minimumf %sort3A_171, %rev3A_188 : vector<16xf32>
        %sort3A_190 = arith.constant dense<true> : vector<16xi1>
        %sort3A_191, %sort3A_192, %sort3A_193 = tpu.sort %min3A_189, %min3A_189 masked %sort3A_190 : (vector<16xf32>, vector<16xf32>, vector<16xi1>) -> (vector<16xi1>, vector<16xf32>, vector<16xf32>)
        %mul3A_194 = arith.constant 16 : i32
        %mul3A_195 = arith.muli %add3A_28, %mul3A_194 : i32
        %add3A_196 = arith.constant 1 : i32
        %add3A_197 = arith.addi %mul3A_195, %add3A_196 : i32
        %get3A_198 = arith.index_cast %add3A_197 : i32 to index
        %get3A_199 = arith.constant 0 : index
        %get3A_200 = tpu.vector_load %arg6[%get3A_198, %get3A_199] {strides = array<i32>} : memref<128x128xf32, #tpu.memory_space<vmem>>, vector<16xf32>,
        %sort3A_201 = arith.constant dense<true> : vector<16xi1>
        %sort3A_202, %sort3A_203, %sort3A_204 = tpu.sort %get3A_200, %get3A_200 masked %sort3A_201 : (vector<16xf32>, vector<16xf32>, vector<16xi1>) -> (vector<16xi1>, vector<16xf32>, vector<16xf32>)
        %rev3A_205 = arith.constant 15 : i32
        %rev3A_206 = vector.broadcast %rev3A_205 : i32 to vector<16xi32>
        %rev3A_207 = tpu.iota {dimensions = array<i32: 0>} : vector<16xi32>
        %rev3A_208 = arith.subi %rev3A_206, %rev3A_207 : vector<16xi32>
        %rev3A_209 = tpu.dynamic_gather %sort3A_203[%rev3A_208] in [0] : vector<16xf32>, vector<16xi32> -> vector<16xf32>
        %min3A_210 = arith.minimumf %sort3A_192, %rev3A_209 : vector<16xf32>
        %sort3A_211 = arith.constant dense<true> : vector<16xi1>
        %sort3A_212, %sort3A_213, %sort3A_214 = tpu.sort %min3A_210, %min3A_210 masked %sort3A_211 : (vector<16xf32>, vector<16xf32>, vector<16xi1>) -> (vector<16xi1>, vector<16xf32>, vector<16xf32>)
        %mul3A_215 = arith.constant 16 : i32
        %mul3A_216 = arith.muli %add3A_28, %mul3A_215 : i32
        %add3A_217 = arith.constant 1 : i32
        %add3A_218 = arith.addi %mul3A_216, %add3A_217 : i32
        %get3A_219 = arith.index_cast %add3A_218 : i32 to index
        %get3A_220 = arith.constant 16 : index
        %get3A_221 = tpu.vector_load %arg6[%get3A_219, %get3A_220] {strides = array<i32>} : memref<128x128xf32, #tpu.memory_space<vmem>>, vector<16xf32>,
        %sort3A_222 = arith.constant dense<true> : vector<16xi1>
        %sort3A_223, %sort3A_224, %sort3A_225 = tpu.sort %get3A_221, %get3A_221 masked %sort3A_222 : (vector<16xf32>, vector<16xf32>, vector<16xi1>) -> (vector<16xi1>, vector<16xf32>, vector<16xf32>)
        %rev3A_226 = arith.constant 15 : i32
        %rev3A_227 = vector.broadcast %rev3A_226 : i32 to vector<16xi32>
        %rev3A_228 = tpu.iota {dimensions = array<i32: 0>} : vector<16xi32>
        %rev3A_229 = arith.subi %rev3A_227, %rev3A_228 : vector<16xi32>
        %rev3A_230 = tpu.dynamic_gather %sort3A_224[%rev3A_229] in [0] : vector<16xf32>, vector<16xi32> -> vector<16xf32>
        %min3A_231 = arith.minimumf %sort3A_213, %rev3A_230 : vector<16xf32>
        %sort3A_232 = arith.constant dense<true> : vector<16xi1>
        %sort3A_233, %sort3A_234, %sort3A_235 = tpu.sort %min3A_231, %min3A_231 masked %sort3A_232 : (vector<16xf32>, vector<16xf32>, vector<16xi1>) -> (vector<16xi1>, vector<16xf32>, vector<16xf32>)
        %mul3A_236 = arith.constant 16 : i32
        %mul3A_237 = arith.muli %add3A_28, %mul3A_236 : i32
        %add3A_238 = arith.constant 1 : i32
        %add3A_239 = arith.addi %mul3A_237, %add3A_238 : i32
        %get3A_240 = arith.index_cast %add3A_239 : i32 to index
        %get3A_241 = arith.constant 32 : index
        %get3A_242 = tpu.vector_load %arg6[%get3A_240, %get3A_241] {strides = array<i32>} : memref<128x128xf32, #tpu.memory_space<vmem>>, vector<16xf32>,
        %sort3A_243 = arith.constant dense<true> : vector<16xi1>
        %sort3A_244, %sort3A_245, %sort3A_246 = tpu.sort %get3A_242, %get3A_242 masked %sort3A_243 : (vector<16xf32>, vector<16xf32>, vector<16xi1>) -> (vector<16xi1>, vector<16xf32>, vector<16xf32>)
        %rev3A_247 = arith.constant 15 : i32
        %rev3A_248 = vector.broadcast %rev3A_247 : i32 to vector<16xi32>
        %rev3A_249 = tpu.iota {dimensions = array<i32: 0>} : vector<16xi32>
        %rev3A_250 = arith.subi %rev3A_248, %rev3A_249 : vector<16xi32>
        %rev3A_251 = tpu.dynamic_gather %sort3A_245[%rev3A_250] in [0] : vector<16xf32>, vector<16xi32> -> vector<16xf32>
        %min3A_252 = arith.minimumf %sort3A_234, %rev3A_251 : vector<16xf32>
        %sort3A_253 = arith.constant dense<true> : vector<16xi1>
        %sort3A_254, %sort3A_255, %sort3A_256 = tpu.sort %min3A_252, %min3A_252 masked %sort3A_253 : (vector<16xf32>, vector<16xf32>, vector<16xi1>) -> (vector<16xi1>, vector<16xf32>, vector<16xf32>)
        %mul3A_257 = arith.constant 16 : i32
        %mul3A_258 = arith.muli %add3A_28, %mul3A_257 : i32
        %add3A_259 = arith.constant 1 : i32
        %add3A_260 = arith.addi %mul3A_258, %add3A_259 : i32
        %get3A_261 = arith.index_cast %add3A_260 : i32 to index
        %get3A_262 = arith.constant 48 : index
        %get3A_263 = tpu.vector_load %arg6[%get3A_261, %get3A_262] {strides = array<i32>} : memref<128x128xf32, #tpu.memory_space<vmem>>, vector<16xf32>,
        %sort3A_264 = arith.constant dense<true> : vector<16xi1>
        %sort3A_265, %sort3A_266, %sort3A_267 = tpu.sort %get3A_263, %get3A_263 masked %sort3A_264 : (vector<16xf32>, vector<16xf32>, vector<16xi1>) -> (vector<16xi1>, vector<16xf32>, vector<16xf32>)
        %rev3A_268 = arith.constant 15 : i32
        %rev3A_269 = vector.broadcast %rev3A_268 : i32 to vector<16xi32>
        %rev3A_270 = tpu.iota {dimensions = array<i32: 0>} : vector<16xi32>
        %rev3A_271 = arith.subi %rev3A_269, %rev3A_270 : vector<16xi32>
        %rev3A_272 = tpu.dynamic_gather %sort3A_266[%rev3A_271] in [0] : vector<16xf32>, vector<16xi32> -> vector<16xf32>
        %min3A_273 = arith.minimumf %sort3A_255, %rev3A_272 : vector<16xf32>
        %sort3A_274 = arith.constant dense<true> : vector<16xi1>
        %sort3A_275, %sort3A_276, %sort3A_277 = tpu.sort %min3A_273, %min3A_273 masked %sort3A_274 : (vector<16xf32>, vector<16xf32>, vector<16xi1>) -> (vector<16xi1>, vector<16xf32>, vector<16xf32>)
        %mul3A_278 = arith.constant 16 : i32
        %mul3A_279 = arith.muli %add3A_28, %mul3A_278 : i32
        %add3A_280 = arith.constant 1 : i32
        %add3A_281 = arith.addi %mul3A_279, %add3A_280 : i32
        %get3A_282 = arith.index_cast %add3A_281 : i32 to index
        %get3A_283 = arith.constant 64 : index
        %get3A_284 = tpu.vector_load %arg6[%get3A_282, %get3A_283] {strides = array<i32>} : memref<128x128xf32, #tpu.memory_space<vmem>>, vector<16xf32>,
        %sort3A_285 = arith.constant dense<true> : vector<16xi1>
        %sort3A_286, %sort3A_287, %sort3A_288 = tpu.sort %get3A_284, %get3A_284 masked %sort3A_285 : (vector<16xf32>, vector<16xf32>, vector<16xi1>) -> (vector<16xi1>, vector<16xf32>, vector<16xf32>)
        %rev3A_289 = arith.constant 15 : i32
        %rev3A_290 = vector.broadcast %rev3A_289 : i32 to vector<16xi32>
        %rev3A_291 = tpu.iota {dimensions = array<i32: 0>} : vector<16xi32>
        %rev3A_292 = arith.subi %rev3A_290, %rev3A_291 : vector<16xi32>
        %rev3A_293 = tpu.dynamic_gather %sort3A_287[%rev3A_292] in [0] : vector<16xf32>, vector<16xi32> -> vector<16xf32>
        %min3A_294 = arith.minimumf %sort3A_276, %rev3A_293 : vector<16xf32>
        %sort3A_295 = arith.constant dense<true> : vector<16xi1>
        %sort3A_296, %sort3A_297, %sort3A_298 = tpu.sort %min3A_294, %min3A_294 masked %sort3A_295 : (vector<16xf32>, vector<16xf32>, vector<16xi1>) -> (vector<16xi1>, vector<16xf32>, vector<16xf32>)
        %mul3A_299 = arith.constant 16 : i32
        %mul3A_300 = arith.muli %add3A_28, %mul3A_299 : i32
        %add3A_301 = arith.constant 1 : i32
        %add3A_302 = arith.addi %mul3A_300, %add3A_301 : i32
        %get3A_303 = arith.index_cast %add3A_302 : i32 to index
        %get3A_304 = arith.constant 80 : index
        %get3A_305 = tpu.vector_load %arg6[%get3A_303, %get3A_304] {strides = array<i32>} : memref<128x128xf32, #tpu.memory_space<vmem>>, vector<16xf32>,
        %sort3A_306 = arith.constant dense<true> : vector<16xi1>
        %sort3A_307, %sort3A_308, %sort3A_309 = tpu.sort %get3A_305, %get3A_305 masked %sort3A_306 : (vector<16xf32>, vector<16xf32>, vector<16xi1>) -> (vector<16xi1>, vector<16xf32>, vector<16xf32>)
        %rev3A_310 = arith.constant 15 : i32
        %rev3A_311 = vector.broadcast %rev3A_310 : i32 to vector<16xi32>
        %rev3A_312 = tpu.iota {dimensions = array<i32: 0>} : vector<16xi32>
        %rev3A_313 = arith.subi %rev3A_311, %rev3A_312 : vector<16xi32>
        %rev3A_314 = tpu.dynamic_gather %sort3A_308[%rev3A_313] in [0] : vector<16xf32>, vector<16xi32> -> vector<16xf32>
        %min3A_315 = arith.minimumf %sort3A_297, %rev3A_314 : vector<16xf32>
        %sort3A_316 = arith.constant dense<true> : vector<16xi1>
        %sort3A_317, %sort3A_318, %sort3A_319 = tpu.sort %min3A_315, %min3A_315 masked %sort3A_316 : (vector<16xf32>, vector<16xf32>, vector<16xi1>) -> (vector<16xi1>, vector<16xf32>, vector<16xf32>)
        %mul3A_320 = arith.constant 16 : i32
        %mul3A_321 = arith.muli %add3A_28, %mul3A_320 : i32
        %add3A_322 = arith.constant 1 : i32
        %add3A_323 = arith.addi %mul3A_321, %add3A_322 : i32
        %get3A_324 = arith.index_cast %add3A_323 : i32 to index
        %get3A_325 = arith.constant 96 : index
        %get3A_326 = tpu.vector_load %arg6[%get3A_324, %get3A_325] {strides = array<i32>} : memref<128x128xf32, #tpu.memory_space<vmem>>, vector<16xf32>,
        %sort3A_327 = arith.constant dense<true> : vector<16xi1>
        %sort3A_328, %sort3A_329, %sort3A_330 = tpu.sort %get3A_326, %get3A_326 masked %sort3A_327 : (vector<16xf32>, vector<16xf32>, vector<16xi1>) -> (vector<16xi1>, vector<16xf32>, vector<16xf32>)
        %rev3A_331 = arith.constant 15 : i32
        %rev3A_332 = vector.broadcast %rev3A_331 : i32 to vector<16xi32>
        %rev3A_333 = tpu.iota {dimensions = array<i32: 0>} : vector<16xi32>
        %rev3A_334 = arith.subi %rev3A_332, %rev3A_333 : vector<16xi32>
        %rev3A_335 = tpu.dynamic_gather %sort3A_329[%rev3A_334] in [0] : vector<16xf32>, vector<16xi32> -> vector<16xf32>
        %min3A_336 = arith.minimumf %sort3A_318, %rev3A_335 : vector<16xf32>
        %sort3A_337 = arith.constant dense<true> : vector<16xi1>
        %sort3A_338, %sort3A_339, %sort3A_340 = tpu.sort %min3A_336, %min3A_336 masked %sort3A_337 : (vector<16xf32>, vector<16xf32>, vector<16xi1>) -> (vector<16xi1>, vector<16xf32>, vector<16xf32>)
        %mul3A_341 = arith.constant 16 : i32
        %mul3A_342 = arith.muli %add3A_28, %mul3A_341 : i32
        %add3A_343 = arith.constant 1 : i32
        %add3A_344 = arith.addi %mul3A_342, %add3A_343 : i32
        %get3A_345 = arith.index_cast %add3A_344 : i32 to index
        %get3A_346 = arith.constant 112 : index
        %get3A_347 = tpu.vector_load %arg6[%get3A_345, %get3A_346] {strides = array<i32>} : memref<128x128xf32, #tpu.memory_space<vmem>>, vector<16xf32>,
        %sort3A_348 = arith.constant dense<true> : vector<16xi1>
        %sort3A_349, %sort3A_350, %sort3A_351 = tpu.sort %get3A_347, %get3A_347 masked %sort3A_348 : (vector<16xf32>, vector<16xf32>, vector<16xi1>) -> (vector<16xi1>, vector<16xf32>, vector<16xf32>)
        %rev3A_352 = arith.constant 15 : i32
        %rev3A_353 = vector.broadcast %rev3A_352 : i32 to vector<16xi32>
        %rev3A_354 = tpu.iota {dimensions = array<i32: 0>} : vector<16xi32>
        %rev3A_355 = arith.subi %rev3A_353, %rev3A_354 : vector<16xi32>
        %rev3A_356 = tpu.dynamic_gather %sort3A_350[%rev3A_355] in [0] : vector<16xf32>, vector<16xi32> -> vector<16xf32>
        %min3A_357 = arith.minimumf %sort3A_339, %rev3A_356 : vector<16xf32>
        %sort3A_358 = arith.constant dense<true> : vector<16xi1>
        %sort3A_359, %sort3A_360, %sort3A_361 = tpu.sort %min3A_357, %min3A_357 masked %sort3A_358 : (vector<16xf32>, vector<16xf32>, vector<16xi1>) -> (vector<16xi1>, vector<16xf32>, vector<16xf32>)
        %mul3A_362 = arith.constant 16 : i32
        %mul3A_363 = arith.muli %add3A_28, %mul3A_362 : i32
        %add3A_364 = arith.constant 2 : i32
        %add3A_365 = arith.addi %mul3A_363, %add3A_364 : i32
        %get3A_366 = arith.index_cast %add3A_365 : i32 to index
        %get3A_367 = arith.constant 0 : index
        %get3A_368 = tpu.vector_load %arg6[%get3A_366, %get3A_367] {strides = array<i32>} : memref<128x128xf32, #tpu.memory_space<vmem>>, vector<16xf32>,
        %sort3A_369 = arith.constant dense<true> : vector<16xi1>
        %sort3A_370, %sort3A_371, %sort3A_372 = tpu.sort %get3A_368, %get3A_368 masked %sort3A_369 : (vector<16xf32>, vector<16xf32>, vector<16xi1>) -> (vector<16xi1>, vector<16xf32>, vector<16xf32>)
        %rev3A_373 = arith.constant 15 : i32
        %rev3A_374 = vector.broadcast %rev3A_373 : i32 to vector<16xi32>
        %rev3A_375 = tpu.iota {dimensions = array<i32: 0>} : vector<16xi32>
        %rev3A_376 = arith.subi %rev3A_374, %rev3A_375 : vector<16xi32>
        %rev3A_377 = tpu.dynamic_gather %sort3A_371[%rev3A_376] in [0] : vector<16xf32>, vector<16xi32> -> vector<16xf32>
        %min3A_378 = arith.minimumf %sort3A_360, %rev3A_377 : vector<16xf32>
        %sort3A_379 = arith.constant dense<true> : vector<16xi1>
        %sort3A_380, %sort3A_381, %sort3A_382 = tpu.sort %min3A_378, %min3A_378 masked %sort3A_379 : (vector<16xf32>, vector<16xf32>, vector<16xi1>) -> (vector<16xi1>, vector<16xf32>, vector<16xf32>)
        %mul3A_383 = arith.constant 16 : i32
        %mul3A_384 = arith.muli %add3A_28, %mul3A_383 : i32
        %add3A_385 = arith.constant 2 : i32
        %add3A_386 = arith.addi %mul3A_384, %add3A_385 : i32
        %get3A_387 = arith.index_cast %add3A_386 : i32 to index
        %get3A_388 = arith.constant 16 : index
        %get3A_389 = tpu.vector_load %arg6[%get3A_387, %get3A_388] {strides = array<i32>} : memref<128x128xf32, #tpu.memory_space<vmem>>, vector<16xf32>,
        %sort3A_390 = arith.constant dense<true> : vector<16xi1>
        %sort3A_391, %sort3A_392, %sort3A_393 = tpu.sort %get3A_389, %get3A_389 masked %sort3A_390 : (vector<16xf32>, vector<16xf32>, vector<16xi1>) -> (vector<16xi1>, vector<16xf32>, vector<16xf32>)
        %rev3A_394 = arith.constant 15 : i32
        %rev3A_395 = vector.broadcast %rev3A_394 : i32 to vector<16xi32>
        %rev3A_396 = tpu.iota {dimensions = array<i32: 0>} : vector<16xi32>
        %rev3A_397 = arith.subi %rev3A_395, %rev3A_396 : vector<16xi32>
        %rev3A_398 = tpu.dynamic_gather %sort3A_392[%rev3A_397] in [0] : vector<16xf32>, vector<16xi32> -> vector<16xf32>
        %min3A_399 = arith.minimumf %sort3A_381, %rev3A_398 : vector<16xf32>
        %sort3A_400 = arith.constant dense<true> : vector<16xi1>
        %sort3A_401, %sort3A_402, %sort3A_403 = tpu.sort %min3A_399, %min3A_399 masked %sort3A_400 : (vector<16xf32>, vector<16xf32>, vector<16xi1>) -> (vector<16xi1>, vector<16xf32>, vector<16xf32>)
        %mul3A_404 = arith.constant 16 : i32
        %mul3A_405 = arith.muli %add3A_28, %mul3A_404 : i32
        %add3A_406 = arith.constant 2 : i32
        %add3A_407 = arith.addi %mul3A_405, %add3A_406 : i32
        %get3A_408 = arith.index_cast %add3A_407 : i32 to index
        %get3A_409 = arith.constant 32 : index
        %get3A_410 = tpu.vector_load %arg6[%get3A_408, %get3A_409] {strides = array<i32>} : memref<128x128xf32, #tpu.memory_space<vmem>>, vector<16xf32>,
        %sort3A_411 = arith.constant dense<true> : vector<16xi1>
        %sort3A_412, %sort3A_413, %sort3A_414 = tpu.sort %get3A_410, %get3A_410 masked %sort3A_411 : (vector<16xf32>, vector<16xf32>, vector<16xi1>) -> (vector<16xi1>, vector<16xf32>, vector<16xf32>)
        %rev3A_415 = arith.constant 15 : i32
        %rev3A_416 = vector.broadcast %rev3A_415 : i32 to vector<16xi32>
        %rev3A_417 = tpu.iota {dimensions = array<i32: 0>} : vector<16xi32>
        %rev3A_418 = arith.subi %rev3A_416, %rev3A_417 : vector<16xi32>
        %rev3A_419 = tpu.dynamic_gather %sort3A_413[%rev3A_418] in [0] : vector<16xf32>, vector<16xi32> -> vector<16xf32>
        %min3A_420 = arith.minimumf %sort3A_402, %rev3A_419 : vector<16xf32>
        %sort3A_421 = arith.constant dense<true> : vector<16xi1>
        %sort3A_422, %sort3A_423, %sort3A_424 = tpu.sort %min3A_420, %min3A_420 masked %sort3A_421 : (vector<16xf32>, vector<16xf32>, vector<16xi1>) -> (vector<16xi1>, vector<16xf32>, vector<16xf32>)
        %mul3A_425 = arith.constant 16 : i32
        %mul3A_426 = arith.muli %add3A_28, %mul3A_425 : i32
        %add3A_427 = arith.constant 2 : i32
        %add3A_428 = arith.addi %mul3A_426, %add3A_427 : i32
        %get3A_429 = arith.index_cast %add3A_428 : i32 to index
        %get3A_430 = arith.constant 48 : index
        %get3A_431 = tpu.vector_load %arg6[%get3A_429, %get3A_430] {strides = array<i32>} : memref<128x128xf32, #tpu.memory_space<vmem>>, vector<16xf32>,
        %sort3A_432 = arith.constant dense<true> : vector<16xi1>
        %sort3A_433, %sort3A_434, %sort3A_435 = tpu.sort %get3A_431, %get3A_431 masked %sort3A_432 : (vector<16xf32>, vector<16xf32>, vector<16xi1>) -> (vector<16xi1>, vector<16xf32>, vector<16xf32>)
        %rev3A_436 = arith.constant 15 : i32
        %rev3A_437 = vector.broadcast %rev3A_436 : i32 to vector<16xi32>
        %rev3A_438 = tpu.iota {dimensions = array<i32: 0>} : vector<16xi32>
        %rev3A_439 = arith.subi %rev3A_437, %rev3A_438 : vector<16xi32>
        %rev3A_440 = tpu.dynamic_gather %sort3A_434[%rev3A_439] in [0] : vector<16xf32>, vector<16xi32> -> vector<16xf32>
        %min3A_441 = arith.minimumf %sort3A_423, %rev3A_440 : vector<16xf32>
        %sort3A_442 = arith.constant dense<true> : vector<16xi1>
        %sort3A_443, %sort3A_444, %sort3A_445 = tpu.sort %min3A_441, %min3A_441 masked %sort3A_442 : (vector<16xf32>, vector<16xf32>, vector<16xi1>) -> (vector<16xi1>, vector<16xf32>, vector<16xf32>)
        %mul3A_446 = arith.constant 16 : i32
        %mul3A_447 = arith.muli %add3A_28, %mul3A_446 : i32
        %add3A_448 = arith.constant 2 : i32
        %add3A_449 = arith.addi %mul3A_447, %add3A_448 : i32
        %get3A_450 = arith.index_cast %add3A_449 : i32 to index
        %get3A_451 = arith.constant 64 : index
        %get3A_452 = tpu.vector_load %arg6[%get3A_450, %get3A_451] {strides = array<i32>} : memref<128x128xf32, #tpu.memory_space<vmem>>, vector<16xf32>,
        %sort3A_453 = arith.constant dense<true> : vector<16xi1>
        %sort3A_454, %sort3A_455, %sort3A_456 = tpu.sort %get3A_452, %get3A_452 masked %sort3A_453 : (vector<16xf32>, vector<16xf32>, vector<16xi1>) -> (vector<16xi1>, vector<16xf32>, vector<16xf32>)
        %rev3A_457 = arith.constant 15 : i32
        %rev3A_458 = vector.broadcast %rev3A_457 : i32 to vector<16xi32>
        %rev3A_459 = tpu.iota {dimensions = array<i32: 0>} : vector<16xi32>
        %rev3A_460 = arith.subi %rev3A_458, %rev3A_459 : vector<16xi32>
        %rev3A_461 = tpu.dynamic_gather %sort3A_455[%rev3A_460] in [0] : vector<16xf32>, vector<16xi32> -> vector<16xf32>
        %min3A_462 = arith.minimumf %sort3A_444, %rev3A_461 : vector<16xf32>
        %sort3A_463 = arith.constant dense<true> : vector<16xi1>
        %sort3A_464, %sort3A_465, %sort3A_466 = tpu.sort %min3A_462, %min3A_462 masked %sort3A_463 : (vector<16xf32>, vector<16xf32>, vector<16xi1>) -> (vector<16xi1>, vector<16xf32>, vector<16xf32>)
        %mul3A_467 = arith.constant 16 : i32
        %mul3A_468 = arith.muli %add3A_28, %mul3A_467 : i32
        %add3A_469 = arith.constant 2 : i32
        %add3A_470 = arith.addi %mul3A_468, %add3A_469 : i32
        %get3A_471 = arith.index_cast %add3A_470 : i32 to index
        %get3A_472 = arith.constant 80 : index
        %get3A_473 = tpu.vector_load %arg6[%get3A_471, %get3A_472] {strides = array<i32>} : memref<128x128xf32, #tpu.memory_space<vmem>>, vector<16xf32>,
        %sort3A_474 = arith.constant dense<true> : vector<16xi1>
        %sort3A_475, %sort3A_476, %sort3A_477 = tpu.sort %get3A_473, %get3A_473 masked %sort3A_474 : (vector<16xf32>, vector<16xf32>, vector<16xi1>) -> (vector<16xi1>, vector<16xf32>, vector<16xf32>)
        %rev3A_478 = arith.constant 15 : i32
        %rev3A_479 = vector.broadcast %rev3A_478 : i32 to vector<16xi32>
        %rev3A_480 = tpu.iota {dimensions = array<i32: 0>} : vector<16xi32>
        %rev3A_481 = arith.subi %rev3A_479, %rev3A_480 : vector<16xi32>
        %rev3A_482 = tpu.dynamic_gather %sort3A_476[%rev3A_481] in [0] : vector<16xf32>, vector<16xi32> -> vector<16xf32>
        %min3A_483 = arith.minimumf %sort3A_465, %rev3A_482 : vector<16xf32>
        %sort3A_484 = arith.constant dense<true> : vector<16xi1>
        %sort3A_485, %sort3A_486, %sort3A_487 = tpu.sort %min3A_483, %min3A_483 masked %sort3A_484 : (vector<16xf32>, vector<16xf32>, vector<16xi1>) -> (vector<16xi1>, vector<16xf32>, vector<16xf32>)
        %mul3A_488 = arith.constant 16 : i32
        %mul3A_489 = arith.muli %add3A_28, %mul3A_488 : i32
        %add3A_490 = arith.constant 2 : i32
        %add3A_491 = arith.addi %mul3A_489, %add3A_490 : i32
        %get3A_492 = arith.index_cast %add3A_491 : i32 to index
        %get3A_493 = arith.constant 96 : index
        %get3A_494 = tpu.vector_load %arg6[%get3A_492, %get3A_493] {strides = array<i32>} : memref<128x128xf32, #tpu.memory_space<vmem>>, vector<16xf32>,
        %sort3A_495 = arith.constant dense<true> : vector<16xi1>
        %sort3A_496, %sort3A_497, %sort3A_498 = tpu.sort %get3A_494, %get3A_494 masked %sort3A_495 : (vector<16xf32>, vector<16xf32>, vector<16xi1>) -> (vector<16xi1>, vector<16xf32>, vector<16xf32>)
        %rev3A_499 = arith.constant 15 : i32
        %rev3A_500 = vector.broadcast %rev3A_499 : i32 to vector<16xi32>
        %rev3A_501 = tpu.iota {dimensions = array<i32: 0>} : vector<16xi32>
        %rev3A_502 = arith.subi %rev3A_500, %rev3A_501 : vector<16xi32>
        %rev3A_503 = tpu.dynamic_gather %sort3A_497[%rev3A_502] in [0] : vector<16xf32>, vector<16xi32> -> vector<16xf32>
        %min3A_504 = arith.minimumf %sort3A_486, %rev3A_503 : vector<16xf32>
        %sort3A_505 = arith.constant dense<true> : vector<16xi1>
        %sort3A_506, %sort3A_507, %sort3A_508 = tpu.sort %min3A_504, %min3A_504 masked %sort3A_505 : (vector<16xf32>, vector<16xf32>, vector<16xi1>) -> (vector<16xi1>, vector<16xf32>, vector<16xf32>)
        %mul3A_509 = arith.constant 16 : i32
        %mul3A_510 = arith.muli %add3A_28, %mul3A_509 : i32
        %add3A_511 = arith.constant 2 : i32
        %add3A_512 = arith.addi %mul3A_510, %add3A_511 : i32
        %get3A_513 = arith.index_cast %add3A_512 : i32 to index
        %get3A_514 = arith.constant 112 : index
        %get3A_515 = tpu.vector_load %arg6[%get3A_513, %get3A_514] {strides = array<i32>} : memref<128x128xf32, #tpu.memory_space<vmem>>, vector<16xf32>,
        %sort3A_516 = arith.constant dense<true> : vector<16xi1>
        %sort3A_517, %sort3A_518, %sort3A_519 = tpu.sort %get3A_515, %get3A_515 masked %sort3A_516 : (vector<16xf32>, vector<16xf32>, vector<16xi1>) -> (vector<16xi1>, vector<16xf32>, vector<16xf32>)
        %rev3A_520 = arith.constant 15 : i32
        %rev3A_521 = vector.broadcast %rev3A_520 : i32 to vector<16xi32>
        %rev3A_522 = tpu.iota {dimensions = array<i32: 0>} : vector<16xi32>
        %rev3A_523 = arith.subi %rev3A_521, %rev3A_522 : vector<16xi32>
        %rev3A_524 = tpu.dynamic_gather %sort3A_518[%rev3A_523] in [0] : vector<16xf32>, vector<16xi32> -> vector<16xf32>
        %min3A_525 = arith.minimumf %sort3A_507, %rev3A_524 : vector<16xf32>
        %sort3A_526 = arith.constant dense<true> : vector<16xi1>
        %sort3A_527, %sort3A_528, %sort3A_529 = tpu.sort %min3A_525, %min3A_525 masked %sort3A_526 : (vector<16xf32>, vector<16xf32>, vector<16xi1>) -> (vector<16xi1>, vector<16xf32>, vector<16xf32>)
        %mul3A_530 = arith.constant 16 : i32
        %mul3A_531 = arith.muli %add3A_28, %mul3A_530 : i32
        %add3A_532 = arith.constant 3 : i32
        %add3A_533 = arith.addi %mul3A_531, %add3A_532 : i32
        %get3A_534 = arith.index_cast %add3A_533 : i32 to index
        %get3A_535 = arith.constant 0 : index
        %get3A_536 = tpu.vector_load %arg6[%get3A_534, %get3A_535] {strides = array<i32>} : memref<128x128xf32, #tpu.memory_space<vmem>>, vector<16xf32>,
        %sort3A_537 = arith.constant dense<true> : vector<16xi1>
        %sort3A_538, %sort3A_539, %sort3A_540 = tpu.sort %get3A_536, %get3A_536 masked %sort3A_537 : (vector<16xf32>, vector<16xf32>, vector<16xi1>) -> (vector<16xi1>, vector<16xf32>, vector<16xf32>)
        %rev3A_541 = arith.constant 15 : i32
        %rev3A_542 = vector.broadcast %rev3A_541 : i32 to vector<16xi32>
        %rev3A_543 = tpu.iota {dimensions = array<i32: 0>} : vector<16xi32>
        %rev3A_544 = arith.subi %rev3A_542, %rev3A_543 : vector<16xi32>
        %rev3A_545 = tpu.dynamic_gather %sort3A_539[%rev3A_544] in [0] : vector<16xf32>, vector<16xi32> -> vector<16xf32>
        %min3A_546 = arith.minimumf %sort3A_528, %rev3A_545 : vector<16xf32>
        %sort3A_547 = arith.constant dense<true> : vector<16xi1>
        %sort3A_548, %sort3A_549, %sort3A_550 = tpu.sort %min3A_546, %min3A_546 masked %sort3A_547 : (vector<16xf32>, vector<16xf32>, vector<16xi1>) -> (vector<16xi1>, vector<16xf32>, vector<16xf32>)
        %mul3A_551 = arith.constant 16 : i32
        %mul3A_552 = arith.muli %add3A_28, %mul3A_551 : i32
        %add3A_553 = arith.constant 3 : i32
        %add3A_554 = arith.addi %mul3A_552, %add3A_553 : i32
        %get3A_555 = arith.index_cast %add3A_554 : i32 to index
        %get3A_556 = arith.constant 16 : index
        %get3A_557 = tpu.vector_load %arg6[%get3A_555, %get3A_556] {strides = array<i32>} : memref<128x128xf32, #tpu.memory_space<vmem>>, vector<16xf32>,
        %sort3A_558 = arith.constant dense<true> : vector<16xi1>
        %sort3A_559, %sort3A_560, %sort3A_561 = tpu.sort %get3A_557, %get3A_557 masked %sort3A_558 : (vector<16xf32>, vector<16xf32>, vector<16xi1>) -> (vector<16xi1>, vector<16xf32>, vector<16xf32>)
        %rev3A_562 = arith.constant 15 : i32
        %rev3A_563 = vector.broadcast %rev3A_562 : i32 to vector<16xi32>
        %rev3A_564 = tpu.iota {dimensions = array<i32: 0>} : vector<16xi32>
        %rev3A_565 = arith.subi %rev3A_563, %rev3A_564 : vector<16xi32>
        %rev3A_566 = tpu.dynamic_gather %sort3A_560[%rev3A_565] in [0] : vector<16xf32>, vector<16xi32> -> vector<16xf32>
        %min3A_567 = arith.minimumf %sort3A_549, %rev3A_566 : vector<16xf32>
        %sort3A_568 = arith.constant dense<true> : vector<16xi1>
        %sort3A_569, %sort3A_570, %sort3A_571 = tpu.sort %min3A_567, %min3A_567 masked %sort3A_568 : (vector<16xf32>, vector<16xf32>, vector<16xi1>) -> (vector<16xi1>, vector<16xf32>, vector<16xf32>)
        %mul3A_572 = arith.constant 16 : i32
        %mul3A_573 = arith.muli %add3A_28, %mul3A_572 : i32
        %add3A_574 = arith.constant 3 : i32
        %add3A_575 = arith.addi %mul3A_573, %add3A_574 : i32
        %get3A_576 = arith.index_cast %add3A_575 : i32 to index
        %get3A_577 = arith.constant 32 : index
        %get3A_578 = tpu.vector_load %arg6[%get3A_576, %get3A_577] {strides = array<i32>} : memref<128x128xf32, #tpu.memory_space<vmem>>, vector<16xf32>,
        %sort3A_579 = arith.constant dense<true> : vector<16xi1>
        %sort3A_580, %sort3A_581, %sort3A_582 = tpu.sort %get3A_578, %get3A_578 masked %sort3A_579 : (vector<16xf32>, vector<16xf32>, vector<16xi1>) -> (vector<16xi1>, vector<16xf32>, vector<16xf32>)
        %rev3A_583 = arith.constant 15 : i32
        %rev3A_584 = vector.broadcast %rev3A_583 : i32 to vector<16xi32>
        %rev3A_585 = tpu.iota {dimensions = array<i32: 0>} : vector<16xi32>
        %rev3A_586 = arith.subi %rev3A_584, %rev3A_585 : vector<16xi32>
        %rev3A_587 = tpu.dynamic_gather %sort3A_581[%rev3A_586] in [0] : vector<16xf32>, vector<16xi32> -> vector<16xf32>
        %min3A_588 = arith.minimumf %sort3A_570, %rev3A_587 : vector<16xf32>
        %sort3A_589 = arith.constant dense<true> : vector<16xi1>
        %sort3A_590, %sort3A_591, %sort3A_592 = tpu.sort %min3A_588, %min3A_588 masked %sort3A_589 : (vector<16xf32>, vector<16xf32>, vector<16xi1>) -> (vector<16xi1>, vector<16xf32>, vector<16xf32>)
        %mul3A_593 = arith.constant 16 : i32
        %mul3A_594 = arith.muli %add3A_28, %mul3A_593 : i32
        %add3A_595 = arith.constant 3 : i32
        %add3A_596 = arith.addi %mul3A_594, %add3A_595 : i32
        %get3A_597 = arith.index_cast %add3A_596 : i32 to index
        %get3A_598 = arith.constant 48 : index
        %get3A_599 = tpu.vector_load %arg6[%get3A_597, %get3A_598] {strides = array<i32>} : memref<128x128xf32, #tpu.memory_space<vmem>>, vector<16xf32>,
        %sort3A_600 = arith.constant dense<true> : vector<16xi1>
        %sort3A_601, %sort3A_602, %sort3A_603 = tpu.sort %get3A_599, %get3A_599 masked %sort3A_600 : (vector<16xf32>, vector<16xf32>, vector<16xi1>) -> (vector<16xi1>, vector<16xf32>, vector<16xf32>)
        %rev3A_604 = arith.constant 15 : i32
        %rev3A_605 = vector.broadcast %rev3A_604 : i32 to vector<16xi32>
        %rev3A_606 = tpu.iota {dimensions = array<i32: 0>} : vector<16xi32>
        %rev3A_607 = arith.subi %rev3A_605, %rev3A_606 : vector<16xi32>
        %rev3A_608 = tpu.dynamic_gather %sort3A_602[%rev3A_607] in [0] : vector<16xf32>, vector<16xi32> -> vector<16xf32>
        %min3A_609 = arith.minimumf %sort3A_591, %rev3A_608 : vector<16xf32>
        %sort3A_610 = arith.constant dense<true> : vector<16xi1>
        %sort3A_611, %sort3A_612, %sort3A_613 = tpu.sort %min3A_609, %min3A_609 masked %sort3A_610 : (vector<16xf32>, vector<16xf32>, vector<16xi1>) -> (vector<16xi1>, vector<16xf32>, vector<16xf32>)
        %mul3A_614 = arith.constant 16 : i32
        %mul3A_615 = arith.muli %add3A_28, %mul3A_614 : i32
        %add3A_616 = arith.constant 3 : i32
        %add3A_617 = arith.addi %mul3A_615, %add3A_616 : i32
        %get3A_618 = arith.index_cast %add3A_617 : i32 to index
        %get3A_619 = arith.constant 64 : index
        %get3A_620 = tpu.vector_load %arg6[%get3A_618, %get3A_619] {strides = array<i32>} : memref<128x128xf32, #tpu.memory_space<vmem>>, vector<16xf32>,
        %sort3A_621 = arith.constant dense<true> : vector<16xi1>
        %sort3A_622, %sort3A_623, %sort3A_624 = tpu.sort %get3A_620, %get3A_620 masked %sort3A_621 : (vector<16xf32>, vector<16xf32>, vector<16xi1>) -> (vector<16xi1>, vector<16xf32>, vector<16xf32>)
        %rev3A_625 = arith.constant 15 : i32
        %rev3A_626 = vector.broadcast %rev3A_625 : i32 to vector<16xi32>
        %rev3A_627 = tpu.iota {dimensions = array<i32: 0>} : vector<16xi32>
        %rev3A_628 = arith.subi %rev3A_626, %rev3A_627 : vector<16xi32>
        %rev3A_629 = tpu.dynamic_gather %sort3A_623[%rev3A_628] in [0] : vector<16xf32>, vector<16xi32> -> vector<16xf32>
        %min3A_630 = arith.minimumf %sort3A_612, %rev3A_629 : vector<16xf32>
        %sort3A_631 = arith.constant dense<true> : vector<16xi1>
        %sort3A_632, %sort3A_633, %sort3A_634 = tpu.sort %min3A_630, %min3A_630 masked %sort3A_631 : (vector<16xf32>, vector<16xf32>, vector<16xi1>) -> (vector<16xi1>, vector<16xf32>, vector<16xf32>)
        %mul3A_635 = arith.constant 16 : i32
        %mul3A_636 = arith.muli %add3A_28, %mul3A_635 : i32
        %add3A_637 = arith.constant 3 : i32
        %add3A_638 = arith.addi %mul3A_636, %add3A_637 : i32
        %get3A_639 = arith.index_cast %add3A_638 : i32 to index
        %get3A_640 = arith.constant 80 : index
        %get3A_641 = tpu.vector_load %arg6[%get3A_639, %get3A_640] {strides = array<i32>} : memref<128x128xf32, #tpu.memory_space<vmem>>, vector<16xf32>,
        %sort3A_642 = arith.constant dense<true> : vector<16xi1>
        %sort3A_643, %sort3A_644, %sort3A_645 = tpu.sort %get3A_641, %get3A_641 masked %sort3A_642 : (vector<16xf32>, vector<16xf32>, vector<16xi1>) -> (vector<16xi1>, vector<16xf32>, vector<16xf32>)
        %rev3A_646 = arith.constant 15 : i32
        %rev3A_647 = vector.broadcast %rev3A_646 : i32 to vector<16xi32>
        %rev3A_648 = tpu.iota {dimensions = array<i32: 0>} : vector<16xi32>
        %rev3A_649 = arith.subi %rev3A_647, %rev3A_648 : vector<16xi32>
        %rev3A_650 = tpu.dynamic_gather %sort3A_644[%rev3A_649] in [0] : vector<16xf32>, vector<16xi32> -> vector<16xf32>
        %min3A_651 = arith.minimumf %sort3A_633, %rev3A_650 : vector<16xf32>
        %sort3A_652 = arith.constant dense<true> : vector<16xi1>
        %sort3A_653, %sort3A_654, %sort3A_655 = tpu.sort %min3A_651, %min3A_651 masked %sort3A_652 : (vector<16xf32>, vector<16xf32>, vector<16xi1>) -> (vector<16xi1>, vector<16xf32>, vector<16xf32>)
        %mul3A_656 = arith.constant 16 : i32
        %mul3A_657 = arith.muli %add3A_28, %mul3A_656 : i32
        %add3A_658 = arith.constant 3 : i32
        %add3A_659 = arith.addi %mul3A_657, %add3A_658 : i32
        %get3A_660 = arith.index_cast %add3A_659 : i32 to index
        %get3A_661 = arith.constant 96 : index
        %get3A_662 = tpu.vector_load %arg6[%get3A_660, %get3A_661] {strides = array<i32>} : memref<128x128xf32, #tpu.memory_space<vmem>>, vector<16xf32>,
        %sort3A_663 = arith.constant dense<true> : vector<16xi1>
        %sort3A_664, %sort3A_665, %sort3A_666 = tpu.sort %get3A_662, %get3A_662 masked %sort3A_663 : (vector<16xf32>, vector<16xf32>, vector<16xi1>) -> (vector<16xi1>, vector<16xf32>, vector<16xf32>)
        %rev3A_667 = arith.constant 15 : i32
        %rev3A_668 = vector.broadcast %rev3A_667 : i32 to vector<16xi32>
        %rev3A_669 = tpu.iota {dimensions = array<i32: 0>} : vector<16xi32>
        %rev3A_670 = arith.subi %rev3A_668, %rev3A_669 : vector<16xi32>
        %rev3A_671 = tpu.dynamic_gather %sort3A_665[%rev3A_670] in [0] : vector<16xf32>, vector<16xi32> -> vector<16xf32>
        %min3A_672 = arith.minimumf %sort3A_654, %rev3A_671 : vector<16xf32>
        %sort3A_673 = arith.constant dense<true> : vector<16xi1>
        %sort3A_674, %sort3A_675, %sort3A_676 = tpu.sort %min3A_672, %min3A_672 masked %sort3A_673 : (vector<16xf32>, vector<16xf32>, vector<16xi1>) -> (vector<16xi1>, vector<16xf32>, vector<16xf32>)
        %mul3A_677 = arith.constant 16 : i32
        %mul3A_678 = arith.muli %add3A_28, %mul3A_677 : i32
        %add3A_679 = arith.constant 3 : i32
        %add3A_680 = arith.addi %mul3A_678, %add3A_679 : i32
        %get3A_681 = arith.index_cast %add3A_680 : i32 to index
        %get3A_682 = arith.constant 112 : index
        %get3A_683 = tpu.vector_load %arg6[%get3A_681, %get3A_682] {strides = array<i32>} : memref<128x128xf32, #tpu.memory_space<vmem>>, vector<16xf32>,
        %sort3A_684 = arith.constant dense<true> : vector<16xi1>
        %sort3A_685, %sort3A_686, %sort3A_687 = tpu.sort %get3A_683, %get3A_683 masked %sort3A_684 : (vector<16xf32>, vector<16xf32>, vector<16xi1>) -> (vector<16xi1>, vector<16xf32>, vector<16xf32>)
        %rev3A_688 = arith.constant 15 : i32
        %rev3A_689 = vector.broadcast %rev3A_688 : i32 to vector<16xi32>
        %rev3A_690 = tpu.iota {dimensions = array<i32: 0>} : vector<16xi32>
        %rev3A_691 = arith.subi %rev3A_689, %rev3A_690 : vector<16xi32>
        %rev3A_692 = tpu.dynamic_gather %sort3A_686[%rev3A_691] in [0] : vector<16xf32>, vector<16xi32> -> vector<16xf32>
        %min3A_693 = arith.minimumf %sort3A_675, %rev3A_692 : vector<16xf32>
        %sort3A_694 = arith.constant dense<true> : vector<16xi1>
        %sort3A_695, %sort3A_696, %sort3A_697 = tpu.sort %min3A_693, %min3A_693 masked %sort3A_694 : (vector<16xf32>, vector<16xf32>, vector<16xi1>) -> (vector<16xi1>, vector<16xf32>, vector<16xf32>)
        %mul3A_698 = arith.constant 16 : i32
        %mul3A_699 = arith.muli %add3A_28, %mul3A_698 : i32
        %add3A_700 = arith.constant 4 : i32
        %add3A_701 = arith.addi %mul3A_699, %add3A_700 : i32
        %get3A_702 = arith.index_cast %add3A_701 : i32 to index
        %get3A_703 = arith.constant 0 : index
        %get3A_704 = tpu.vector_load %arg6[%get3A_702, %get3A_703] {strides = array<i32>} : memref<128x128xf32, #tpu.memory_space<vmem>>, vector<16xf32>,
        %sort3A_705 = arith.constant dense<true> : vector<16xi1>
        %sort3A_706, %sort3A_707, %sort3A_708 = tpu.sort %get3A_704, %get3A_704 masked %sort3A_705 : (vector<16xf32>, vector<16xf32>, vector<16xi1>) -> (vector<16xi1>, vector<16xf32>, vector<16xf32>)
        %rev3A_709 = arith.constant 15 : i32
        %rev3A_710 = vector.broadcast %rev3A_709 : i32 to vector<16xi32>
        %rev3A_711 = tpu.iota {dimensions = array<i32: 0>} : vector<16xi32>
        %rev3A_712 = arith.subi %rev3A_710, %rev3A_711 : vector<16xi32>
        %rev3A_713 = tpu.dynamic_gather %sort3A_707[%rev3A_712] in [0] : vector<16xf32>, vector<16xi32> -> vector<16xf32>
        %min3A_714 = arith.minimumf %sort3A_696, %rev3A_713 : vector<16xf32>
        %sort3A_715 = arith.constant dense<true> : vector<16xi1>
        %sort3A_716, %sort3A_717, %sort3A_718 = tpu.sort %min3A_714, %min3A_714 masked %sort3A_715 : (vector<16xf32>, vector<16xf32>, vector<16xi1>) -> (vector<16xi1>, vector<16xf32>, vector<16xf32>)
        %mul3A_719 = arith.constant 16 : i32
        %mul3A_720 = arith.muli %add3A_28, %mul3A_719 : i32
        %add3A_721 = arith.constant 4 : i32
        %add3A_722 = arith.addi %mul3A_720, %add3A_721 : i32
        %get3A_723 = arith.index_cast %add3A_722 : i32 to index
        %get3A_724 = arith.constant 16 : index
        %get3A_725 = tpu.vector_load %arg6[%get3A_723, %get3A_724] {strides = array<i32>} : memref<128x128xf32, #tpu.memory_space<vmem>>, vector<16xf32>,
        %sort3A_726 = arith.constant dense<true> : vector<16xi1>
        %sort3A_727, %sort3A_728, %sort3A_729 = tpu.sort %get3A_725, %get3A_725 masked %sort3A_726 : (vector<16xf32>, vector<16xf32>, vector<16xi1>) -> (vector<16xi1>, vector<16xf32>, vector<16xf32>)
        %rev3A_730 = arith.constant 15 : i32
        %rev3A_731 = vector.broadcast %rev3A_730 : i32 to vector<16xi32>
        %rev3A_732 = tpu.iota {dimensions = array<i32: 0>} : vector<16xi32>
        %rev3A_733 = arith.subi %rev3A_731, %rev3A_732 : vector<16xi32>
        %rev3A_734 = tpu.dynamic_gather %sort3A_728[%rev3A_733] in [0] : vector<16xf32>, vector<16xi32> -> vector<16xf32>
        %min3A_735 = arith.minimumf %sort3A_717, %rev3A_734 : vector<16xf32>
        %sort3A_736 = arith.constant dense<true> : vector<16xi1>
        %sort3A_737, %sort3A_738, %sort3A_739 = tpu.sort %min3A_735, %min3A_735 masked %sort3A_736 : (vector<16xf32>, vector<16xf32>, vector<16xi1>) -> (vector<16xi1>, vector<16xf32>, vector<16xf32>)
        %mul3A_740 = arith.constant 16 : i32
        %mul3A_741 = arith.muli %add3A_28, %mul3A_740 : i32
        %add3A_742 = arith.constant 4 : i32
        %add3A_743 = arith.addi %mul3A_741, %add3A_742 : i32
        %get3A_744 = arith.index_cast %add3A_743 : i32 to index
        %get3A_745 = arith.constant 32 : index
        %get3A_746 = tpu.vector_load %arg6[%get3A_744, %get3A_745] {strides = array<i32>} : memref<128x128xf32, #tpu.memory_space<vmem>>, vector<16xf32>,
        %sort3A_747 = arith.constant dense<true> : vector<16xi1>
        %sort3A_748, %sort3A_749, %sort3A_750 = tpu.sort %get3A_746, %get3A_746 masked %sort3A_747 : (vector<16xf32>, vector<16xf32>, vector<16xi1>) -> (vector<16xi1>, vector<16xf32>, vector<16xf32>)
        %rev3A_751 = arith.constant 15 : i32
        %rev3A_752 = vector.broadcast %rev3A_751 : i32 to vector<16xi32>
        %rev3A_753 = tpu.iota {dimensions = array<i32: 0>} : vector<16xi32>
        %rev3A_754 = arith.subi %rev3A_752, %rev3A_753 : vector<16xi32>
        %rev3A_755 = tpu.dynamic_gather %sort3A_749[%rev3A_754] in [0] : vector<16xf32>, vector<16xi32> -> vector<16xf32>
        %min3A_756 = arith.minimumf %sort3A_738, %rev3A_755 : vector<16xf32>
        %sort3A_757 = arith.constant dense<true> : vector<16xi1>
        %sort3A_758, %sort3A_759, %sort3A_760 = tpu.sort %min3A_756, %min3A_756 masked %sort3A_757 : (vector<16xf32>, vector<16xf32>, vector<16xi1>) -> (vector<16xi1>, vector<16xf32>, vector<16xf32>)
        %mul3A_761 = arith.constant 16 : i32
        %mul3A_762 = arith.muli %add3A_28, %mul3A_761 : i32
        %add3A_763 = arith.constant 4 : i32
        %add3A_764 = arith.addi %mul3A_762, %add3A_763 : i32
        %get3A_765 = arith.index_cast %add3A_764 : i32 to index
        %get3A_766 = arith.constant 48 : index
        %get3A_767 = tpu.vector_load %arg6[%get3A_765, %get3A_766] {strides = array<i32>} : memref<128x128xf32, #tpu.memory_space<vmem>>, vector<16xf32>,
        %sort3A_768 = arith.constant dense<true> : vector<16xi1>
        %sort3A_769, %sort3A_770, %sort3A_771 = tpu.sort %get3A_767, %get3A_767 masked %sort3A_768 : (vector<16xf32>, vector<16xf32>, vector<16xi1>) -> (vector<16xi1>, vector<16xf32>, vector<16xf32>)
        %rev3A_772 = arith.constant 15 : i32
        %rev3A_773 = vector.broadcast %rev3A_772 : i32 to vector<16xi32>
        %rev3A_774 = tpu.iota {dimensions = array<i32: 0>} : vector<16xi32>
        %rev3A_775 = arith.subi %rev3A_773, %rev3A_774 : vector<16xi32>
        %rev3A_776 = tpu.dynamic_gather %sort3A_770[%rev3A_775] in [0] : vector<16xf32>, vector<16xi32> -> vector<16xf32>
        %min3A_777 = arith.minimumf %sort3A_759, %rev3A_776 : vector<16xf32>
        %sort3A_778 = arith.constant dense<true> : vector<16xi1>
        %sort3A_779, %sort3A_780, %sort3A_781 = tpu.sort %min3A_777, %min3A_777 masked %sort3A_778 : (vector<16xf32>, vector<16xf32>, vector<16xi1>) -> (vector<16xi1>, vector<16xf32>, vector<16xf32>)
        %mul3A_782 = arith.constant 16 : i32
        %mul3A_783 = arith.muli %add3A_28, %mul3A_782 : i32
        %add3A_784 = arith.constant 4 : i32
        %add3A_785 = arith.addi %mul3A_783, %add3A_784 : i32
        %get3A_786 = arith.index_cast %add3A_785 : i32 to index
        %get3A_787 = arith.constant 64 : index
        %get3A_788 = tpu.vector_load %arg6[%get3A_786, %get3A_787] {strides = array<i32>} : memref<128x128xf32, #tpu.memory_space<vmem>>, vector<16xf32>,
        %sort3A_789 = arith.constant dense<true> : vector<16xi1>
        %sort3A_790, %sort3A_791, %sort3A_792 = tpu.sort %get3A_788, %get3A_788 masked %sort3A_789 : (vector<16xf32>, vector<16xf32>, vector<16xi1>) -> (vector<16xi1>, vector<16xf32>, vector<16xf32>)
        %rev3A_793 = arith.constant 15 : i32
        %rev3A_794 = vector.broadcast %rev3A_793 : i32 to vector<16xi32>
        %rev3A_795 = tpu.iota {dimensions = array<i32: 0>} : vector<16xi32>
        %rev3A_796 = arith.subi %rev3A_794, %rev3A_795 : vector<16xi32>
        %rev3A_797 = tpu.dynamic_gather %sort3A_791[%rev3A_796] in [0] : vector<16xf32>, vector<16xi32> -> vector<16xf32>
        %min3A_798 = arith.minimumf %sort3A_780, %rev3A_797 : vector<16xf32>
        %sort3A_799 = arith.constant dense<true> : vector<16xi1>
        %sort3A_800, %sort3A_801, %sort3A_802 = tpu.sort %min3A_798, %min3A_798 masked %sort3A_799 : (vector<16xf32>, vector<16xf32>, vector<16xi1>) -> (vector<16xi1>, vector<16xf32>, vector<16xf32>)
        %mul3A_803 = arith.constant 16 : i32
        %mul3A_804 = arith.muli %add3A_28, %mul3A_803 : i32
        %add3A_805 = arith.constant 4 : i32
        %add3A_806 = arith.addi %mul3A_804, %add3A_805 : i32
        %get3A_807 = arith.index_cast %add3A_806 : i32 to index
        %get3A_808 = arith.constant 80 : index
        %get3A_809 = tpu.vector_load %arg6[%get3A_807, %get3A_808] {strides = array<i32>} : memref<128x128xf32, #tpu.memory_space<vmem>>, vector<16xf32>,
        %sort3A_810 = arith.constant dense<true> : vector<16xi1>
        %sort3A_811, %sort3A_812, %sort3A_813 = tpu.sort %get3A_809, %get3A_809 masked %sort3A_810 : (vector<16xf32>, vector<16xf32>, vector<16xi1>) -> (vector<16xi1>, vector<16xf32>, vector<16xf32>)
        %rev3A_814 = arith.constant 15 : i32
        %rev3A_815 = vector.broadcast %rev3A_814 : i32 to vector<16xi32>
        %rev3A_816 = tpu.iota {dimensions = array<i32: 0>} : vector<16xi32>
        %rev3A_817 = arith.subi %rev3A_815, %rev3A_816 : vector<16xi32>
        %rev3A_818 = tpu.dynamic_gather %sort3A_812[%rev3A_817] in [0] : vector<16xf32>, vector<16xi32> -> vector<16xf32>
        %min3A_819 = arith.minimumf %sort3A_801, %rev3A_818 : vector<16xf32>
        %sort3A_820 = arith.constant dense<true> : vector<16xi1>
        %sort3A_821, %sort3A_822, %sort3A_823 = tpu.sort %min3A_819, %min3A_819 masked %sort3A_820 : (vector<16xf32>, vector<16xf32>, vector<16xi1>) -> (vector<16xi1>, vector<16xf32>, vector<16xf32>)
        %mul3A_824 = arith.constant 16 : i32
        %mul3A_825 = arith.muli %add3A_28, %mul3A_824 : i32
        %add3A_826 = arith.constant 4 : i32
        %add3A_827 = arith.addi %mul3A_825, %add3A_826 : i32
        %get3A_828 = arith.index_cast %add3A_827 : i32 to index
        %get3A_829 = arith.constant 96 : index
        %get3A_830 = tpu.vector_load %arg6[%get3A_828, %get3A_829] {strides = array<i32>} : memref<128x128xf32, #tpu.memory_space<vmem>>, vector<16xf32>,
        %sort3A_831 = arith.constant dense<true> : vector<16xi1>
        %sort3A_832, %sort3A_833, %sort3A_834 = tpu.sort %get3A_830, %get3A_830 masked %sort3A_831 : (vector<16xf32>, vector<16xf32>, vector<16xi1>) -> (vector<16xi1>, vector<16xf32>, vector<16xf32>)
        %rev3A_835 = arith.constant 15 : i32
        %rev3A_836 = vector.broadcast %rev3A_835 : i32 to vector<16xi32>
        %rev3A_837 = tpu.iota {dimensions = array<i32: 0>} : vector<16xi32>
        %rev3A_838 = arith.subi %rev3A_836, %rev3A_837 : vector<16xi32>
        %rev3A_839 = tpu.dynamic_gather %sort3A_833[%rev3A_838] in [0] : vector<16xf32>, vector<16xi32> -> vector<16xf32>
        %min3A_840 = arith.minimumf %sort3A_822, %rev3A_839 : vector<16xf32>
        %sort3A_841 = arith.constant dense<true> : vector<16xi1>
        %sort3A_842, %sort3A_843, %sort3A_844 = tpu.sort %min3A_840, %min3A_840 masked %sort3A_841 : (vector<16xf32>, vector<16xf32>, vector<16xi1>) -> (vector<16xi1>, vector<16xf32>, vector<16xf32>)
        %mul3A_845 = arith.constant 16 : i32
        %mul3A_846 = arith.muli %add3A_28, %mul3A_845 : i32
        %add3A_847 = arith.constant 4 : i32
        %add3A_848 = arith.addi %mul3A_846, %add3A_847 : i32
        %get3A_849 = arith.index_cast %add3A_848 : i32 to index
        %get3A_850 = arith.constant 112 : index
        %get3A_851 = tpu.vector_load %arg6[%get3A_849, %get3A_850] {strides = array<i32>} : memref<128x128xf32, #tpu.memory_space<vmem>>, vector<16xf32>,
        %sort3A_852 = arith.constant dense<true> : vector<16xi1>
        %sort3A_853, %sort3A_854, %sort3A_855 = tpu.sort %get3A_851, %get3A_851 masked %sort3A_852 : (vector<16xf32>, vector<16xf32>, vector<16xi1>) -> (vector<16xi1>, vector<16xf32>, vector<16xf32>)
        %rev3A_856 = arith.constant 15 : i32
        %rev3A_857 = vector.broadcast %rev3A_856 : i32 to vector<16xi32>
        %rev3A_858 = tpu.iota {dimensions = array<i32: 0>} : vector<16xi32>
        %rev3A_859 = arith.subi %rev3A_857, %rev3A_858 : vector<16xi32>
        %rev3A_860 = tpu.dynamic_gather %sort3A_854[%rev3A_859] in [0] : vector<16xf32>, vector<16xi32> -> vector<16xf32>
        %min3A_861 = arith.minimumf %sort3A_843, %rev3A_860 : vector<16xf32>
        %sort3A_862 = arith.constant dense<true> : vector<16xi1>
        %sort3A_863, %sort3A_864, %sort3A_865 = tpu.sort %min3A_861, %min3A_861 masked %sort3A_862 : (vector<16xf32>, vector<16xf32>, vector<16xi1>) -> (vector<16xi1>, vector<16xf32>, vector<16xf32>)
        %mul3A_866 = arith.constant 16 : i32
        %mul3A_867 = arith.muli %add3A_28, %mul3A_866 : i32
        %add3A_868 = arith.constant 5 : i32
        %add3A_869 = arith.addi %mul3A_867, %add3A_868 : i32
        %get3A_870 = arith.index_cast %add3A_869 : i32 to index
        %get3A_871 = arith.constant 0 : index
        %get3A_872 = tpu.vector_load %arg6[%get3A_870, %get3A_871] {strides = array<i32>} : memref<128x128xf32, #tpu.memory_space<vmem>>, vector<16xf32>,
        %sort3A_873 = arith.constant dense<true> : vector<16xi1>
        %sort3A_874, %sort3A_875, %sort3A_876 = tpu.sort %get3A_872, %get3A_872 masked %sort3A_873 : (vector<16xf32>, vector<16xf32>, vector<16xi1>) -> (vector<16xi1>, vector<16xf32>, vector<16xf32>)
        %rev3A_877 = arith.constant 15 : i32
        %rev3A_878 = vector.broadcast %rev3A_877 : i32 to vector<16xi32>
        %rev3A_879 = tpu.iota {dimensions = array<i32: 0>} : vector<16xi32>
        %rev3A_880 = arith.subi %rev3A_878, %rev3A_879 : vector<16xi32>
        %rev3A_881 = tpu.dynamic_gather %sort3A_875[%rev3A_880] in [0] : vector<16xf32>, vector<16xi32> -> vector<16xf32>
        %min3A_882 = arith.minimumf %sort3A_864, %rev3A_881 : vector<16xf32>
        %sort3A_883 = arith.constant dense<true> : vector<16xi1>
        %sort3A_884, %sort3A_885, %sort3A_886 = tpu.sort %min3A_882, %min3A_882 masked %sort3A_883 : (vector<16xf32>, vector<16xf32>, vector<16xi1>) -> (vector<16xi1>, vector<16xf32>, vector<16xf32>)
        %mul3A_887 = arith.constant 16 : i32
        %mul3A_888 = arith.muli %add3A_28, %mul3A_887 : i32
        %add3A_889 = arith.constant 5 : i32
        %add3A_890 = arith.addi %mul3A_888, %add3A_889 : i32
        %get3A_891 = arith.index_cast %add3A_890 : i32 to index
        %get3A_892 = arith.constant 16 : index
        %get3A_893 = tpu.vector_load %arg6[%get3A_891, %get3A_892] {strides = array<i32>} : memref<128x128xf32, #tpu.memory_space<vmem>>, vector<16xf32>,
        %sort3A_894 = arith.constant dense<true> : vector<16xi1>
        %sort3A_895, %sort3A_896, %sort3A_897 = tpu.sort %get3A_893, %get3A_893 masked %sort3A_894 : (vector<16xf32>, vector<16xf32>, vector<16xi1>) -> (vector<16xi1>, vector<16xf32>, vector<16xf32>)
        %rev3A_898 = arith.constant 15 : i32
        %rev3A_899 = vector.broadcast %rev3A_898 : i32 to vector<16xi32>
        %rev3A_900 = tpu.iota {dimensions = array<i32: 0>} : vector<16xi32>
        %rev3A_901 = arith.subi %rev3A_899, %rev3A_900 : vector<16xi32>
        %rev3A_902 = tpu.dynamic_gather %sort3A_896[%rev3A_901] in [0] : vector<16xf32>, vector<16xi32> -> vector<16xf32>
        %min3A_903 = arith.minimumf %sort3A_885, %rev3A_902 : vector<16xf32>
        %sort3A_904 = arith.constant dense<true> : vector<16xi1>
        %sort3A_905, %sort3A_906, %sort3A_907 = tpu.sort %min3A_903, %min3A_903 masked %sort3A_904 : (vector<16xf32>, vector<16xf32>, vector<16xi1>) -> (vector<16xi1>, vector<16xf32>, vector<16xf32>)
        %mul3A_908 = arith.constant 16 : i32
        %mul3A_909 = arith.muli %add3A_28, %mul3A_908 : i32
        %add3A_910 = arith.constant 5 : i32
        %add3A_911 = arith.addi %mul3A_909, %add3A_910 : i32
        %get3A_912 = arith.index_cast %add3A_911 : i32 to index
        %get3A_913 = arith.constant 32 : index
        %get3A_914 = tpu.vector_load %arg6[%get3A_912, %get3A_913] {strides = array<i32>} : memref<128x128xf32, #tpu.memory_space<vmem>>, vector<16xf32>,
        %sort3A_915 = arith.constant dense<true> : vector<16xi1>
        %sort3A_916, %sort3A_917, %sort3A_918 = tpu.sort %get3A_914, %get3A_914 masked %sort3A_915 : (vector<16xf32>, vector<16xf32>, vector<16xi1>) -> (vector<16xi1>, vector<16xf32>, vector<16xf32>)
        %rev3A_919 = arith.constant 15 : i32
        %rev3A_920 = vector.broadcast %rev3A_919 : i32 to vector<16xi32>
        %rev3A_921 = tpu.iota {dimensions = array<i32: 0>} : vector<16xi32>
        %rev3A_922 = arith.subi %rev3A_920, %rev3A_921 : vector<16xi32>
        %rev3A_923 = tpu.dynamic_gather %sort3A_917[%rev3A_922] in [0] : vector<16xf32>, vector<16xi32> -> vector<16xf32>
        %min3A_924 = arith.minimumf %sort3A_906, %rev3A_923 : vector<16xf32>
        %sort3A_925 = arith.constant dense<true> : vector<16xi1>
        %sort3A_926, %sort3A_927, %sort3A_928 = tpu.sort %min3A_924, %min3A_924 masked %sort3A_925 : (vector<16xf32>, vector<16xf32>, vector<16xi1>) -> (vector<16xi1>, vector<16xf32>, vector<16xf32>)
        %mul3A_929 = arith.constant 16 : i32
        %mul3A_930 = arith.muli %add3A_28, %mul3A_929 : i32
        %add3A_931 = arith.constant 5 : i32
        %add3A_932 = arith.addi %mul3A_930, %add3A_931 : i32
        %get3A_933 = arith.index_cast %add3A_932 : i32 to index
        %get3A_934 = arith.constant 48 : index
        %get3A_935 = tpu.vector_load %arg6[%get3A_933, %get3A_934] {strides = array<i32>} : memref<128x128xf32, #tpu.memory_space<vmem>>, vector<16xf32>,
        %sort3A_936 = arith.constant dense<true> : vector<16xi1>
        %sort3A_937, %sort3A_938, %sort3A_939 = tpu.sort %get3A_935, %get3A_935 masked %sort3A_936 : (vector<16xf32>, vector<16xf32>, vector<16xi1>) -> (vector<16xi1>, vector<16xf32>, vector<16xf32>)
        %rev3A_940 = arith.constant 15 : i32
        %rev3A_941 = vector.broadcast %rev3A_940 : i32 to vector<16xi32>
        %rev3A_942 = tpu.iota {dimensions = array<i32: 0>} : vector<16xi32>
        %rev3A_943 = arith.subi %rev3A_941, %rev3A_942 : vector<16xi32>
        %rev3A_944 = tpu.dynamic_gather %sort3A_938[%rev3A_943] in [0] : vector<16xf32>, vector<16xi32> -> vector<16xf32>
        %min3A_945 = arith.minimumf %sort3A_927, %rev3A_944 : vector<16xf32>
        %sort3A_946 = arith.constant dense<true> : vector<16xi1>
        %sort3A_947, %sort3A_948, %sort3A_949 = tpu.sort %min3A_945, %min3A_945 masked %sort3A_946 : (vector<16xf32>, vector<16xf32>, vector<16xi1>) -> (vector<16xi1>, vector<16xf32>, vector<16xf32>)
        %mul3A_950 = arith.constant 16 : i32
        %mul3A_951 = arith.muli %add3A_28, %mul3A_950 : i32
        %add3A_952 = arith.constant 5 : i32
        %add3A_953 = arith.addi %mul3A_951, %add3A_952 : i32
        %get3A_954 = arith.index_cast %add3A_953 : i32 to index
        %get3A_955 = arith.constant 64 : index
        %get3A_956 = tpu.vector_load %arg6[%get3A_954, %get3A_955] {strides = array<i32>} : memref<128x128xf32, #tpu.memory_space<vmem>>, vector<16xf32>,
        %sort3A_957 = arith.constant dense<true> : vector<16xi1>
        %sort3A_958, %sort3A_959, %sort3A_960 = tpu.sort %get3A_956, %get3A_956 masked %sort3A_957 : (vector<16xf32>, vector<16xf32>, vector<16xi1>) -> (vector<16xi1>, vector<16xf32>, vector<16xf32>)
        %rev3A_961 = arith.constant 15 : i32
        %rev3A_962 = vector.broadcast %rev3A_961 : i32 to vector<16xi32>
        %rev3A_963 = tpu.iota {dimensions = array<i32: 0>} : vector<16xi32>
        %rev3A_964 = arith.subi %rev3A_962, %rev3A_963 : vector<16xi32>
        %rev3A_965 = tpu.dynamic_gather %sort3A_959[%rev3A_964] in [0] : vector<16xf32>, vector<16xi32> -> vector<16xf32>
        %min3A_966 = arith.minimumf %sort3A_948, %rev3A_965 : vector<16xf32>
        %sort3A_967 = arith.constant dense<true> : vector<16xi1>
        %sort3A_968, %sort3A_969, %sort3A_970 = tpu.sort %min3A_966, %min3A_966 masked %sort3A_967 : (vector<16xf32>, vector<16xf32>, vector<16xi1>) -> (vector<16xi1>, vector<16xf32>, vector<16xf32>)
        %mul3A_971 = arith.constant 16 : i32
        %mul3A_972 = arith.muli %add3A_28, %mul3A_971 : i32
        %add3A_973 = arith.constant 5 : i32
        %add3A_974 = arith.addi %mul3A_972, %add3A_973 : i32
        %get3A_975 = arith.index_cast %add3A_974 : i32 to index
        %get3A_976 = arith.constant 80 : index
        %get3A_977 = tpu.vector_load %arg6[%get3A_975, %get3A_976] {strides = array<i32>} : memref<128x128xf32, #tpu.memory_space<vmem>>, vector<16xf32>,
        %sort3A_978 = arith.constant dense<true> : vector<16xi1>
        %sort3A_979, %sort3A_980, %sort3A_981 = tpu.sort %get3A_977, %get3A_977 masked %sort3A_978 : (vector<16xf32>, vector<16xf32>, vector<16xi1>) -> (vector<16xi1>, vector<16xf32>, vector<16xf32>)
        %rev3A_982 = arith.constant 15 : i32
        %rev3A_983 = vector.broadcast %rev3A_982 : i32 to vector<16xi32>
        %rev3A_984 = tpu.iota {dimensions = array<i32: 0>} : vector<16xi32>
        %rev3A_985 = arith.subi %rev3A_983, %rev3A_984 : vector<16xi32>
        %rev3A_986 = tpu.dynamic_gather %sort3A_980[%rev3A_985] in [0] : vector<16xf32>, vector<16xi32> -> vector<16xf32>
        %min3A_987 = arith.minimumf %sort3A_969, %rev3A_986 : vector<16xf32>
        %sort3A_988 = arith.constant dense<true> : vector<16xi1>
        %sort3A_989, %sort3A_990, %sort3A_991 = tpu.sort %min3A_987, %min3A_987 masked %sort3A_988 : (vector<16xf32>, vector<16xf32>, vector<16xi1>) -> (vector<16xi1>, vector<16xf32>, vector<16xf32>)
        %mul3A_992 = arith.constant 16 : i32
        %mul3A_993 = arith.muli %add3A_28, %mul3A_992 : i32
        %add3A_994 = arith.constant 5 : i32
        %add3A_995 = arith.addi %mul3A_993, %add3A_994 : i32
        %get3A_996 = arith.index_cast %add3A_995 : i32 to index
        %get3A_997 = arith.constant 96 : index
        %get3A_998 = tpu.vector_load %arg6[%get3A_996, %get3A_997] {strides = array<i32>} : memref<128x128xf32, #tpu.memory_space<vmem>>, vector<16xf32>,
        %sort3A_999 = arith.constant dense<true> : vector<16xi1>
        %sort3A_1000, %sort3A_1001, %sort3A_1002 = tpu.sort %get3A_998, %get3A_998 masked %sort3A_999 : (vector<16xf32>, vector<16xf32>, vector<16xi1>) -> (vector<16xi1>, vector<16xf32>, vector<16xf32>)
        %rev3A_1003 = arith.constant 15 : i32
        %rev3A_1004 = vector.broadcast %rev3A_1003 : i32 to vector<16xi32>
        %rev3A_1005 = tpu.iota {dimensions = array<i32: 0>} : vector<16xi32>
        %rev3A_1006 = arith.subi %rev3A_1004, %rev3A_1005 : vector<16xi32>
        %rev3A_1007 = tpu.dynamic_gather %sort3A_1001[%rev3A_1006] in [0] : vector<16xf32>, vector<16xi32> -> vector<16xf32>
        %min3A_1008 = arith.minimumf %sort3A_990, %rev3A_1007 : vector<16xf32>
        %sort3A_1009 = arith.constant dense<true> : vector<16xi1>
        %sort3A_1010, %sort3A_1011, %sort3A_1012 = tpu.sort %min3A_1008, %min3A_1008 masked %sort3A_1009 : (vector<16xf32>, vector<16xf32>, vector<16xi1>) -> (vector<16xi1>, vector<16xf32>, vector<16xf32>)
        %mul3A_1013 = arith.constant 16 : i32
        %mul3A_1014 = arith.muli %add3A_28, %mul3A_1013 : i32
        %add3A_1015 = arith.constant 5 : i32
        %add3A_1016 = arith.addi %mul3A_1014, %add3A_1015 : i32
        %get3A_1017 = arith.index_cast %add3A_1016 : i32 to index
        %get3A_1018 = arith.constant 112 : index
        %get3A_1019 = tpu.vector_load %arg6[%get3A_1017, %get3A_1018] {strides = array<i32>} : memref<128x128xf32, #tpu.memory_space<vmem>>, vector<16xf32>,
        %sort3A_1020 = arith.constant dense<true> : vector<16xi1>
        %sort3A_1021, %sort3A_1022, %sort3A_1023 = tpu.sort %get3A_1019, %get3A_1019 masked %sort3A_1020 : (vector<16xf32>, vector<16xf32>, vector<16xi1>) -> (vector<16xi1>, vector<16xf32>, vector<16xf32>)
        %rev3A_1024 = arith.constant 15 : i32
        %rev3A_1025 = vector.broadcast %rev3A_1024 : i32 to vector<16xi32>
        %rev3A_1026 = tpu.iota {dimensions = array<i32: 0>} : vector<16xi32>
        %rev3A_1027 = arith.subi %rev3A_1025, %rev3A_1026 : vector<16xi32>
        %rev3A_1028 = tpu.dynamic_gather %sort3A_1022[%rev3A_1027] in [0] : vector<16xf32>, vector<16xi32> -> vector<16xf32>
        %min3A_1029 = arith.minimumf %sort3A_1011, %rev3A_1028 : vector<16xf32>
        %sort3A_1030 = arith.constant dense<true> : vector<16xi1>
        %sort3A_1031, %sort3A_1032, %sort3A_1033 = tpu.sort %min3A_1029, %min3A_1029 masked %sort3A_1030 : (vector<16xf32>, vector<16xf32>, vector<16xi1>) -> (vector<16xi1>, vector<16xf32>, vector<16xf32>)
        %mul3A_1034 = arith.constant 16 : i32
        %mul3A_1035 = arith.muli %add3A_28, %mul3A_1034 : i32
        %add3A_1036 = arith.constant 6 : i32
        %add3A_1037 = arith.addi %mul3A_1035, %add3A_1036 : i32
        %get3A_1038 = arith.index_cast %add3A_1037 : i32 to index
        %get3A_1039 = arith.constant 0 : index
        %get3A_1040 = tpu.vector_load %arg6[%get3A_1038, %get3A_1039] {strides = array<i32>} : memref<128x128xf32, #tpu.memory_space<vmem>>, vector<16xf32>,
        %sort3A_1041 = arith.constant dense<true> : vector<16xi1>
        %sort3A_1042, %sort3A_1043, %sort3A_1044 = tpu.sort %get3A_1040, %get3A_1040 masked %sort3A_1041 : (vector<16xf32>, vector<16xf32>, vector<16xi1>) -> (vector<16xi1>, vector<16xf32>, vector<16xf32>)
        %rev3A_1045 = arith.constant 15 : i32
        %rev3A_1046 = vector.broadcast %rev3A_1045 : i32 to vector<16xi32>
        %rev3A_1047 = tpu.iota {dimensions = array<i32: 0>} : vector<16xi32>
        %rev3A_1048 = arith.subi %rev3A_1046, %rev3A_1047 : vector<16xi32>
        %rev3A_1049 = tpu.dynamic_gather %sort3A_1043[%rev3A_1048] in [0] : vector<16xf32>, vector<16xi32> -> vector<16xf32>
        %min3A_1050 = arith.minimumf %sort3A_1032, %rev3A_1049 : vector<16xf32>
        %sort3A_1051 = arith.constant dense<true> : vector<16xi1>
        %sort3A_1052, %sort3A_1053, %sort3A_1054 = tpu.sort %min3A_1050, %min3A_1050 masked %sort3A_1051 : (vector<16xf32>, vector<16xf32>, vector<16xi1>) -> (vector<16xi1>, vector<16xf32>, vector<16xf32>)
        %mul3A_1055 = arith.constant 16 : i32
        %mul3A_1056 = arith.muli %add3A_28, %mul3A_1055 : i32
        %add3A_1057 = arith.constant 6 : i32
        %add3A_1058 = arith.addi %mul3A_1056, %add3A_1057 : i32
        %get3A_1059 = arith.index_cast %add3A_1058 : i32 to index
        %get3A_1060 = arith.constant 16 : index
        %get3A_1061 = tpu.vector_load %arg6[%get3A_1059, %get3A_1060] {strides = array<i32>} : memref<128x128xf32, #tpu.memory_space<vmem>>, vector<16xf32>,
        %sort3A_1062 = arith.constant dense<true> : vector<16xi1>
        %sort3A_1063, %sort3A_1064, %sort3A_1065 = tpu.sort %get3A_1061, %get3A_1061 masked %sort3A_1062 : (vector<16xf32>, vector<16xf32>, vector<16xi1>) -> (vector<16xi1>, vector<16xf32>, vector<16xf32>)
        %rev3A_1066 = arith.constant 15 : i32
        %rev3A_1067 = vector.broadcast %rev3A_1066 : i32 to vector<16xi32>
        %rev3A_1068 = tpu.iota {dimensions = array<i32: 0>} : vector<16xi32>
        %rev3A_1069 = arith.subi %rev3A_1067, %rev3A_1068 : vector<16xi32>
        %rev3A_1070 = tpu.dynamic_gather %sort3A_1064[%rev3A_1069] in [0] : vector<16xf32>, vector<16xi32> -> vector<16xf32>
        %min3A_1071 = arith.minimumf %sort3A_1053, %rev3A_1070 : vector<16xf32>
        %sort3A_1072 = arith.constant dense<true> : vector<16xi1>
        %sort3A_1073, %sort3A_1074, %sort3A_1075 = tpu.sort %min3A_1071, %min3A_1071 masked %sort3A_1072 : (vector<16xf32>, vector<16xf32>, vector<16xi1>) -> (vector<16xi1>, vector<16xf32>, vector<16xf32>)
        %mul3A_1076 = arith.constant 16 : i32
        %mul3A_1077 = arith.muli %add3A_28, %mul3A_1076 : i32
        %add3A_1078 = arith.constant 6 : i32
        %add3A_1079 = arith.addi %mul3A_1077, %add3A_1078 : i32
        %get3A_1080 = arith.index_cast %add3A_1079 : i32 to index
        %get3A_1081 = arith.constant 32 : index
        %get3A_1082 = tpu.vector_load %arg6[%get3A_1080, %get3A_1081] {strides = array<i32>} : memref<128x128xf32, #tpu.memory_space<vmem>>, vector<16xf32>,
        %sort3A_1083 = arith.constant dense<true> : vector<16xi1>
        %sort3A_1084, %sort3A_1085, %sort3A_1086 = tpu.sort %get3A_1082, %get3A_1082 masked %sort3A_1083 : (vector<16xf32>, vector<16xf32>, vector<16xi1>) -> (vector<16xi1>, vector<16xf32>, vector<16xf32>)
        %rev3A_1087 = arith.constant 15 : i32
        %rev3A_1088 = vector.broadcast %rev3A_1087 : i32 to vector<16xi32>
        %rev3A_1089 = tpu.iota {dimensions = array<i32: 0>} : vector<16xi32>
        %rev3A_1090 = arith.subi %rev3A_1088, %rev3A_1089 : vector<16xi32>
        %rev3A_1091 = tpu.dynamic_gather %sort3A_1085[%rev3A_1090] in [0] : vector<16xf32>, vector<16xi32> -> vector<16xf32>
        %min3A_1092 = arith.minimumf %sort3A_1074, %rev3A_1091 : vector<16xf32>
        %sort3A_1093 = arith.constant dense<true> : vector<16xi1>
        %sort3A_1094, %sort3A_1095, %sort3A_1096 = tpu.sort %min3A_1092, %min3A_1092 masked %sort3A_1093 : (vector<16xf32>, vector<16xf32>, vector<16xi1>) -> (vector<16xi1>, vector<16xf32>, vector<16xf32>)
        %mul3A_1097 = arith.constant 16 : i32
        %mul3A_1098 = arith.muli %add3A_28, %mul3A_1097 : i32
        %add3A_1099 = arith.constant 6 : i32
        %add3A_1100 = arith.addi %mul3A_1098, %add3A_1099 : i32
        %get3A_1101 = arith.index_cast %add3A_1100 : i32 to index
        %get3A_1102 = arith.constant 48 : index
        %get3A_1103 = tpu.vector_load %arg6[%get3A_1101, %get3A_1102] {strides = array<i32>} : memref<128x128xf32, #tpu.memory_space<vmem>>, vector<16xf32>,
        %sort3A_1104 = arith.constant dense<true> : vector<16xi1>
        %sort3A_1105, %sort3A_1106, %sort3A_1107 = tpu.sort %get3A_1103, %get3A_1103 masked %sort3A_1104 : (vector<16xf32>, vector<16xf32>, vector<16xi1>) -> (vector<16xi1>, vector<16xf32>, vector<16xf32>)
        %rev3A_1108 = arith.constant 15 : i32
        %rev3A_1109 = vector.broadcast %rev3A_1108 : i32 to vector<16xi32>
        %rev3A_1110 = tpu.iota {dimensions = array<i32: 0>} : vector<16xi32>
        %rev3A_1111 = arith.subi %rev3A_1109, %rev3A_1110 : vector<16xi32>
        %rev3A_1112 = tpu.dynamic_gather %sort3A_1106[%rev3A_1111] in [0] : vector<16xf32>, vector<16xi32> -> vector<16xf32>
        %min3A_1113 = arith.minimumf %sort3A_1095, %rev3A_1112 : vector<16xf32>
        %sort3A_1114 = arith.constant dense<true> : vector<16xi1>
        %sort3A_1115, %sort3A_1116, %sort3A_1117 = tpu.sort %min3A_1113, %min3A_1113 masked %sort3A_1114 : (vector<16xf32>, vector<16xf32>, vector<16xi1>) -> (vector<16xi1>, vector<16xf32>, vector<16xf32>)
        %mul3A_1118 = arith.constant 16 : i32
        %mul3A_1119 = arith.muli %add3A_28, %mul3A_1118 : i32
        %add3A_1120 = arith.constant 6 : i32
        %add3A_1121 = arith.addi %mul3A_1119, %add3A_1120 : i32
        %get3A_1122 = arith.index_cast %add3A_1121 : i32 to index
        %get3A_1123 = arith.constant 64 : index
        %get3A_1124 = tpu.vector_load %arg6[%get3A_1122, %get3A_1123] {strides = array<i32>} : memref<128x128xf32, #tpu.memory_space<vmem>>, vector<16xf32>,
        %sort3A_1125 = arith.constant dense<true> : vector<16xi1>
        %sort3A_1126, %sort3A_1127, %sort3A_1128 = tpu.sort %get3A_1124, %get3A_1124 masked %sort3A_1125 : (vector<16xf32>, vector<16xf32>, vector<16xi1>) -> (vector<16xi1>, vector<16xf32>, vector<16xf32>)
        %rev3A_1129 = arith.constant 15 : i32
        %rev3A_1130 = vector.broadcast %rev3A_1129 : i32 to vector<16xi32>
        %rev3A_1131 = tpu.iota {dimensions = array<i32: 0>} : vector<16xi32>
        %rev3A_1132 = arith.subi %rev3A_1130, %rev3A_1131 : vector<16xi32>
        %rev3A_1133 = tpu.dynamic_gather %sort3A_1127[%rev3A_1132] in [0] : vector<16xf32>, vector<16xi32> -> vector<16xf32>
        %min3A_1134 = arith.minimumf %sort3A_1116, %rev3A_1133 : vector<16xf32>
        %sort3A_1135 = arith.constant dense<true> : vector<16xi1>
        %sort3A_1136, %sort3A_1137, %sort3A_1138 = tpu.sort %min3A_1134, %min3A_1134 masked %sort3A_1135 : (vector<16xf32>, vector<16xf32>, vector<16xi1>) -> (vector<16xi1>, vector<16xf32>, vector<16xf32>)
        %mul3A_1139 = arith.constant 16 : i32
        %mul3A_1140 = arith.muli %add3A_28, %mul3A_1139 : i32
        %add3A_1141 = arith.constant 6 : i32
        %add3A_1142 = arith.addi %mul3A_1140, %add3A_1141 : i32
        %get3A_1143 = arith.index_cast %add3A_1142 : i32 to index
        %get3A_1144 = arith.constant 80 : index
        %get3A_1145 = tpu.vector_load %arg6[%get3A_1143, %get3A_1144] {strides = array<i32>} : memref<128x128xf32, #tpu.memory_space<vmem>>, vector<16xf32>,
        %sort3A_1146 = arith.constant dense<true> : vector<16xi1>
        %sort3A_1147, %sort3A_1148, %sort3A_1149 = tpu.sort %get3A_1145, %get3A_1145 masked %sort3A_1146 : (vector<16xf32>, vector<16xf32>, vector<16xi1>) -> (vector<16xi1>, vector<16xf32>, vector<16xf32>)
        %rev3A_1150 = arith.constant 15 : i32
        %rev3A_1151 = vector.broadcast %rev3A_1150 : i32 to vector<16xi32>
        %rev3A_1152 = tpu.iota {dimensions = array<i32: 0>} : vector<16xi32>
        %rev3A_1153 = arith.subi %rev3A_1151, %rev3A_1152 : vector<16xi32>
        %rev3A_1154 = tpu.dynamic_gather %sort3A_1148[%rev3A_1153] in [0] : vector<16xf32>, vector<16xi32> -> vector<16xf32>
        %min3A_1155 = arith.minimumf %sort3A_1137, %rev3A_1154 : vector<16xf32>
        %sort3A_1156 = arith.constant dense<true> : vector<16xi1>
        %sort3A_1157, %sort3A_1158, %sort3A_1159 = tpu.sort %min3A_1155, %min3A_1155 masked %sort3A_1156 : (vector<16xf32>, vector<16xf32>, vector<16xi1>) -> (vector<16xi1>, vector<16xf32>, vector<16xf32>)
        %mul3A_1160 = arith.constant 16 : i32
        %mul3A_1161 = arith.muli %add3A_28, %mul3A_1160 : i32
        %add3A_1162 = arith.constant 6 : i32
        %add3A_1163 = arith.addi %mul3A_1161, %add3A_1162 : i32
        %get3A_1164 = arith.index_cast %add3A_1163 : i32 to index
        %get3A_1165 = arith.constant 96 : index
        %get3A_1166 = tpu.vector_load %arg6[%get3A_1164, %get3A_1165] {strides = array<i32>} : memref<128x128xf32, #tpu.memory_space<vmem>>, vector<16xf32>,
        %sort3A_1167 = arith.constant dense<true> : vector<16xi1>
        %sort3A_1168, %sort3A_1169, %sort3A_1170 = tpu.sort %get3A_1166, %get3A_1166 masked %sort3A_1167 : (vector<16xf32>, vector<16xf32>, vector<16xi1>) -> (vector<16xi1>, vector<16xf32>, vector<16xf32>)
        %rev3A_1171 = arith.constant 15 : i32
        %rev3A_1172 = vector.broadcast %rev3A_1171 : i32 to vector<16xi32>
        %rev3A_1173 = tpu.iota {dimensions = array<i32: 0>} : vector<16xi32>
        %rev3A_1174 = arith.subi %rev3A_1172, %rev3A_1173 : vector<16xi32>
        %rev3A_1175 = tpu.dynamic_gather %sort3A_1169[%rev3A_1174] in [0] : vector<16xf32>, vector<16xi32> -> vector<16xf32>
        %min3A_1176 = arith.minimumf %sort3A_1158, %rev3A_1175 : vector<16xf32>
        %sort3A_1177 = arith.constant dense<true> : vector<16xi1>
        %sort3A_1178, %sort3A_1179, %sort3A_1180 = tpu.sort %min3A_1176, %min3A_1176 masked %sort3A_1177 : (vector<16xf32>, vector<16xf32>, vector<16xi1>) -> (vector<16xi1>, vector<16xf32>, vector<16xf32>)
        %mul3A_1181 = arith.constant 16 : i32
        %mul3A_1182 = arith.muli %add3A_28, %mul3A_1181 : i32
        %add3A_1183 = arith.constant 6 : i32
        %add3A_1184 = arith.addi %mul3A_1182, %add3A_1183 : i32
        %get3A_1185 = arith.index_cast %add3A_1184 : i32 to index
        %get3A_1186 = arith.constant 112 : index
        %get3A_1187 = tpu.vector_load %arg6[%get3A_1185, %get3A_1186] {strides = array<i32>} : memref<128x128xf32, #tpu.memory_space<vmem>>, vector<16xf32>,
        %sort3A_1188 = arith.constant dense<true> : vector<16xi1>
        %sort3A_1189, %sort3A_1190, %sort3A_1191 = tpu.sort %get3A_1187, %get3A_1187 masked %sort3A_1188 : (vector<16xf32>, vector<16xf32>, vector<16xi1>) -> (vector<16xi1>, vector<16xf32>, vector<16xf32>)
        %rev3A_1192 = arith.constant 15 : i32
        %rev3A_1193 = vector.broadcast %rev3A_1192 : i32 to vector<16xi32>
        %rev3A_1194 = tpu.iota {dimensions = array<i32: 0>} : vector<16xi32>
        %rev3A_1195 = arith.subi %rev3A_1193, %rev3A_1194 : vector<16xi32>
        %rev3A_1196 = tpu.dynamic_gather %sort3A_1190[%rev3A_1195] in [0] : vector<16xf32>, vector<16xi32> -> vector<16xf32>
        %min3A_1197 = arith.minimumf %sort3A_1179, %rev3A_1196 : vector<16xf32>
        %sort3A_1198 = arith.constant dense<true> : vector<16xi1>
        %sort3A_1199, %sort3A_1200, %sort3A_1201 = tpu.sort %min3A_1197, %min3A_1197 masked %sort3A_1198 : (vector<16xf32>, vector<16xf32>, vector<16xi1>) -> (vector<16xi1>, vector<16xf32>, vector<16xf32>)
        %mul3A_1202 = arith.constant 16 : i32
        %mul3A_1203 = arith.muli %add3A_28, %mul3A_1202 : i32
        %add3A_1204 = arith.constant 7 : i32
        %add3A_1205 = arith.addi %mul3A_1203, %add3A_1204 : i32
        %get3A_1206 = arith.index_cast %add3A_1205 : i32 to index
        %get3A_1207 = arith.constant 0 : index
        %get3A_1208 = tpu.vector_load %arg6[%get3A_1206, %get3A_1207] {strides = array<i32>} : memref<128x128xf32, #tpu.memory_space<vmem>>, vector<16xf32>,
        %sort3A_1209 = arith.constant dense<true> : vector<16xi1>
        %sort3A_1210, %sort3A_1211, %sort3A_1212 = tpu.sort %get3A_1208, %get3A_1208 masked %sort3A_1209 : (vector<16xf32>, vector<16xf32>, vector<16xi1>) -> (vector<16xi1>, vector<16xf32>, vector<16xf32>)
        %rev3A_1213 = arith.constant 15 : i32
        %rev3A_1214 = vector.broadcast %rev3A_1213 : i32 to vector<16xi32>
        %rev3A_1215 = tpu.iota {dimensions = array<i32: 0>} : vector<16xi32>
        %rev3A_1216 = arith.subi %rev3A_1214, %rev3A_1215 : vector<16xi32>
        %rev3A_1217 = tpu.dynamic_gather %sort3A_1211[%rev3A_1216] in [0] : vector<16xf32>, vector<16xi32> -> vector<16xf32>
        %min3A_1218 = arith.minimumf %sort3A_1200, %rev3A_1217 : vector<16xf32>
        %sort3A_1219 = arith.constant dense<true> : vector<16xi1>
        %sort3A_1220, %sort3A_1221, %sort3A_1222 = tpu.sort %min3A_1218, %min3A_1218 masked %sort3A_1219 : (vector<16xf32>, vector<16xf32>, vector<16xi1>) -> (vector<16xi1>, vector<16xf32>, vector<16xf32>)
        %mul3A_1223 = arith.constant 16 : i32
        %mul3A_1224 = arith.muli %add3A_28, %mul3A_1223 : i32
        %add3A_1225 = arith.constant 7 : i32
        %add3A_1226 = arith.addi %mul3A_1224, %add3A_1225 : i32
        %get3A_1227 = arith.index_cast %add3A_1226 : i32 to index
        %get3A_1228 = arith.constant 16 : index
        %get3A_1229 = tpu.vector_load %arg6[%get3A_1227, %get3A_1228] {strides = array<i32>} : memref<128x128xf32, #tpu.memory_space<vmem>>, vector<16xf32>,
        %sort3A_1230 = arith.constant dense<true> : vector<16xi1>
        %sort3A_1231, %sort3A_1232, %sort3A_1233 = tpu.sort %get3A_1229, %get3A_1229 masked %sort3A_1230 : (vector<16xf32>, vector<16xf32>, vector<16xi1>) -> (vector<16xi1>, vector<16xf32>, vector<16xf32>)
        %rev3A_1234 = arith.constant 15 : i32
        %rev3A_1235 = vector.broadcast %rev3A_1234 : i32 to vector<16xi32>
        %rev3A_1236 = tpu.iota {dimensions = array<i32: 0>} : vector<16xi32>
        %rev3A_1237 = arith.subi %rev3A_1235, %rev3A_1236 : vector<16xi32>
        %rev3A_1238 = tpu.dynamic_gather %sort3A_1232[%rev3A_1237] in [0] : vector<16xf32>, vector<16xi32> -> vector<16xf32>
        %min3A_1239 = arith.minimumf %sort3A_1221, %rev3A_1238 : vector<16xf32>
        %sort3A_1240 = arith.constant dense<true> : vector<16xi1>
        %sort3A_1241, %sort3A_1242, %sort3A_1243 = tpu.sort %min3A_1239, %min3A_1239 masked %sort3A_1240 : (vector<16xf32>, vector<16xf32>, vector<16xi1>) -> (vector<16xi1>, vector<16xf32>, vector<16xf32>)
        %mul3A_1244 = arith.constant 16 : i32
        %mul3A_1245 = arith.muli %add3A_28, %mul3A_1244 : i32
        %add3A_1246 = arith.constant 7 : i32
        %add3A_1247 = arith.addi %mul3A_1245, %add3A_1246 : i32
        %get3A_1248 = arith.index_cast %add3A_1247 : i32 to index
        %get3A_1249 = arith.constant 32 : index
        %get3A_1250 = tpu.vector_load %arg6[%get3A_1248, %get3A_1249] {strides = array<i32>} : memref<128x128xf32, #tpu.memory_space<vmem>>, vector<16xf32>,
        %sort3A_1251 = arith.constant dense<true> : vector<16xi1>
        %sort3A_1252, %sort3A_1253, %sort3A_1254 = tpu.sort %get3A_1250, %get3A_1250 masked %sort3A_1251 : (vector<16xf32>, vector<16xf32>, vector<16xi1>) -> (vector<16xi1>, vector<16xf32>, vector<16xf32>)
        %rev3A_1255 = arith.constant 15 : i32
        %rev3A_1256 = vector.broadcast %rev3A_1255 : i32 to vector<16xi32>
        %rev3A_1257 = tpu.iota {dimensions = array<i32: 0>} : vector<16xi32>
        %rev3A_1258 = arith.subi %rev3A_1256, %rev3A_1257 : vector<16xi32>
        %rev3A_1259 = tpu.dynamic_gather %sort3A_1253[%rev3A_1258] in [0] : vector<16xf32>, vector<16xi32> -> vector<16xf32>
        %min3A_1260 = arith.minimumf %sort3A_1242, %rev3A_1259 : vector<16xf32>
        %sort3A_1261 = arith.constant dense<true> : vector<16xi1>
        %sort3A_1262, %sort3A_1263, %sort3A_1264 = tpu.sort %min3A_1260, %min3A_1260 masked %sort3A_1261 : (vector<16xf32>, vector<16xf32>, vector<16xi1>) -> (vector<16xi1>, vector<16xf32>, vector<16xf32>)
        %mul3A_1265 = arith.constant 16 : i32
        %mul3A_1266 = arith.muli %add3A_28, %mul3A_1265 : i32
        %add3A_1267 = arith.constant 7 : i32
        %add3A_1268 = arith.addi %mul3A_1266, %add3A_1267 : i32
        %get3A_1269 = arith.index_cast %add3A_1268 : i32 to index
        %get3A_1270 = arith.constant 48 : index
        %get3A_1271 = tpu.vector_load %arg6[%get3A_1269, %get3A_1270] {strides = array<i32>} : memref<128x128xf32, #tpu.memory_space<vmem>>, vector<16xf32>,
        %sort3A_1272 = arith.constant dense<true> : vector<16xi1>
        %sort3A_1273, %sort3A_1274, %sort3A_1275 = tpu.sort %get3A_1271, %get3A_1271 masked %sort3A_1272 : (vector<16xf32>, vector<16xf32>, vector<16xi1>) -> (vector<16xi1>, vector<16xf32>, vector<16xf32>)
        %rev3A_1276 = arith.constant 15 : i32
        %rev3A_1277 = vector.broadcast %rev3A_1276 : i32 to vector<16xi32>
        %rev3A_1278 = tpu.iota {dimensions = array<i32: 0>} : vector<16xi32>
        %rev3A_1279 = arith.subi %rev3A_1277, %rev3A_1278 : vector<16xi32>
        %rev3A_1280 = tpu.dynamic_gather %sort3A_1274[%rev3A_1279] in [0] : vector<16xf32>, vector<16xi32> -> vector<16xf32>
        %min3A_1281 = arith.minimumf %sort3A_1263, %rev3A_1280 : vector<16xf32>
        %sort3A_1282 = arith.constant dense<true> : vector<16xi1>
        %sort3A_1283, %sort3A_1284, %sort3A_1285 = tpu.sort %min3A_1281, %min3A_1281 masked %sort3A_1282 : (vector<16xf32>, vector<16xf32>, vector<16xi1>) -> (vector<16xi1>, vector<16xf32>, vector<16xf32>)
        %mul3A_1286 = arith.constant 16 : i32
        %mul3A_1287 = arith.muli %add3A_28, %mul3A_1286 : i32
        %add3A_1288 = arith.constant 7 : i32
        %add3A_1289 = arith.addi %mul3A_1287, %add3A_1288 : i32
        %get3A_1290 = arith.index_cast %add3A_1289 : i32 to index
        %get3A_1291 = arith.constant 64 : index
        %get3A_1292 = tpu.vector_load %arg6[%get3A_1290, %get3A_1291] {strides = array<i32>} : memref<128x128xf32, #tpu.memory_space<vmem>>, vector<16xf32>,
        %sort3A_1293 = arith.constant dense<true> : vector<16xi1>
        %sort3A_1294, %sort3A_1295, %sort3A_1296 = tpu.sort %get3A_1292, %get3A_1292 masked %sort3A_1293 : (vector<16xf32>, vector<16xf32>, vector<16xi1>) -> (vector<16xi1>, vector<16xf32>, vector<16xf32>)
        %rev3A_1297 = arith.constant 15 : i32
        %rev3A_1298 = vector.broadcast %rev3A_1297 : i32 to vector<16xi32>
        %rev3A_1299 = tpu.iota {dimensions = array<i32: 0>} : vector<16xi32>
        %rev3A_1300 = arith.subi %rev3A_1298, %rev3A_1299 : vector<16xi32>
        %rev3A_1301 = tpu.dynamic_gather %sort3A_1295[%rev3A_1300] in [0] : vector<16xf32>, vector<16xi32> -> vector<16xf32>
        %min3A_1302 = arith.minimumf %sort3A_1284, %rev3A_1301 : vector<16xf32>
        %sort3A_1303 = arith.constant dense<true> : vector<16xi1>
        %sort3A_1304, %sort3A_1305, %sort3A_1306 = tpu.sort %min3A_1302, %min3A_1302 masked %sort3A_1303 : (vector<16xf32>, vector<16xf32>, vector<16xi1>) -> (vector<16xi1>, vector<16xf32>, vector<16xf32>)
        %mul3A_1307 = arith.constant 16 : i32
        %mul3A_1308 = arith.muli %add3A_28, %mul3A_1307 : i32
        %add3A_1309 = arith.constant 7 : i32
        %add3A_1310 = arith.addi %mul3A_1308, %add3A_1309 : i32
        %get3A_1311 = arith.index_cast %add3A_1310 : i32 to index
        %get3A_1312 = arith.constant 80 : index
        %get3A_1313 = tpu.vector_load %arg6[%get3A_1311, %get3A_1312] {strides = array<i32>} : memref<128x128xf32, #tpu.memory_space<vmem>>, vector<16xf32>,
        %sort3A_1314 = arith.constant dense<true> : vector<16xi1>
        %sort3A_1315, %sort3A_1316, %sort3A_1317 = tpu.sort %get3A_1313, %get3A_1313 masked %sort3A_1314 : (vector<16xf32>, vector<16xf32>, vector<16xi1>) -> (vector<16xi1>, vector<16xf32>, vector<16xf32>)
        %rev3A_1318 = arith.constant 15 : i32
        %rev3A_1319 = vector.broadcast %rev3A_1318 : i32 to vector<16xi32>
        %rev3A_1320 = tpu.iota {dimensions = array<i32: 0>} : vector<16xi32>
        %rev3A_1321 = arith.subi %rev3A_1319, %rev3A_1320 : vector<16xi32>
        %rev3A_1322 = tpu.dynamic_gather %sort3A_1316[%rev3A_1321] in [0] : vector<16xf32>, vector<16xi32> -> vector<16xf32>
        %min3A_1323 = arith.minimumf %sort3A_1305, %rev3A_1322 : vector<16xf32>
        %sort3A_1324 = arith.constant dense<true> : vector<16xi1>
        %sort3A_1325, %sort3A_1326, %sort3A_1327 = tpu.sort %min3A_1323, %min3A_1323 masked %sort3A_1324 : (vector<16xf32>, vector<16xf32>, vector<16xi1>) -> (vector<16xi1>, vector<16xf32>, vector<16xf32>)
        %mul3A_1328 = arith.constant 16 : i32
        %mul3A_1329 = arith.muli %add3A_28, %mul3A_1328 : i32
        %add3A_1330 = arith.constant 7 : i32
        %add3A_1331 = arith.addi %mul3A_1329, %add3A_1330 : i32
        %get3A_1332 = arith.index_cast %add3A_1331 : i32 to index
        %get3A_1333 = arith.constant 96 : index
        %get3A_1334 = tpu.vector_load %arg6[%get3A_1332, %get3A_1333] {strides = array<i32>} : memref<128x128xf32, #tpu.memory_space<vmem>>, vector<16xf32>,
        %sort3A_1335 = arith.constant dense<true> : vector<16xi1>
        %sort3A_1336, %sort3A_1337, %sort3A_1338 = tpu.sort %get3A_1334, %get3A_1334 masked %sort3A_1335 : (vector<16xf32>, vector<16xf32>, vector<16xi1>) -> (vector<16xi1>, vector<16xf32>, vector<16xf32>)
        %rev3A_1339 = arith.constant 15 : i32
        %rev3A_1340 = vector.broadcast %rev3A_1339 : i32 to vector<16xi32>
        %rev3A_1341 = tpu.iota {dimensions = array<i32: 0>} : vector<16xi32>
        %rev3A_1342 = arith.subi %rev3A_1340, %rev3A_1341 : vector<16xi32>
        %rev3A_1343 = tpu.dynamic_gather %sort3A_1337[%rev3A_1342] in [0] : vector<16xf32>, vector<16xi32> -> vector<16xf32>
        %min3A_1344 = arith.minimumf %sort3A_1326, %rev3A_1343 : vector<16xf32>
        %sort3A_1345 = arith.constant dense<true> : vector<16xi1>
        %sort3A_1346, %sort3A_1347, %sort3A_1348 = tpu.sort %min3A_1344, %min3A_1344 masked %sort3A_1345 : (vector<16xf32>, vector<16xf32>, vector<16xi1>) -> (vector<16xi1>, vector<16xf32>, vector<16xf32>)
        %mul3A_1349 = arith.constant 16 : i32
        %mul3A_1350 = arith.muli %add3A_28, %mul3A_1349 : i32
        %add3A_1351 = arith.constant 7 : i32
        %add3A_1352 = arith.addi %mul3A_1350, %add3A_1351 : i32
        %get3A_1353 = arith.index_cast %add3A_1352 : i32 to index
        %get3A_1354 = arith.constant 112 : index
        %get3A_1355 = tpu.vector_load %arg6[%get3A_1353, %get3A_1354] {strides = array<i32>} : memref<128x128xf32, #tpu.memory_space<vmem>>, vector<16xf32>,
        %sort3A_1356 = arith.constant dense<true> : vector<16xi1>
        %sort3A_1357, %sort3A_1358, %sort3A_1359 = tpu.sort %get3A_1355, %get3A_1355 masked %sort3A_1356 : (vector<16xf32>, vector<16xf32>, vector<16xi1>) -> (vector<16xi1>, vector<16xf32>, vector<16xf32>)
        %rev3A_1360 = arith.constant 15 : i32
        %rev3A_1361 = vector.broadcast %rev3A_1360 : i32 to vector<16xi32>
        %rev3A_1362 = tpu.iota {dimensions = array<i32: 0>} : vector<16xi32>
        %rev3A_1363 = arith.subi %rev3A_1361, %rev3A_1362 : vector<16xi32>
        %rev3A_1364 = tpu.dynamic_gather %sort3A_1358[%rev3A_1363] in [0] : vector<16xf32>, vector<16xi32> -> vector<16xf32>
        %min3A_1365 = arith.minimumf %sort3A_1347, %rev3A_1364 : vector<16xf32>
        %sort3A_1366 = arith.constant dense<true> : vector<16xi1>
        %sort3A_1367, %sort3A_1368, %sort3A_1369 = tpu.sort %min3A_1365, %min3A_1365 masked %sort3A_1366 : (vector<16xf32>, vector<16xf32>, vector<16xi1>) -> (vector<16xi1>, vector<16xf32>, vector<16xf32>)
        %mul3A_1370 = arith.constant 16 : i32
        %mul3A_1371 = arith.muli %add3A_28, %mul3A_1370 : i32
        %add3A_1372 = arith.constant 8 : i32
        %add3A_1373 = arith.addi %mul3A_1371, %add3A_1372 : i32
        %get3A_1374 = arith.index_cast %add3A_1373 : i32 to index
        %get3A_1375 = arith.constant 0 : index
        %get3A_1376 = tpu.vector_load %arg6[%get3A_1374, %get3A_1375] {strides = array<i32>} : memref<128x128xf32, #tpu.memory_space<vmem>>, vector<16xf32>,
        %sort3A_1377 = arith.constant dense<true> : vector<16xi1>
        %sort3A_1378, %sort3A_1379, %sort3A_1380 = tpu.sort %get3A_1376, %get3A_1376 masked %sort3A_1377 : (vector<16xf32>, vector<16xf32>, vector<16xi1>) -> (vector<16xi1>, vector<16xf32>, vector<16xf32>)
        %rev3A_1381 = arith.constant 15 : i32
        %rev3A_1382 = vector.broadcast %rev3A_1381 : i32 to vector<16xi32>
        %rev3A_1383 = tpu.iota {dimensions = array<i32: 0>} : vector<16xi32>
        %rev3A_1384 = arith.subi %rev3A_1382, %rev3A_1383 : vector<16xi32>
        %rev3A_1385 = tpu.dynamic_gather %sort3A_1379[%rev3A_1384] in [0] : vector<16xf32>, vector<16xi32> -> vector<16xf32>
        %min3A_1386 = arith.minimumf %sort3A_1368, %rev3A_1385 : vector<16xf32>
        %sort3A_1387 = arith.constant dense<true> : vector<16xi1>
        %sort3A_1388, %sort3A_1389, %sort3A_1390 = tpu.sort %min3A_1386, %min3A_1386 masked %sort3A_1387 : (vector<16xf32>, vector<16xf32>, vector<16xi1>) -> (vector<16xi1>, vector<16xf32>, vector<16xf32>)
        %mul3A_1391 = arith.constant 16 : i32
        %mul3A_1392 = arith.muli %add3A_28, %mul3A_1391 : i32
        %add3A_1393 = arith.constant 8 : i32
        %add3A_1394 = arith.addi %mul3A_1392, %add3A_1393 : i32
        %get3A_1395 = arith.index_cast %add3A_1394 : i32 to index
        %get3A_1396 = arith.constant 16 : index
        %get3A_1397 = tpu.vector_load %arg6[%get3A_1395, %get3A_1396] {strides = array<i32>} : memref<128x128xf32, #tpu.memory_space<vmem>>, vector<16xf32>,
        %sort3A_1398 = arith.constant dense<true> : vector<16xi1>
        %sort3A_1399, %sort3A_1400, %sort3A_1401 = tpu.sort %get3A_1397, %get3A_1397 masked %sort3A_1398 : (vector<16xf32>, vector<16xf32>, vector<16xi1>) -> (vector<16xi1>, vector<16xf32>, vector<16xf32>)
        %rev3A_1402 = arith.constant 15 : i32
        %rev3A_1403 = vector.broadcast %rev3A_1402 : i32 to vector<16xi32>
        %rev3A_1404 = tpu.iota {dimensions = array<i32: 0>} : vector<16xi32>
        %rev3A_1405 = arith.subi %rev3A_1403, %rev3A_1404 : vector<16xi32>
        %rev3A_1406 = tpu.dynamic_gather %sort3A_1400[%rev3A_1405] in [0] : vector<16xf32>, vector<16xi32> -> vector<16xf32>
        %min3A_1407 = arith.minimumf %sort3A_1389, %rev3A_1406 : vector<16xf32>
        %sort3A_1408 = arith.constant dense<true> : vector<16xi1>
        %sort3A_1409, %sort3A_1410, %sort3A_1411 = tpu.sort %min3A_1407, %min3A_1407 masked %sort3A_1408 : (vector<16xf32>, vector<16xf32>, vector<16xi1>) -> (vector<16xi1>, vector<16xf32>, vector<16xf32>)
        %mul3A_1412 = arith.constant 16 : i32
        %mul3A_1413 = arith.muli %add3A_28, %mul3A_1412 : i32
        %add3A_1414 = arith.constant 8 : i32
        %add3A_1415 = arith.addi %mul3A_1413, %add3A_1414 : i32
        %get3A_1416 = arith.index_cast %add3A_1415 : i32 to index
        %get3A_1417 = arith.constant 32 : index
        %get3A_1418 = tpu.vector_load %arg6[%get3A_1416, %get3A_1417] {strides = array<i32>} : memref<128x128xf32, #tpu.memory_space<vmem>>, vector<16xf32>,
        %sort3A_1419 = arith.constant dense<true> : vector<16xi1>
        %sort3A_1420, %sort3A_1421, %sort3A_1422 = tpu.sort %get3A_1418, %get3A_1418 masked %sort3A_1419 : (vector<16xf32>, vector<16xf32>, vector<16xi1>) -> (vector<16xi1>, vector<16xf32>, vector<16xf32>)
        %rev3A_1423 = arith.constant 15 : i32
        %rev3A_1424 = vector.broadcast %rev3A_1423 : i32 to vector<16xi32>
        %rev3A_1425 = tpu.iota {dimensions = array<i32: 0>} : vector<16xi32>
        %rev3A_1426 = arith.subi %rev3A_1424, %rev3A_1425 : vector<16xi32>
        %rev3A_1427 = tpu.dynamic_gather %sort3A_1421[%rev3A_1426] in [0] : vector<16xf32>, vector<16xi32> -> vector<16xf32>
        %min3A_1428 = arith.minimumf %sort3A_1410, %rev3A_1427 : vector<16xf32>
        %sort3A_1429 = arith.constant dense<true> : vector<16xi1>
        %sort3A_1430, %sort3A_1431, %sort3A_1432 = tpu.sort %min3A_1428, %min3A_1428 masked %sort3A_1429 : (vector<16xf32>, vector<16xf32>, vector<16xi1>) -> (vector<16xi1>, vector<16xf32>, vector<16xf32>)
        %mul3A_1433 = arith.constant 16 : i32
        %mul3A_1434 = arith.muli %add3A_28, %mul3A_1433 : i32
        %add3A_1435 = arith.constant 8 : i32
        %add3A_1436 = arith.addi %mul3A_1434, %add3A_1435 : i32
        %get3A_1437 = arith.index_cast %add3A_1436 : i32 to index
        %get3A_1438 = arith.constant 48 : index
        %get3A_1439 = tpu.vector_load %arg6[%get3A_1437, %get3A_1438] {strides = array<i32>} : memref<128x128xf32, #tpu.memory_space<vmem>>, vector<16xf32>,
        %sort3A_1440 = arith.constant dense<true> : vector<16xi1>
        %sort3A_1441, %sort3A_1442, %sort3A_1443 = tpu.sort %get3A_1439, %get3A_1439 masked %sort3A_1440 : (vector<16xf32>, vector<16xf32>, vector<16xi1>) -> (vector<16xi1>, vector<16xf32>, vector<16xf32>)
        %rev3A_1444 = arith.constant 15 : i32
        %rev3A_1445 = vector.broadcast %rev3A_1444 : i32 to vector<16xi32>
        %rev3A_1446 = tpu.iota {dimensions = array<i32: 0>} : vector<16xi32>
        %rev3A_1447 = arith.subi %rev3A_1445, %rev3A_1446 : vector<16xi32>
        %rev3A_1448 = tpu.dynamic_gather %sort3A_1442[%rev3A_1447] in [0] : vector<16xf32>, vector<16xi32> -> vector<16xf32>
        %min3A_1449 = arith.minimumf %sort3A_1431, %rev3A_1448 : vector<16xf32>
        %sort3A_1450 = arith.constant dense<true> : vector<16xi1>
        %sort3A_1451, %sort3A_1452, %sort3A_1453 = tpu.sort %min3A_1449, %min3A_1449 masked %sort3A_1450 : (vector<16xf32>, vector<16xf32>, vector<16xi1>) -> (vector<16xi1>, vector<16xf32>, vector<16xf32>)
        %mul3A_1454 = arith.constant 16 : i32
        %mul3A_1455 = arith.muli %add3A_28, %mul3A_1454 : i32
        %add3A_1456 = arith.constant 8 : i32
        %add3A_1457 = arith.addi %mul3A_1455, %add3A_1456 : i32
        %get3A_1458 = arith.index_cast %add3A_1457 : i32 to index
        %get3A_1459 = arith.constant 64 : index
        %get3A_1460 = tpu.vector_load %arg6[%get3A_1458, %get3A_1459] {strides = array<i32>} : memref<128x128xf32, #tpu.memory_space<vmem>>, vector<16xf32>,
        %sort3A_1461 = arith.constant dense<true> : vector<16xi1>
        %sort3A_1462, %sort3A_1463, %sort3A_1464 = tpu.sort %get3A_1460, %get3A_1460 masked %sort3A_1461 : (vector<16xf32>, vector<16xf32>, vector<16xi1>) -> (vector<16xi1>, vector<16xf32>, vector<16xf32>)
        %rev3A_1465 = arith.constant 15 : i32
        %rev3A_1466 = vector.broadcast %rev3A_1465 : i32 to vector<16xi32>
        %rev3A_1467 = tpu.iota {dimensions = array<i32: 0>} : vector<16xi32>
        %rev3A_1468 = arith.subi %rev3A_1466, %rev3A_1467 : vector<16xi32>
        %rev3A_1469 = tpu.dynamic_gather %sort3A_1463[%rev3A_1468] in [0] : vector<16xf32>, vector<16xi32> -> vector<16xf32>
        %min3A_1470 = arith.minimumf %sort3A_1452, %rev3A_1469 : vector<16xf32>
        %sort3A_1471 = arith.constant dense<true> : vector<16xi1>
        %sort3A_1472, %sort3A_1473, %sort3A_1474 = tpu.sort %min3A_1470, %min3A_1470 masked %sort3A_1471 : (vector<16xf32>, vector<16xf32>, vector<16xi1>) -> (vector<16xi1>, vector<16xf32>, vector<16xf32>)
        %mul3A_1475 = arith.constant 16 : i32
        %mul3A_1476 = arith.muli %add3A_28, %mul3A_1475 : i32
        %add3A_1477 = arith.constant 8 : i32
        %add3A_1478 = arith.addi %mul3A_1476, %add3A_1477 : i32
        %get3A_1479 = arith.index_cast %add3A_1478 : i32 to index
        %get3A_1480 = arith.constant 80 : index
        %get3A_1481 = tpu.vector_load %arg6[%get3A_1479, %get3A_1480] {strides = array<i32>} : memref<128x128xf32, #tpu.memory_space<vmem>>, vector<16xf32>,
        %sort3A_1482 = arith.constant dense<true> : vector<16xi1>
        %sort3A_1483, %sort3A_1484, %sort3A_1485 = tpu.sort %get3A_1481, %get3A_1481 masked %sort3A_1482 : (vector<16xf32>, vector<16xf32>, vector<16xi1>) -> (vector<16xi1>, vector<16xf32>, vector<16xf32>)
        %rev3A_1486 = arith.constant 15 : i32
        %rev3A_1487 = vector.broadcast %rev3A_1486 : i32 to vector<16xi32>
        %rev3A_1488 = tpu.iota {dimensions = array<i32: 0>} : vector<16xi32>
        %rev3A_1489 = arith.subi %rev3A_1487, %rev3A_1488 : vector<16xi32>
        %rev3A_1490 = tpu.dynamic_gather %sort3A_1484[%rev3A_1489] in [0] : vector<16xf32>, vector<16xi32> -> vector<16xf32>
        %min3A_1491 = arith.minimumf %sort3A_1473, %rev3A_1490 : vector<16xf32>
        %sort3A_1492 = arith.constant dense<true> : vector<16xi1>
        %sort3A_1493, %sort3A_1494, %sort3A_1495 = tpu.sort %min3A_1491, %min3A_1491 masked %sort3A_1492 : (vector<16xf32>, vector<16xf32>, vector<16xi1>) -> (vector<16xi1>, vector<16xf32>, vector<16xf32>)
        %mul3A_1496 = arith.constant 16 : i32
        %mul3A_1497 = arith.muli %add3A_28, %mul3A_1496 : i32
        %add3A_1498 = arith.constant 8 : i32
        %add3A_1499 = arith.addi %mul3A_1497, %add3A_1498 : i32
        %get3A_1500 = arith.index_cast %add3A_1499 : i32 to index
        %get3A_1501 = arith.constant 96 : index
        %get3A_1502 = tpu.vector_load %arg6[%get3A_1500, %get3A_1501] {strides = array<i32>} : memref<128x128xf32, #tpu.memory_space<vmem>>, vector<16xf32>,
        %sort3A_1503 = arith.constant dense<true> : vector<16xi1>
        %sort3A_1504, %sort3A_1505, %sort3A_1506 = tpu.sort %get3A_1502, %get3A_1502 masked %sort3A_1503 : (vector<16xf32>, vector<16xf32>, vector<16xi1>) -> (vector<16xi1>, vector<16xf32>, vector<16xf32>)
        %rev3A_1507 = arith.constant 15 : i32
        %rev3A_1508 = vector.broadcast %rev3A_1507 : i32 to vector<16xi32>
        %rev3A_1509 = tpu.iota {dimensions = array<i32: 0>} : vector<16xi32>
        %rev3A_1510 = arith.subi %rev3A_1508, %rev3A_1509 : vector<16xi32>
        %rev3A_1511 = tpu.dynamic_gather %sort3A_1505[%rev3A_1510] in [0] : vector<16xf32>, vector<16xi32> -> vector<16xf32>
        %min3A_1512 = arith.minimumf %sort3A_1494, %rev3A_1511 : vector<16xf32>
        %sort3A_1513 = arith.constant dense<true> : vector<16xi1>
        %sort3A_1514, %sort3A_1515, %sort3A_1516 = tpu.sort %min3A_1512, %min3A_1512 masked %sort3A_1513 : (vector<16xf32>, vector<16xf32>, vector<16xi1>) -> (vector<16xi1>, vector<16xf32>, vector<16xf32>)
        %mul3A_1517 = arith.constant 16 : i32
        %mul3A_1518 = arith.muli %add3A_28, %mul3A_1517 : i32
        %add3A_1519 = arith.constant 8 : i32
        %add3A_1520 = arith.addi %mul3A_1518, %add3A_1519 : i32
        %get3A_1521 = arith.index_cast %add3A_1520 : i32 to index
        %get3A_1522 = arith.constant 112 : index
        %get3A_1523 = tpu.vector_load %arg6[%get3A_1521, %get3A_1522] {strides = array<i32>} : memref<128x128xf32, #tpu.memory_space<vmem>>, vector<16xf32>,
        %sort3A_1524 = arith.constant dense<true> : vector<16xi1>
        %sort3A_1525, %sort3A_1526, %sort3A_1527 = tpu.sort %get3A_1523, %get3A_1523 masked %sort3A_1524 : (vector<16xf32>, vector<16xf32>, vector<16xi1>) -> (vector<16xi1>, vector<16xf32>, vector<16xf32>)
        %rev3A_1528 = arith.constant 15 : i32
        %rev3A_1529 = vector.broadcast %rev3A_1528 : i32 to vector<16xi32>
        %rev3A_1530 = tpu.iota {dimensions = array<i32: 0>} : vector<16xi32>
        %rev3A_1531 = arith.subi %rev3A_1529, %rev3A_1530 : vector<16xi32>
        %rev3A_1532 = tpu.dynamic_gather %sort3A_1526[%rev3A_1531] in [0] : vector<16xf32>, vector<16xi32> -> vector<16xf32>
        %min3A_1533 = arith.minimumf %sort3A_1515, %rev3A_1532 : vector<16xf32>
        %sort3A_1534 = arith.constant dense<true> : vector<16xi1>
        %sort3A_1535, %sort3A_1536, %sort3A_1537 = tpu.sort %min3A_1533, %min3A_1533 masked %sort3A_1534 : (vector<16xf32>, vector<16xf32>, vector<16xi1>) -> (vector<16xi1>, vector<16xf32>, vector<16xf32>)
        %mul3A_1538 = arith.constant 16 : i32
        %mul3A_1539 = arith.muli %add3A_28, %mul3A_1538 : i32
        %swap3A = arith.index_cast %mul3A_1539 : i32 to index
        %swap3A_1540 = tpu.vector_load %arg7[%swap3A] {strides = array<i32>} : memref<128xf32, #tpu.memory_space<vmem>>, vector<16xf32>,
        tpu.vector_store %arg7[%swap3A], %sort3A_1536 {strides = array<i32>} : memref<128xf32, #tpu.memory_space<vmem>>, vector<16xf32>,
      }
      %scan3A_23 = arith.constant 8 : i32
      "tpu.region"() ({
        %run_scoped3A = tpu.sem_alloc : memref<!tpu.dma_semaphore, #tpu.memory_space<semaphore_mem>>
        %dma_start3A_24 = tpu.memref_slice %arg4[%add3A_14] : memref<65536xf32, #tpu.memory_space<hbm>> -> memref<128xf32, #tpu.memory_space<hbm>>
        %dma_start3A_25 = tpu.memref_slice %arg4[%add3A_14] : memref<65536xf32, #tpu.memory_space<hbm>> -> memref<128xf32, #tpu.memory_space<hbm>>
        tpu.enqueue_dma source(%arg7 : memref<128xf32, #tpu.memory_space<vmem>>) target(%dma_start3A_25 : memref<128xf32, #tpu.memory_space<hbm>>) target_semaphore(%run_scoped3A : memref<!tpu.dma_semaphore, #tpu.memory_space<semaphore_mem>>)
        %dma_wait3A_26 = tpu.memref_slice %arg4[%add3A_14] : memref<65536xf32, #tpu.memory_space<hbm>> -> memref<128xf32, #tpu.memory_space<hbm>>
        %dma_wait3A_27 = tpu.memref_slice %arg4[%add3A_14] : memref<65536xf32, #tpu.memory_space<hbm>> -> memref<128xf32, #tpu.memory_space<hbm>>
        tpu.wait_dma2 semaphore(%run_scoped3A : memref<!tpu.dma_semaphore, #tpu.memory_space<semaphore_mem>>) src(%arg7 : memref<128xf32, #tpu.memory_space<vmem>>) dst(%dma_wait3A_27 : memref<128xf32, #tpu.memory_space<hbm>>)
        tpu.yield
      }) : () -> ()
    }
    %scan3A_6 = arith.constant 16 : i32
    return
  }
}

module attributes {stable_mosaic.version = 14 : i64} {
  func.func @_cdist_body(%arg0: i32, %arg1: memref<4096x768xbf16, #tpu.memory_space<vmem>>, %arg2: memref<512x768xf32, #tpu.memory_space<vmem>>, %arg3: memref<512x4x8x128xf32, #tpu.memory_space<vmem>>, %arg4: memref<1x4096x4xf32, #tpu.memory_space<vmem>>) attributes {dimension_semantics = [#tpu.dimension_semantics<parallel>], iteration_bounds = array<i64: 98>, scalar_prefetch = 0 : i64, scratch_operands = 0 : i64, tpu.core_type = #tpu.core_type<tc>, window_params = [{pipeline_mode = #tpu.pipeline_mode<synchronous>, transform_indices = @transform_0, window_bounds = array<i64: 4096, 768>}, {transform_indices = @transform_1, window_bounds = array<i64: 512, 768>}, {transform_indices = @transform_2, window_bounds = array<i64: 512, 4, 8, 128>}, {transform_indices = @transform_3, window_bounds = array<i64: 1, 4096, 4>}]} {
    %get3A = arith.constant 0 : index
    %get3A_0 = arith.constant 0 : index
    %get3A_1 = vector.load %arg2[%get3A, %get3A_0] : memref<512x768xf32, #tpu.memory_space<vmem>>, vector<512x768xf32>
    %convert_element_type3A = arith.truncf %get3A_1 : vector<512x768xf32> to vector<512x768xbf16>
    %mul3A = arith.mulf %convert_element_type3A, %convert_element_type3A : vector<512x768xbf16>
    %broadcast_in_dim3A = arith.constant 1.000000e+00 : bf16
    %broadcast_in_dim3A_2 = vector.broadcast %broadcast_in_dim3A : bf16 to vector<8x768xbf16>
    %dot_general3A = arith.constant dense<0.000000e+00> : vector<8x512xf32>
    %dot_general3A_3 = tpu.matmul %broadcast_in_dim3A_2, %mul3A, %dot_general3A {dimension_numbers = #tpu.dot_dimension_numbers<[1], [1], [0], [0], [0, 0, 1, 0], [], []>, transpose_lhs_hint = false} : vector<8x768xbf16>, vector<512x768xbf16>, vector<8x512xf32> -> vector<8x512xf32>
    %slice3A = vector.extract_strided_slice %dot_general3A_3 {offsets = [0, 0], sizes = [1, 512], strides = [1, 1]} : vector<8x512xf32> to vector<1x512xf32>
    %get3A_4 = arith.constant 0 : index
    %get3A_5 = arith.constant 0 : index
    %get3A_6 = vector.load %arg1[%get3A_4, %get3A_5] : memref<4096x768xbf16, #tpu.memory_space<vmem>>, vector<4096x768xbf16>
    %dot_general3A_7 = arith.constant dense<0.000000e+00> : vector<4096x512xf32>
    %dot_general3A_8 = tpu.matmul %get3A_6, %convert_element_type3A, %dot_general3A_7 {dimension_numbers = #tpu.dot_dimension_numbers<[1], [1], [0], [0], [0, 0, 1, 0], [], []>, transpose_lhs_hint = false} : vector<4096x768xbf16>, vector<512x768xbf16>, vector<4096x512xf32> -> vector<4096x512xf32>
    %mul3A_9 = arith.constant 2.000000e+00 : f32
    %mul3A_10 = vector.broadcast %mul3A_9 : f32 to vector<4096x512xf32>
    %mul3A_11 = arith.mulf %mul3A_10, %dot_general3A_8 : vector<4096x512xf32>
    %sub3A = vector.broadcast %slice3A : vector<1x512xf32> to vector<4096x512xf32>
    %sub3A_12 = arith.subf %sub3A, %mul3A_11 : vector<4096x512xf32>
    %iota3A = tpu.iota {dimensions = array<i32: 1>} : vector<4096x512xi32>
    %mul3A_13 = arith.constant 512 : i32
    %mul3A_14 = arith.muli %arg0, %mul3A_13 : i32
    %sub3A_15 = arith.constant 50000 : i32
    %sub3A_16 = arith.subi %sub3A_15, %mul3A_14 : i32
    %lt3A = vector.broadcast %sub3A_16 : i32 to vector<4096x512xi32>
    %lt3A_17 = arith.cmpi slt, %iota3A, %lt3A : vector<4096x512xi32>
    %jit3A = arith.constant 1.000000e+30 : f32
    %broadcast_in_dim3A_18 = vector.broadcast %jit3A : f32 to vector<4096x512xf32>
    %select_n3A = arith.select %lt3A_17, %sub3A_12, %broadcast_in_dim3A_18 : vector<4096x512xi1>, vector<4096x512xf32>
    %reshape3A = vector.shape_cast %select_n3A : vector<4096x512xf32> to vector<4096x4x128xf32>
    %reduce_min3A = arith.constant dense<0x7F800000> : vector<4096x4xf32>
    %reduce_min3A_19 = vector.multi_reduction <minimumf>, %reshape3A, %reduce_min3A [2] : vector<4096x4x128xf32> to vector<4096x4xf32>
    %broadcast_in_dim3A_20 = vector.shape_cast %reduce_min3A_19 : vector<4096x4xf32> to vector<1x4096x4xf32>
    %swap3A = arith.constant 0 : index
    %swap3A_21 = arith.constant 0 : index
    %swap3A_22 = arith.constant 0 : index
    %swap3A_23 = vector.load %arg4[%swap3A, %swap3A_21, %swap3A_22] : memref<1x4096x4xf32, #tpu.memory_space<vmem>>, vector<1x4096x4xf32>
    tpu.vector_store %arg4[%swap3A, %swap3A_21, %swap3A_22], %broadcast_in_dim3A_20 {strides = array<i32>} : memref<1x4096x4xf32, #tpu.memory_space<vmem>>, vector<1x4096x4xf32>,
    %reshape3A_24 = vector.shape_cast %select_n3A : vector<4096x512xf32> to vector<512x8x512xf32>
    %slice3A_25 = vector.extract_strided_slice %reshape3A_24 {offsets = [0, 0, 0], sizes = [512, 8, 128], strides = [1, 1, 1]} : vector<512x8x512xf32> to vector<512x8x128xf32>
    %swap3A_26 = arith.constant 0 : index
    %swap3A_27 = arith.constant 0 : index
    %swap3A_28 = arith.constant 0 : index
    %swap3A_29 = arith.constant 0 : index
    %swap3A_30 = vector.load %arg3[%swap3A_26, %swap3A_27, %swap3A_28, %swap3A_29] : memref<512x4x8x128xf32, #tpu.memory_space<vmem>>, vector<512x1x8x128xf32>
    %swap3A_31 = vector.shape_cast %swap3A_30 : vector<512x1x8x128xf32> to vector<512x8x128xf32>
    %swap3A_32 = vector.shape_cast %slice3A_25 : vector<512x8x128xf32> to vector<512x1x8x128xf32>
    tpu.vector_store %arg3[%swap3A_26, %swap3A_27, %swap3A_28, %swap3A_29], %swap3A_32 {strides = array<i32>} : memref<512x4x8x128xf32, #tpu.memory_space<vmem>>, vector<512x1x8x128xf32>,
    %slice3A_33 = vector.extract_strided_slice %reshape3A_24 {offsets = [0, 0, 128], sizes = [512, 8, 128], strides = [1, 1, 1]} : vector<512x8x512xf32> to vector<512x8x128xf32>
    %swap3A_34 = arith.constant 0 : index
    %swap3A_35 = arith.constant 1 : index
    %swap3A_36 = arith.constant 0 : index
    %swap3A_37 = arith.constant 0 : index
    %swap3A_38 = vector.load %arg3[%swap3A_34, %swap3A_35, %swap3A_36, %swap3A_37] : memref<512x4x8x128xf32, #tpu.memory_space<vmem>>, vector<512x1x8x128xf32>
    %swap3A_39 = vector.shape_cast %swap3A_38 : vector<512x1x8x128xf32> to vector<512x8x128xf32>
    %swap3A_40 = vector.shape_cast %slice3A_33 : vector<512x8x128xf32> to vector<512x1x8x128xf32>
    tpu.vector_store %arg3[%swap3A_34, %swap3A_35, %swap3A_36, %swap3A_37], %swap3A_40 {strides = array<i32>} : memref<512x4x8x128xf32, #tpu.memory_space<vmem>>, vector<512x1x8x128xf32>,
    %slice3A_41 = vector.extract_strided_slice %reshape3A_24 {offsets = [0, 0, 256], sizes = [512, 8, 128], strides = [1, 1, 1]} : vector<512x8x512xf32> to vector<512x8x128xf32>
    %swap3A_42 = arith.constant 0 : index
    %swap3A_43 = arith.constant 2 : index
    %swap3A_44 = arith.constant 0 : index
    %swap3A_45 = arith.constant 0 : index
    %swap3A_46 = vector.load %arg3[%swap3A_42, %swap3A_43, %swap3A_44, %swap3A_45] : memref<512x4x8x128xf32, #tpu.memory_space<vmem>>, vector<512x1x8x128xf32>
    %swap3A_47 = vector.shape_cast %swap3A_46 : vector<512x1x8x128xf32> to vector<512x8x128xf32>
    %swap3A_48 = vector.shape_cast %slice3A_41 : vector<512x8x128xf32> to vector<512x1x8x128xf32>
    tpu.vector_store %arg3[%swap3A_42, %swap3A_43, %swap3A_44, %swap3A_45], %swap3A_48 {strides = array<i32>} : memref<512x4x8x128xf32, #tpu.memory_space<vmem>>, vector<512x1x8x128xf32>,
    %slice3A_49 = vector.extract_strided_slice %reshape3A_24 {offsets = [0, 0, 384], sizes = [512, 8, 128], strides = [1, 1, 1]} : vector<512x8x512xf32> to vector<512x8x128xf32>
    %swap3A_50 = arith.constant 0 : index
    %swap3A_51 = arith.constant 3 : index
    %swap3A_52 = arith.constant 0 : index
    %swap3A_53 = arith.constant 0 : index
    %swap3A_54 = vector.load %arg3[%swap3A_50, %swap3A_51, %swap3A_52, %swap3A_53] : memref<512x4x8x128xf32, #tpu.memory_space<vmem>>, vector<512x1x8x128xf32>
    %swap3A_55 = vector.shape_cast %swap3A_54 : vector<512x1x8x128xf32> to vector<512x8x128xf32>
    %swap3A_56 = vector.shape_cast %slice3A_49 : vector<512x8x128xf32> to vector<512x1x8x128xf32>
    tpu.vector_store %arg3[%swap3A_50, %swap3A_51, %swap3A_52, %swap3A_53], %swap3A_56 {strides = array<i32>} : memref<512x4x8x128xf32, #tpu.memory_space<vmem>>, vector<512x1x8x128xf32>,
    return
  }
  func.func @transform_0(%arg0: i32) -> (i32, i32) {
    %c0_i32 = arith.constant 0 : i32
    %c0_i32_0 = arith.constant 0 : i32
    %c0_i32_1 = arith.constant 0 : i32
    return %c0_i32, %c0_i32_0 : i32, i32
  }
  func.func @transform_1(%arg0: i32) -> (i32, i32) {
    %c0_i32 = arith.constant 0 : i32
    %c0_i32_0 = arith.constant 0 : i32
    return %arg0, %c0_i32 : i32, i32
  }
  func.func @transform_2(%arg0: i32) -> (i32, i32, i32, i32) {
    %c0_i32 = arith.constant 0 : i32
    %c0_i32_0 = arith.constant 0 : i32
    %c0_i32_1 = arith.constant 0 : i32
    %c0_i32_2 = arith.constant 0 : i32
    return %c0_i32, %arg0, %c0_i32_0, %c0_i32_1 : i32, i32, i32, i32
  }
  func.func @transform_3(%arg0: i32) -> (i32, i32, i32) {
    %c0_i32 = arith.constant 0 : i32
    %c0_i32_0 = arith.constant 0 : i32
    %c0_i32_1 = arith.constant 0 : i32
    return %arg0, %c0_i32, %c0_i32_0 : i32, i32, i32
  }
}

module attributes {stable_mosaic.version = 14 : i64} {
  func.func @_select_body(%arg0: memref<4096x392xf32, #tpu.memory_space<vmem>>, %arg1: memref<4096x16xi32, #tpu.memory_space<vmem>>) attributes {dimension_semantics = [], scalar_prefetch = 0 : i64, scratch_operands = 0 : i64, tpu.core_type = #tpu.core_type<tc>} {
    %get3A = arith.constant 0 : index
    %get3A_0 = arith.constant 0 : index
    %get3A_1 = vector.load %arg0[%get3A, %get3A_0] : memref<4096x392xf32, #tpu.memory_space<vmem>>, vector<4096x392xf32>
    %iota3A = tpu.iota {dimensions = array<i32: 1>} : vector<4096x392xi32>
    %iota3A_2 = tpu.iota {dimensions = array<i32: 1>} : vector<4096x16xi32>
    %iota3A_3 = tpu.iota {dimensions = array<i32: 0>} : vector<4096x16xi32>
    %broadcast_in_dim3A = arith.constant 391 : i32
    %broadcast_in_dim3A_4 = vector.broadcast %broadcast_in_dim3A : i32 to vector<4096x16xi32>
    %reduce_min3A = arith.constant dense<0x7F800000> : vector<4096xf32>
    %reduce_min3A_5 = vector.multi_reduction <minimumf>, %get3A_1, %reduce_min3A [1] : vector<4096x392xf32> to vector<4096xf32>
    %broadcast_in_dim3A_6 = vector.shape_cast %reduce_min3A_5 : vector<4096xf32> to vector<4096x1xf32>
    %eq3A = vector.broadcast %broadcast_in_dim3A_6 : vector<4096x1xf32> to vector<4096x392xf32>
    %eq3A_7 = arith.cmpf oeq, %get3A_1, %eq3A : vector<4096x392xf32>
    %jit3A = arith.constant 392 : i32
    %broadcast_in_dim3A_8 = vector.broadcast %jit3A : i32 to vector<4096x392xi32>
    %select_n3A = arith.select %eq3A_7, %iota3A, %broadcast_in_dim3A_8 : vector<4096x392xi1>, vector<4096x392xi32>
    %reduce_min3A_9 = arith.constant dense<2147483647> : vector<4096xi32>
    %reduce_min3A_10 = vector.multi_reduction <minsi>, %select_n3A, %reduce_min3A_9 [1] : vector<4096x392xi32> to vector<4096xi32>
    %broadcast_in_dim3A_11 = vector.shape_cast %reduce_min3A_10 : vector<4096xi32> to vector<4096x1xi32>
    %eq3A_12 = arith.constant 0 : i32
    %eq3A_13 = vector.broadcast %eq3A_12 : i32 to vector<4096x16xi32>
    %eq3A_14 = arith.cmpi eq, %iota3A_2, %eq3A_13 : vector<4096x16xi32>
    %broadcast_in_dim3A_15 = vector.shape_cast %broadcast_in_dim3A_11 : vector<4096x1xi32> to vector<4096x1xi32>
    %broadcast_in_dim3A_16 = vector.broadcast %broadcast_in_dim3A_15 : vector<4096x1xi32> to vector<4096x16xi32>
    %select_n3A_17 = arith.select %eq3A_14, %broadcast_in_dim3A_16, %broadcast_in_dim3A_4 : vector<4096x16xi1>, vector<4096x16xi32>
    %eq3A_18 = vector.broadcast %broadcast_in_dim3A_11 : vector<4096x1xi32> to vector<4096x392xi32>
    %eq3A_19 = arith.cmpi eq, %iota3A, %eq3A_18 : vector<4096x392xi32>
    %jit3A_20 = arith.constant 1.000000e+30 : f32
    %broadcast_in_dim3A_21 = vector.broadcast %jit3A_20 : f32 to vector<4096x392xf32>
    %select_n3A_22 = arith.select %eq3A_19, %broadcast_in_dim3A_21, %get3A_1 : vector<4096x392xi1>, vector<4096x392xf32>
    %reduce_min3A_23 = arith.constant dense<0x7F800000> : vector<4096xf32>
    %reduce_min3A_24 = vector.multi_reduction <minimumf>, %select_n3A_22, %reduce_min3A_23 [1] : vector<4096x392xf32> to vector<4096xf32>
    %broadcast_in_dim3A_25 = vector.shape_cast %reduce_min3A_24 : vector<4096xf32> to vector<4096x1xf32>
    %eq3A_26 = vector.broadcast %broadcast_in_dim3A_25 : vector<4096x1xf32> to vector<4096x392xf32>
    %eq3A_27 = arith.cmpf oeq, %select_n3A_22, %eq3A_26 : vector<4096x392xf32>
    %jit3A_28 = arith.constant 392 : i32
    %broadcast_in_dim3A_29 = vector.broadcast %jit3A_28 : i32 to vector<4096x392xi32>
    %select_n3A_30 = arith.select %eq3A_27, %iota3A, %broadcast_in_dim3A_29 : vector<4096x392xi1>, vector<4096x392xi32>
    %reduce_min3A_31 = arith.constant dense<2147483647> : vector<4096xi32>
    %reduce_min3A_32 = vector.multi_reduction <minsi>, %select_n3A_30, %reduce_min3A_31 [1] : vector<4096x392xi32> to vector<4096xi32>
    %broadcast_in_dim3A_33 = vector.shape_cast %reduce_min3A_32 : vector<4096xi32> to vector<4096x1xi32>
    %eq3A_34 = arith.constant 1 : i32
    %eq3A_35 = vector.broadcast %eq3A_34 : i32 to vector<4096x16xi32>
    %eq3A_36 = arith.cmpi eq, %iota3A_2, %eq3A_35 : vector<4096x16xi32>
    %broadcast_in_dim3A_37 = vector.shape_cast %broadcast_in_dim3A_33 : vector<4096x1xi32> to vector<4096x1xi32>
    %broadcast_in_dim3A_38 = vector.broadcast %broadcast_in_dim3A_37 : vector<4096x1xi32> to vector<4096x16xi32>
    %select_n3A_39 = arith.select %eq3A_36, %broadcast_in_dim3A_38, %select_n3A_17 : vector<4096x16xi1>, vector<4096x16xi32>
    %eq3A_40 = vector.broadcast %broadcast_in_dim3A_33 : vector<4096x1xi32> to vector<4096x392xi32>
    %eq3A_41 = arith.cmpi eq, %iota3A, %eq3A_40 : vector<4096x392xi32>
    %jit3A_42 = arith.constant 1.000000e+30 : f32
    %broadcast_in_dim3A_43 = vector.broadcast %jit3A_42 : f32 to vector<4096x392xf32>
    %select_n3A_44 = arith.select %eq3A_41, %broadcast_in_dim3A_43, %select_n3A_22 : vector<4096x392xi1>, vector<4096x392xf32>
    %reduce_min3A_45 = arith.constant dense<0x7F800000> : vector<4096xf32>
    %reduce_min3A_46 = vector.multi_reduction <minimumf>, %select_n3A_44, %reduce_min3A_45 [1] : vector<4096x392xf32> to vector<4096xf32>
    %broadcast_in_dim3A_47 = vector.shape_cast %reduce_min3A_46 : vector<4096xf32> to vector<4096x1xf32>
    %eq3A_48 = vector.broadcast %broadcast_in_dim3A_47 : vector<4096x1xf32> to vector<4096x392xf32>
    %eq3A_49 = arith.cmpf oeq, %select_n3A_44, %eq3A_48 : vector<4096x392xf32>
    %jit3A_50 = arith.constant 392 : i32
    %broadcast_in_dim3A_51 = vector.broadcast %jit3A_50 : i32 to vector<4096x392xi32>
    %select_n3A_52 = arith.select %eq3A_49, %iota3A, %broadcast_in_dim3A_51 : vector<4096x392xi1>, vector<4096x392xi32>
    %reduce_min3A_53 = arith.constant dense<2147483647> : vector<4096xi32>
    %reduce_min3A_54 = vector.multi_reduction <minsi>, %select_n3A_52, %reduce_min3A_53 [1] : vector<4096x392xi32> to vector<4096xi32>
    %broadcast_in_dim3A_55 = vector.shape_cast %reduce_min3A_54 : vector<4096xi32> to vector<4096x1xi32>
    %eq3A_56 = arith.constant 2 : i32
    %eq3A_57 = vector.broadcast %eq3A_56 : i32 to vector<4096x16xi32>
    %eq3A_58 = arith.cmpi eq, %iota3A_2, %eq3A_57 : vector<4096x16xi32>
    %broadcast_in_dim3A_59 = vector.shape_cast %broadcast_in_dim3A_55 : vector<4096x1xi32> to vector<4096x1xi32>
    %broadcast_in_dim3A_60 = vector.broadcast %broadcast_in_dim3A_59 : vector<4096x1xi32> to vector<4096x16xi32>
    %select_n3A_61 = arith.select %eq3A_58, %broadcast_in_dim3A_60, %select_n3A_39 : vector<4096x16xi1>, vector<4096x16xi32>
    %eq3A_62 = vector.broadcast %broadcast_in_dim3A_55 : vector<4096x1xi32> to vector<4096x392xi32>
    %eq3A_63 = arith.cmpi eq, %iota3A, %eq3A_62 : vector<4096x392xi32>
    %jit3A_64 = arith.constant 1.000000e+30 : f32
    %broadcast_in_dim3A_65 = vector.broadcast %jit3A_64 : f32 to vector<4096x392xf32>
    %select_n3A_66 = arith.select %eq3A_63, %broadcast_in_dim3A_65, %select_n3A_44 : vector<4096x392xi1>, vector<4096x392xf32>
    %reduce_min3A_67 = arith.constant dense<0x7F800000> : vector<4096xf32>
    %reduce_min3A_68 = vector.multi_reduction <minimumf>, %select_n3A_66, %reduce_min3A_67 [1] : vector<4096x392xf32> to vector<4096xf32>
    %broadcast_in_dim3A_69 = vector.shape_cast %reduce_min3A_68 : vector<4096xf32> to vector<4096x1xf32>
    %eq3A_70 = vector.broadcast %broadcast_in_dim3A_69 : vector<4096x1xf32> to vector<4096x392xf32>
    %eq3A_71 = arith.cmpf oeq, %select_n3A_66, %eq3A_70 : vector<4096x392xf32>
    %jit3A_72 = arith.constant 392 : i32
    %broadcast_in_dim3A_73 = vector.broadcast %jit3A_72 : i32 to vector<4096x392xi32>
    %select_n3A_74 = arith.select %eq3A_71, %iota3A, %broadcast_in_dim3A_73 : vector<4096x392xi1>, vector<4096x392xi32>
    %reduce_min3A_75 = arith.constant dense<2147483647> : vector<4096xi32>
    %reduce_min3A_76 = vector.multi_reduction <minsi>, %select_n3A_74, %reduce_min3A_75 [1] : vector<4096x392xi32> to vector<4096xi32>
    %broadcast_in_dim3A_77 = vector.shape_cast %reduce_min3A_76 : vector<4096xi32> to vector<4096x1xi32>
    %eq3A_78 = arith.constant 3 : i32
    %eq3A_79 = vector.broadcast %eq3A_78 : i32 to vector<4096x16xi32>
    %eq3A_80 = arith.cmpi eq, %iota3A_2, %eq3A_79 : vector<4096x16xi32>
    %broadcast_in_dim3A_81 = vector.shape_cast %broadcast_in_dim3A_77 : vector<4096x1xi32> to vector<4096x1xi32>
    %broadcast_in_dim3A_82 = vector.broadcast %broadcast_in_dim3A_81 : vector<4096x1xi32> to vector<4096x16xi32>
    %select_n3A_83 = arith.select %eq3A_80, %broadcast_in_dim3A_82, %select_n3A_61 : vector<4096x16xi1>, vector<4096x16xi32>
    %eq3A_84 = vector.broadcast %broadcast_in_dim3A_77 : vector<4096x1xi32> to vector<4096x392xi32>
    %eq3A_85 = arith.cmpi eq, %iota3A, %eq3A_84 : vector<4096x392xi32>
    %jit3A_86 = arith.constant 1.000000e+30 : f32
    %broadcast_in_dim3A_87 = vector.broadcast %jit3A_86 : f32 to vector<4096x392xf32>
    %select_n3A_88 = arith.select %eq3A_85, %broadcast_in_dim3A_87, %select_n3A_66 : vector<4096x392xi1>, vector<4096x392xf32>
    %reduce_min3A_89 = arith.constant dense<0x7F800000> : vector<4096xf32>
    %reduce_min3A_90 = vector.multi_reduction <minimumf>, %select_n3A_88, %reduce_min3A_89 [1] : vector<4096x392xf32> to vector<4096xf32>
    %broadcast_in_dim3A_91 = vector.shape_cast %reduce_min3A_90 : vector<4096xf32> to vector<4096x1xf32>
    %eq3A_92 = vector.broadcast %broadcast_in_dim3A_91 : vector<4096x1xf32> to vector<4096x392xf32>
    %eq3A_93 = arith.cmpf oeq, %select_n3A_88, %eq3A_92 : vector<4096x392xf32>
    %jit3A_94 = arith.constant 392 : i32
    %broadcast_in_dim3A_95 = vector.broadcast %jit3A_94 : i32 to vector<4096x392xi32>
    %select_n3A_96 = arith.select %eq3A_93, %iota3A, %broadcast_in_dim3A_95 : vector<4096x392xi1>, vector<4096x392xi32>
    %reduce_min3A_97 = arith.constant dense<2147483647> : vector<4096xi32>
    %reduce_min3A_98 = vector.multi_reduction <minsi>, %select_n3A_96, %reduce_min3A_97 [1] : vector<4096x392xi32> to vector<4096xi32>
    %broadcast_in_dim3A_99 = vector.shape_cast %reduce_min3A_98 : vector<4096xi32> to vector<4096x1xi32>
    %eq3A_100 = arith.constant 4 : i32
    %eq3A_101 = vector.broadcast %eq3A_100 : i32 to vector<4096x16xi32>
    %eq3A_102 = arith.cmpi eq, %iota3A_2, %eq3A_101 : vector<4096x16xi32>
    %broadcast_in_dim3A_103 = vector.shape_cast %broadcast_in_dim3A_99 : vector<4096x1xi32> to vector<4096x1xi32>
    %broadcast_in_dim3A_104 = vector.broadcast %broadcast_in_dim3A_103 : vector<4096x1xi32> to vector<4096x16xi32>
    %select_n3A_105 = arith.select %eq3A_102, %broadcast_in_dim3A_104, %select_n3A_83 : vector<4096x16xi1>, vector<4096x16xi32>
    %eq3A_106 = vector.broadcast %broadcast_in_dim3A_99 : vector<4096x1xi32> to vector<4096x392xi32>
    %eq3A_107 = arith.cmpi eq, %iota3A, %eq3A_106 : vector<4096x392xi32>
    %jit3A_108 = arith.constant 1.000000e+30 : f32
    %broadcast_in_dim3A_109 = vector.broadcast %jit3A_108 : f32 to vector<4096x392xf32>
    %select_n3A_110 = arith.select %eq3A_107, %broadcast_in_dim3A_109, %select_n3A_88 : vector<4096x392xi1>, vector<4096x392xf32>
    %reduce_min3A_111 = arith.constant dense<0x7F800000> : vector<4096xf32>
    %reduce_min3A_112 = vector.multi_reduction <minimumf>, %select_n3A_110, %reduce_min3A_111 [1] : vector<4096x392xf32> to vector<4096xf32>
    %broadcast_in_dim3A_113 = vector.shape_cast %reduce_min3A_112 : vector<4096xf32> to vector<4096x1xf32>
    %eq3A_114 = vector.broadcast %broadcast_in_dim3A_113 : vector<4096x1xf32> to vector<4096x392xf32>
    %eq3A_115 = arith.cmpf oeq, %select_n3A_110, %eq3A_114 : vector<4096x392xf32>
    %jit3A_116 = arith.constant 392 : i32
    %broadcast_in_dim3A_117 = vector.broadcast %jit3A_116 : i32 to vector<4096x392xi32>
    %select_n3A_118 = arith.select %eq3A_115, %iota3A, %broadcast_in_dim3A_117 : vector<4096x392xi1>, vector<4096x392xi32>
    %reduce_min3A_119 = arith.constant dense<2147483647> : vector<4096xi32>
    %reduce_min3A_120 = vector.multi_reduction <minsi>, %select_n3A_118, %reduce_min3A_119 [1] : vector<4096x392xi32> to vector<4096xi32>
    %broadcast_in_dim3A_121 = vector.shape_cast %reduce_min3A_120 : vector<4096xi32> to vector<4096x1xi32>
    %eq3A_122 = arith.constant 5 : i32
    %eq3A_123 = vector.broadcast %eq3A_122 : i32 to vector<4096x16xi32>
    %eq3A_124 = arith.cmpi eq, %iota3A_2, %eq3A_123 : vector<4096x16xi32>
    %broadcast_in_dim3A_125 = vector.shape_cast %broadcast_in_dim3A_121 : vector<4096x1xi32> to vector<4096x1xi32>
    %broadcast_in_dim3A_126 = vector.broadcast %broadcast_in_dim3A_125 : vector<4096x1xi32> to vector<4096x16xi32>
    %select_n3A_127 = arith.select %eq3A_124, %broadcast_in_dim3A_126, %select_n3A_105 : vector<4096x16xi1>, vector<4096x16xi32>
    %eq3A_128 = vector.broadcast %broadcast_in_dim3A_121 : vector<4096x1xi32> to vector<4096x392xi32>
    %eq3A_129 = arith.cmpi eq, %iota3A, %eq3A_128 : vector<4096x392xi32>
    %jit3A_130 = arith.constant 1.000000e+30 : f32
    %broadcast_in_dim3A_131 = vector.broadcast %jit3A_130 : f32 to vector<4096x392xf32>
    %select_n3A_132 = arith.select %eq3A_129, %broadcast_in_dim3A_131, %select_n3A_110 : vector<4096x392xi1>, vector<4096x392xf32>
    %reduce_min3A_133 = arith.constant dense<0x7F800000> : vector<4096xf32>
    %reduce_min3A_134 = vector.multi_reduction <minimumf>, %select_n3A_132, %reduce_min3A_133 [1] : vector<4096x392xf32> to vector<4096xf32>
    %broadcast_in_dim3A_135 = vector.shape_cast %reduce_min3A_134 : vector<4096xf32> to vector<4096x1xf32>
    %eq3A_136 = vector.broadcast %broadcast_in_dim3A_135 : vector<4096x1xf32> to vector<4096x392xf32>
    %eq3A_137 = arith.cmpf oeq, %select_n3A_132, %eq3A_136 : vector<4096x392xf32>
    %jit3A_138 = arith.constant 392 : i32
    %broadcast_in_dim3A_139 = vector.broadcast %jit3A_138 : i32 to vector<4096x392xi32>
    %select_n3A_140 = arith.select %eq3A_137, %iota3A, %broadcast_in_dim3A_139 : vector<4096x392xi1>, vector<4096x392xi32>
    %reduce_min3A_141 = arith.constant dense<2147483647> : vector<4096xi32>
    %reduce_min3A_142 = vector.multi_reduction <minsi>, %select_n3A_140, %reduce_min3A_141 [1] : vector<4096x392xi32> to vector<4096xi32>
    %broadcast_in_dim3A_143 = vector.shape_cast %reduce_min3A_142 : vector<4096xi32> to vector<4096x1xi32>
    %eq3A_144 = arith.constant 6 : i32
    %eq3A_145 = vector.broadcast %eq3A_144 : i32 to vector<4096x16xi32>
    %eq3A_146 = arith.cmpi eq, %iota3A_2, %eq3A_145 : vector<4096x16xi32>
    %broadcast_in_dim3A_147 = vector.shape_cast %broadcast_in_dim3A_143 : vector<4096x1xi32> to vector<4096x1xi32>
    %broadcast_in_dim3A_148 = vector.broadcast %broadcast_in_dim3A_147 : vector<4096x1xi32> to vector<4096x16xi32>
    %select_n3A_149 = arith.select %eq3A_146, %broadcast_in_dim3A_148, %select_n3A_127 : vector<4096x16xi1>, vector<4096x16xi32>
    %eq3A_150 = vector.broadcast %broadcast_in_dim3A_143 : vector<4096x1xi32> to vector<4096x392xi32>
    %eq3A_151 = arith.cmpi eq, %iota3A, %eq3A_150 : vector<4096x392xi32>
    %jit3A_152 = arith.constant 1.000000e+30 : f32
    %broadcast_in_dim3A_153 = vector.broadcast %jit3A_152 : f32 to vector<4096x392xf32>
    %select_n3A_154 = arith.select %eq3A_151, %broadcast_in_dim3A_153, %select_n3A_132 : vector<4096x392xi1>, vector<4096x392xf32>
    %reduce_min3A_155 = arith.constant dense<0x7F800000> : vector<4096xf32>
    %reduce_min3A_156 = vector.multi_reduction <minimumf>, %select_n3A_154, %reduce_min3A_155 [1] : vector<4096x392xf32> to vector<4096xf32>
    %broadcast_in_dim3A_157 = vector.shape_cast %reduce_min3A_156 : vector<4096xf32> to vector<4096x1xf32>
    %eq3A_158 = vector.broadcast %broadcast_in_dim3A_157 : vector<4096x1xf32> to vector<4096x392xf32>
    %eq3A_159 = arith.cmpf oeq, %select_n3A_154, %eq3A_158 : vector<4096x392xf32>
    %jit3A_160 = arith.constant 392 : i32
    %broadcast_in_dim3A_161 = vector.broadcast %jit3A_160 : i32 to vector<4096x392xi32>
    %select_n3A_162 = arith.select %eq3A_159, %iota3A, %broadcast_in_dim3A_161 : vector<4096x392xi1>, vector<4096x392xi32>
    %reduce_min3A_163 = arith.constant dense<2147483647> : vector<4096xi32>
    %reduce_min3A_164 = vector.multi_reduction <minsi>, %select_n3A_162, %reduce_min3A_163 [1] : vector<4096x392xi32> to vector<4096xi32>
    %broadcast_in_dim3A_165 = vector.shape_cast %reduce_min3A_164 : vector<4096xi32> to vector<4096x1xi32>
    %eq3A_166 = arith.constant 7 : i32
    %eq3A_167 = vector.broadcast %eq3A_166 : i32 to vector<4096x16xi32>
    %eq3A_168 = arith.cmpi eq, %iota3A_2, %eq3A_167 : vector<4096x16xi32>
    %broadcast_in_dim3A_169 = vector.shape_cast %broadcast_in_dim3A_165 : vector<4096x1xi32> to vector<4096x1xi32>
    %broadcast_in_dim3A_170 = vector.broadcast %broadcast_in_dim3A_169 : vector<4096x1xi32> to vector<4096x16xi32>
    %select_n3A_171 = arith.select %eq3A_168, %broadcast_in_dim3A_170, %select_n3A_149 : vector<4096x16xi1>, vector<4096x16xi32>
    %eq3A_172 = vector.broadcast %broadcast_in_dim3A_165 : vector<4096x1xi32> to vector<4096x392xi32>
    %eq3A_173 = arith.cmpi eq, %iota3A, %eq3A_172 : vector<4096x392xi32>
    %jit3A_174 = arith.constant 1.000000e+30 : f32
    %broadcast_in_dim3A_175 = vector.broadcast %jit3A_174 : f32 to vector<4096x392xf32>
    %select_n3A_176 = arith.select %eq3A_173, %broadcast_in_dim3A_175, %select_n3A_154 : vector<4096x392xi1>, vector<4096x392xf32>
    %reduce_min3A_177 = arith.constant dense<0x7F800000> : vector<4096xf32>
    %reduce_min3A_178 = vector.multi_reduction <minimumf>, %select_n3A_176, %reduce_min3A_177 [1] : vector<4096x392xf32> to vector<4096xf32>
    %broadcast_in_dim3A_179 = vector.shape_cast %reduce_min3A_178 : vector<4096xf32> to vector<4096x1xf32>
    %eq3A_180 = vector.broadcast %broadcast_in_dim3A_179 : vector<4096x1xf32> to vector<4096x392xf32>
    %eq3A_181 = arith.cmpf oeq, %select_n3A_176, %eq3A_180 : vector<4096x392xf32>
    %jit3A_182 = arith.constant 392 : i32
    %broadcast_in_dim3A_183 = vector.broadcast %jit3A_182 : i32 to vector<4096x392xi32>
    %select_n3A_184 = arith.select %eq3A_181, %iota3A, %broadcast_in_dim3A_183 : vector<4096x392xi1>, vector<4096x392xi32>
    %reduce_min3A_185 = arith.constant dense<2147483647> : vector<4096xi32>
    %reduce_min3A_186 = vector.multi_reduction <minsi>, %select_n3A_184, %reduce_min3A_185 [1] : vector<4096x392xi32> to vector<4096xi32>
    %broadcast_in_dim3A_187 = vector.shape_cast %reduce_min3A_186 : vector<4096xi32> to vector<4096x1xi32>
    %eq3A_188 = arith.constant 8 : i32
    %eq3A_189 = vector.broadcast %eq3A_188 : i32 to vector<4096x16xi32>
    %eq3A_190 = arith.cmpi eq, %iota3A_2, %eq3A_189 : vector<4096x16xi32>
    %broadcast_in_dim3A_191 = vector.shape_cast %broadcast_in_dim3A_187 : vector<4096x1xi32> to vector<4096x1xi32>
    %broadcast_in_dim3A_192 = vector.broadcast %broadcast_in_dim3A_191 : vector<4096x1xi32> to vector<4096x16xi32>
    %select_n3A_193 = arith.select %eq3A_190, %broadcast_in_dim3A_192, %select_n3A_171 : vector<4096x16xi1>, vector<4096x16xi32>
    %jit3A_194 = arith.constant 8 : i32
    %div3A = vector.broadcast %jit3A_194 : i32 to vector<4096x16xi32>
    %div3A_195 = arith.divsi %iota3A_3, %div3A : vector<4096x16xi32>
    %sign3A = arith.constant 0 : i32
    %sign3A_196 = vector.broadcast %sign3A : i32 to vector<4096x16xi32>
    %sign3A_197 = arith.cmpi sgt, %iota3A_3, %sign3A_196 : vector<4096x16xi32>
    %sign3A_198 = arith.extui %sign3A_197 : vector<4096x16xi1> to vector<4096x16xi32>
    %sign3A_199 = arith.constant 0 : i32
    %sign3A_200 = vector.broadcast %sign3A_199 : i32 to vector<4096x16xi32>
    %sign3A_201 = arith.cmpi slt, %iota3A_3, %sign3A_200 : vector<4096x16xi32>
    %sign3A_202 = arith.extui %sign3A_201 : vector<4096x16xi1> to vector<4096x16xi32>
    %sign3A_203 = arith.subi %sign3A_198, %sign3A_202 : vector<4096x16xi32>
    %sign3A_204 = arith.constant 0 : i32
    %sign3A_205 = arith.cmpi sgt, %jit3A_194, %sign3A_204 : i32
    %sign3A_206 = arith.extui %sign3A_205 : i1 to i32
    %sign3A_207 = arith.constant 0 : i32
    %sign3A_208 = arith.cmpi slt, %jit3A_194, %sign3A_207 : i32
    %sign3A_209 = arith.extui %sign3A_208 : i1 to i32
    %sign3A_210 = arith.subi %sign3A_206, %sign3A_209 : i32
    %ne3A = vector.broadcast %sign3A_210 : i32 to vector<4096x16xi32>
    %ne3A_211 = arith.cmpi ne, %sign3A_203, %ne3A : vector<4096x16xi32>
    %rem3A = vector.broadcast %jit3A_194 : i32 to vector<4096x16xi32>
    %rem3A_212 = arith.remsi %iota3A_3, %rem3A : vector<4096x16xi32>
    %ne3A_213 = arith.constant 0 : i32
    %ne3A_214 = vector.broadcast %ne3A_213 : i32 to vector<4096x16xi32>
    %ne3A_215 = arith.cmpi ne, %rem3A_212, %ne3A_214 : vector<4096x16xi32>
    %and3A = arith.andi %ne3A_211, %ne3A_215 : vector<4096x16xi1>
    %sub3A = arith.constant 1 : i32
    %sub3A_216 = vector.broadcast %sub3A : i32 to vector<4096x16xi32>
    %sub3A_217 = arith.subi %div3A_195, %sub3A_216 : vector<4096x16xi32>
    %select_n3A_218 = arith.select %and3A, %sub3A_217, %div3A_195 : vector<4096x16xi1>, vector<4096x16xi32>
    %mul3A = arith.constant 392 : i32
    %mul3A_219 = vector.broadcast %mul3A : i32 to vector<4096x16xi32>
    %mul3A_220 = arith.muli %select_n3A_218, %mul3A_219 : vector<4096x16xi32>
    %add3A = arith.addi %mul3A_220, %select_n3A_193 : vector<4096x16xi32>
    %mul3A_221 = arith.constant 8 : i32
    %mul3A_222 = vector.broadcast %mul3A_221 : i32 to vector<4096x16xi32>
    %mul3A_223 = arith.muli %add3A, %mul3A_222 : vector<4096x16xi32>
    %jit3A_224 = arith.constant 8 : i32
    %eq3A_225 = arith.constant 0 : i32
    %eq3A_226 = arith.cmpi eq, %jit3A_224, %eq3A_225 : i32
    %jit3A_227 = arith.constant 1 : i32
    %select_n3A_228 = arith.select %eq3A_226, %jit3A_227, %jit3A_224 : i32
    %rem3A_229 = vector.broadcast %select_n3A_228 : i32 to vector<4096x16xi32>
    %rem3A_230 = arith.remsi %iota3A_3, %rem3A_229 : vector<4096x16xi32>
    %ne3A_231 = arith.constant 0 : i32
    %ne3A_232 = vector.broadcast %ne3A_231 : i32 to vector<4096x16xi32>
    %ne3A_233 = arith.cmpi ne, %rem3A_230, %ne3A_232 : vector<4096x16xi32>
    %lt3A = arith.constant 0 : i32
    %lt3A_234 = vector.broadcast %lt3A : i32 to vector<4096x16xi32>
    %lt3A_235 = arith.cmpi slt, %rem3A_230, %lt3A_234 : vector<4096x16xi32>
    %lt3A_236 = arith.constant 0 : i32
    %lt3A_237 = arith.cmpi slt, %select_n3A_228, %lt3A_236 : i32
    %ne3A_238 = vector.broadcast %lt3A_237 : i1 to vector<4096x16xi1>
    %ne3A_239 = vector.broadcast %ne3A_238 : vector<4096x16xi1> to vector<4096x16xi1>
    %ne3A_240 = arith.xori %lt3A_235, %ne3A_239 : vector<4096x16xi1>
    %and3A_241 = arith.andi %ne3A_240, %ne3A_233 : vector<4096x16xi1>
    %add3A_242 = vector.broadcast %select_n3A_228 : i32 to vector<4096x16xi32>
    %add3A_243 = arith.addi %rem3A_230, %add3A_242 : vector<4096x16xi32>
    %select_n3A_244 = arith.select %and3A_241, %add3A_243, %rem3A_230 : vector<4096x16xi1>, vector<4096x16xi32>
    %add3A_245 = arith.addi %mul3A_223, %select_n3A_244 : vector<4096x16xi32>
    %swap3A = arith.constant 0 : index
    %swap3A_246 = arith.constant 0 : index
    %swap3A_247 = vector.load %arg1[%swap3A, %swap3A_246] : memref<4096x16xi32, #tpu.memory_space<vmem>>, vector<4096x16xi32>
    tpu.vector_store %arg1[%swap3A, %swap3A_246], %add3A_245 {strides = array<i32>} : memref<4096x16xi32, #tpu.memory_space<vmem>>, vector<4096x16xi32>,
    return
  }
}

module attributes {stable_mosaic.version = 14 : i64} {
  func.func @_q2_body(%arg0: memref<4096x768xf32, #tpu.memory_space<vmem>>, %arg1: memref<4096x1xf32, #tpu.memory_space<vmem>>) attributes {dimension_semantics = [], scalar_prefetch = 0 : i64, scratch_operands = 0 : i64, tpu.core_type = #tpu.core_type<tc>} {
    %get3A = arith.constant 0 : index
    %get3A_0 = arith.constant 0 : index
    %get3A_1 = vector.load %arg0[%get3A, %get3A_0] : memref<4096x768xf32, #tpu.memory_space<vmem>>, vector<4096x768xf32>
    %mul3A = arith.mulf %get3A_1, %get3A_1 : vector<4096x768xf32>
    %reduce_sum3A = arith.constant dense<0.000000e+00> : vector<4096xf32>
    %reduce_sum3A_2 = vector.multi_reduction <add>, %mul3A, %reduce_sum3A [1] : vector<4096x768xf32> to vector<4096xf32>
    %broadcast_in_dim3A = vector.shape_cast %reduce_sum3A_2 : vector<4096xf32> to vector<4096x1xf32>
    %swap3A = arith.constant 0 : index
    %swap3A_3 = arith.constant 0 : index
    %swap3A_4 = vector.load %arg1[%swap3A, %swap3A_3] : memref<4096x1xf32, #tpu.memory_space<vmem>>, vector<4096x1xf32>
    tpu.vector_store %arg1[%swap3A, %swap3A_3], %broadcast_in_dim3A {strides = array<i32>} : memref<4096x1xf32, #tpu.memory_space<vmem>>, vector<4096x1xf32>,
    return
  }
}

module attributes {stable_mosaic.version = 14 : i64} {
  func.func @_mean_body(%arg0: memref<4096x16xf32, #tpu.memory_space<vmem>>, %arg1: memref<4096x1xf32, #tpu.memory_space<vmem>>, %arg2: memref<4096x1xf32, #tpu.memory_space<vmem>>) attributes {dimension_semantics = [], scalar_prefetch = 0 : i64, scratch_operands = 0 : i64, tpu.core_type = #tpu.core_type<tc>} {
    %get3A = arith.constant 0 : index
    %get3A_0 = arith.constant 0 : index
    %get3A_1 = vector.load %arg0[%get3A, %get3A_0] : memref<4096x16xf32, #tpu.memory_space<vmem>>, vector<4096x16xf32>
    %get3A_2 = arith.constant 0 : index
    %get3A_3 = arith.constant 0 : index
    %get3A_4 = vector.load %arg1[%get3A_2, %get3A_3] : memref<4096x1xf32, #tpu.memory_space<vmem>>, vector<4096x1xf32>
    %add3A = vector.broadcast %get3A_4 : vector<4096x1xf32> to vector<4096x16xf32>
    %add3A_5 = arith.addf %get3A_1, %add3A : vector<4096x16xf32>
    %iota3A = tpu.iota {dimensions = array<i32: 1>} : vector<4096x16xi32>
    %max3A = arith.constant 9.99999996E-13 : f32
    %max3A_6 = vector.broadcast %max3A : f32 to vector<4096x16xf32>
    %max3A_7 = arith.maximumf %add3A_5, %max3A_6 : vector<4096x16xf32>
    %sqrt3A = math.sqrt %max3A_7 : vector<4096x16xf32>
    %lt3A = arith.constant 9 : i32
    %lt3A_8 = vector.broadcast %lt3A : i32 to vector<4096x16xi32>
    %lt3A_9 = arith.cmpi slt, %iota3A, %lt3A_8 : vector<4096x16xi32>
    %jit3A = arith.constant 0.000000e+00 : f32
    %broadcast_in_dim3A = vector.broadcast %jit3A : f32 to vector<4096x16xf32>
    %select_n3A = arith.select %lt3A_9, %sqrt3A, %broadcast_in_dim3A : vector<4096x16xi1>, vector<4096x16xf32>
    %reduce_sum3A = arith.constant dense<0.000000e+00> : vector<4096xf32>
    %reduce_sum3A_10 = vector.multi_reduction <add>, %select_n3A, %reduce_sum3A [1] : vector<4096x16xf32> to vector<4096xf32>
    %broadcast_in_dim3A_11 = vector.shape_cast %reduce_sum3A_10 : vector<4096xf32> to vector<4096x1xf32>
    %mul3A = arith.constant 0.111111112 : f32
    %mul3A_12 = vector.broadcast %mul3A : f32 to vector<4096x1xf32>
    %mul3A_13 = arith.mulf %broadcast_in_dim3A_11, %mul3A_12 : vector<4096x1xf32>
    %swap3A = arith.constant 0 : index
    %swap3A_14 = arith.constant 0 : index
    %swap3A_15 = vector.load %arg2[%swap3A, %swap3A_14] : memref<4096x1xf32, #tpu.memory_space<vmem>>, vector<4096x1xf32>
    tpu.vector_store %arg2[%swap3A, %swap3A_14], %mul3A_13 {strides = array<i32>} : memref<4096x1xf32, #tpu.memory_space<vmem>>, vector<4096x1xf32>,
    return
  }
}

</mosaic_0001>

<sc_bundles>
// kernel: kernel.7.cloned.1.call-start
scs
__scs_entry_jumppad:
0x0: {  	(pc) =	sbr.rel $0x88, $3  }
0x1: {  	(tag) =	ssettag $0x0;
	lr =	simm.s32 $0x1  }
0x2: {  	[smem:$0x3F9F] =	sst lr;
	_ =	strace $0xD0000000  }
0x3: {  	_ = 	snop  }
0x4: {  	_ = 	snop  }
0x5: {  	_ = 	snop  }
0x6: {  	_ = 	snop  }
0x7: {  	_ = 	snop  }
__scs_overlays_trampoline_lowered:
0x8: {  	[smem:$0x3FAE] =	sst s0  }
0x9: {  	[smem:$0x3FAF] =	sst s1  }
0xa: {  	[smem:$0x3FB0] =	sst s2  }
0xb: {  	[smem:$0x3FB1] =	sst s3  }
0xc: {  	[smem:$0x3FB2] =	sst s4  }
0xd: {  	[smem:$0x3FB3] =	sst s5  }
0xe: {  	[smem:$0x3FB4] =	sst s6  }
0xf: {  	[smem:$0x3FB5] =	sst s7  }
0x10: {  	[smem:$0x3FB6] =	sst s8  }
0x11: {  	[smem:$0x3FB7] =	sst s9;
	s0 =	simm.s32 @!p0 $0x0  }
0x12: {  	s1 =	sld [smem:$0x3F9D];
	s0 =	simm.s32 @p0 $0x1  }
0x13: {  	[smem:$0x3FB8] =	sst s0;
	s0 =	simm.s32 @!p1 $0x0  }
0x14: {  	s2 =	sld [smem:$0x3F9C];
	s0 =	simm.s32 @p1 $0x1  }
0x15: {  	[smem:$0x3FB9] =	sst s0;
	s0 =	simm.s32 @!p2 $0x0  }
0x16: {  	s3 =	sld [smem:$0x3FDB];
	s0 =	simm.s32 @p2 $0x1  }
0x17: {  	s4 =	simm.s32 $0x1BF5;
	[smem:$0x3FBB] =	sst s0  }
0x18: {  	s0 =	sld [smem:$0x3F9E];
	_ =	swait.ge [sflag:s4], $0x0  }
0x19: {  	s7 =	sld [smem:$0x3F9F]  }
0x1a: {  	s8 =	sadd.s32 $0xFFFFE003, lr  }
0x1b: {  	s9 =	sadd.s32 $0xFFFFFEF7, lr;
	s5 =	simm.s32 $0xFFFFFFFF;
	p2 =	slt.u32 s8, $0xFFFFF086  }
0x1c: {  	p1 =	slt.u32 s9, $0xF7A;
	s5 =	simm.s32 @!p2 $0x0  }
0x1d: {  	s5 =	simm.s32 @p1 $0x1;
	p0 =	seq.s32 s7, s2  }
0x1e: {  	s7 =	smul.u32 @!p0 $0xF7A, s2;
	p2 =	seq.s32 @!p0 s5, $0x0  }
0x1f: {  	s9 =	smul.u32 $0xF7A, s1;
	s8 =	simm.s32 @!p0 $0x1BF5;
	p2 =	por !p2, p0  }
0x20: {  	[sflag:s8] =	ssyncset.s32 @!p0 $0xFFFFF086;
	s6 =	sadd.s32 @!p0 s3, s7;
	s7 =	simm.s32 @!p0 $0x108  }
0x21: {  	s3 =	sadd.s32 s3, s9;
	s6 =	sadd.s32 @!p0 $0x88, s6;
	s7 =	simm.s32 @p2 $0x1082  }
0x22: {  	[simem:s7], [sflag:s8] =	dma.local @!p0 [hbm:s6], $0xF7A  }
0x23: {  	s9 =	sor.u32 $0xD0000000, s2;
	s6 =	simm.s32 $0x108;
	_ =	swait.ge @!p0 [sflag:s8], $0x0  }
0x24: {  	s3 =	sadd.s32 $0x88, s3;
	s6 =	simm.s32 @!p1 $0x1082;
	[sflag:s4] =	ssyncset.s32 $0xFFFFF086  }
0x25: {  	[simem:s6], [sflag:s4] =	dma.local [hbm:s3], $0xF7A  }
0x26: {  	[smem:$0x3F9F] =	sst s1;
	(tag) =	ssettag s2;
	_ =	strace s9  }
0x27: {  	s1 =	sld [smem:$0x3FAF]  }
0x28: {  	s2 =	sld [smem:$0x3FB0]  }
0x29: {  	s4 =	sld [smem:$0x3FB2]  }
0x2a: {  	p0 =	seq.s32 s5, $0x0;
	s5 =	sld [smem:$0x3FB3]  }
0x2b: {  	s6 =	sld [smem:$0x3FB4]  }
0x2c: {  	s7 =	sld [smem:$0x3FB5]  }
0x2d: {  	s3 =	simm.s32 $0x108;
	s8 =	sld [smem:$0x3FB6]  }
0x2e: {  	s3 =	simm.s32 @!p0 $0x1082;
	s9 =	sld [smem:$0x3FB7]  }
0x2f: {  	lr =	sadd.s32 s0, s3;
	s0 =	sld [smem:$0x3FAE]  }
0x30: {  	s3 =	sld [smem:$0x3FB1]  }
0x31: {  	[smem:$0x3FBA] =	sst s10  }
0x32: {  	s10 =	sld [smem:$0x3FB8];
	_ =	sdelay $0x3  }
0x33: {  	p0 =	seq.s32 s10, $0x1;
	s10 =	sld [smem:$0x3FBA];
	_ =	sdelay $0x3  }
0x34: {  	[smem:$0x3FBA] =	sst s10  }
0x35: {  	s10 =	sld [smem:$0x3FB9];
	_ =	sdelay $0x3  }
0x36: {  	p1 =	seq.s32 s10, $0x1;
	s10 =	sld [smem:$0x3FBA];
	_ =	sdelay $0x3  }
0x37: {  	[smem:$0x3FBA] =	sst s10  }
0x38: {  	s10 =	sld [smem:$0x3FBB]  }
0x39: {  	_ = 	snop;
	(pc) =	sbr.ind lr, $3  }
0x3a: {  	_ = 	snop  }
0x3b: {  	_ = 	snop  }
0x3c: {  	p2 =	seq.s32 s10, $0x1;
	s10 =	sld [smem:$0x3FBA]  }
0x3d: {  	_ =	shalt  }
0x3e: {  	_ =	shalt  }
0x3f: {  	_ =	shalt  }
0x40: {  	_ =	shalt  }
0x41: {  	_ =	shalt  }
0x42: {  	_ =	shalt  }
0x43: {  	_ =	shalt  }
0x44: {  	_ =	shalt  }
0x45: {  	_ =	shalt  }
0x46: {  	_ =	shalt  }
0x47: {  	_ =	shalt  }
0x48: {  	_ =	shalt  }
0x49: {  	_ =	shalt  }
0x4a: {  	_ =	shalt  }
0x4b: {  	_ =	shalt  }
0x4c: {  	_ =	shalt  }
0x4d: {  	_ =	shalt  }
0x4e: {  	_ =	shalt  }
0x4f: {  	_ =	shalt  }
0x50: {  	_ =	shalt  }
0x51: {  	_ =	shalt  }
0x52: {  	_ =	shalt  }
0x53: {  	_ =	shalt  }
0x54: {  	_ =	shalt  }
0x55: {  	_ =	shalt  }
0x56: {  	_ =	shalt  }
0x57: {  	_ =	shalt  }
0x58: {  	_ =	shalt  }
0x59: {  	_ =	shalt  }
0x5a: {  	_ =	shalt  }
0x5b: {  	_ =	shalt  }
0x5c: {  	_ =	shalt  }
0x5d: {  	_ =	shalt  }
0x5e: {  	_ =	shalt  }
0x5f: {  	_ =	shalt  }
0x60: {  	_ =	shalt  }
0x61: {  	_ =	shalt  }
0x62: {  	_ =	shalt  }
0x63: {  	_ =	shalt  }
0x64: {  	_ =	shalt  }
0x65: {  	_ =	shalt  }
0x66: {  	_ =	shalt  }
0x67: {  	_ =	shalt  }
0x68: {  	_ =	shalt  }
0x69: {  	_ =	shalt  }
0x6a: {  	_ =	shalt  }
0x6b: {  	_ =	shalt  }
0x6c: {  	_ =	shalt  }
0x6d: {  	_ =	shalt  }
0x6e: {  	_ =	shalt  }
0x6f: {  	_ =	shalt  }
0x70: {  	_ =	shalt  }
0x71: {  	_ =	shalt  }
0x72: {  	_ =	shalt  }
0x73: {  	_ =	shalt  }
0x74: {  	_ =	shalt  }
0x75: {  	_ =	shalt  }
0x76: {  	_ =	shalt  }
0x77: {  	_ =	shalt  }
0x78: {  	_ =	shalt  }
0x79: {  	_ =	shalt  }
0x7a: {  	_ =	shalt  }
0x7b: {  	_ =	shalt  }
0x7c: {  	_ =	shalt  }
0x7d: {  	_ =	shalt  }
0x7e: {  	_ =	shalt  }
0x7f: {  	_ =	shalt  }
0x80: {  	_ =	shalt  }
0x81: {  	_ =	shalt  }
0x82: {  	_ =	shalt  }
0x83: {  	_ =	shalt  }
0x84: {  	_ =	shalt  }
0x85: {  	_ =	shalt  }
0x86: {  	_ =	shalt  }
0x87: {  	_ =	shalt  }
.Lfunc_end0:
.L_simem_size_0:
called_computation_lowered:
.L_overlay_start_0:
0x88: {  	s2 =	sld [smem:$0x3FD9]  }
0x89: {  	s3 =	sld [smem:$0x3FFE];
	_ =	sdelay $0x1  }
0x8a: {  	s1 =	srdreg.scid  }
0x8b: {  	s0 =	sand.u32 $0x1, s1  }
0x8c: {  	s16 =	sshll.u32 s0, $0xA;
	s2 =	sadd.s32 s3, s2  }
0x8d: {  	s2 =	sadd.s32 s2, s16  }
0x8e: {  	[smem:$0x3FC6] =	sst s2  }
0x8f: {  	_ = 	snop  }
0x90: {  	(tm) =	ssettm $0x1  }
0x91: {  	s17 =	sld [smem:$0x3FFB];
	_ =	sdelay $0x3  }
0x92: {  	_ =	strace s17  }
0x93: {  	s2 =	sld [smem:$0x3FFC];
	_ =	sdelay $0x3  }
0x94: {  	_ =	strace s2  }
0x95: {  	s2 =	sld [smem:$0x3FFD];
	_ =	sdelay $0x3  }
0x96: {  	_ =	strace s2  }
0x97: {  	_ =	strace $0x8FFFFFFF  }
0x98: {  	s18 =	sld [smem:$0x3FDB];
	_ =	sdelay $0x1  }
0x99: {  	s19 =	simm.s32 $_scs_section_size  }
0x9a: {  	s4 =	simm.s32 $_size__tile_overlayer_lowered;
	s5 =	simm.s32 $_tile_overlayer_lowered  }
0x9b: {  	s22 =	simm.s32 $0x1BFF;
	s21 =	sshll.u32 s5, $0x1;
	s2 =	sadd.s32 s19, s18  }
0x9c: {  	s6 =	simm.s32 $0x0;
	s20 =	sshll.u32 s4, $0x1;
	s4 =	sadd.s32 s21, s2  }
0x9d: {  	[timem:s6], [sflag:s22] =	dma.local [hbm:s4], s20  }
0x9e: {  	_ =	swait.ge [sflag:s22], s20  }
0x9f: {  	s3 =	ssub.s32 $0x0, s20;
	[sflag:s22] =	ssyncset.done $0x0  }
0xa0: {  	[sflag:s22] =	ssyncadd.s32 s3;
	_ =	sdelay $0x1  }
0xa1: {  	s23 =	simm.s32 $0x1B8B  }
0xa2: {  	_ =	swait.ge [sflag:s23], $0x1  }
0xa3: {  	[sflag:s23] =	ssyncset.done $0x0  }
0xa4: {  	s25 =	simm.s32 $0x1B8E;
	s24 =	sld [smem:$0x3FFE];
	[sflag:s23] =	ssyncadd.s32 $0xFFFFFFFF  }
0xa5: {  	s26 =	simm.s32 $execute0_lowered;
	[smem:$0x3FD2] =	sst s25  }
0xa6: {  	s4 =	sshll.u32 s26, $0x1;
	_ =	strace $0x80000046;
	[dreg:$0x1] =	wrdreg $0xFFFFFFFF  }
0xa7: {  	s28 =	simm.s32 $_size_execute0_lowered;
	s2 =	sadd.s32 s2, s4;
	[dreg:$0x0] =	wrdreg $0x0  }
0xa8: {  	s4 =	sshll.u32 s28, $0x1;
	[dreg:$0x2] =	wrdreg s2  }
0xa9: {  	[dreg:$0x3] =	wrdreg s4  }
0xaa: {  	[dreg:$0x4] =	wrdreg $0xC0  }
0xab: {  	_ =	task [dreg:s6], $0x5FFFF  }
0xac: {  	[dreg:$0x1] =	wrdreg $0xFFFFFFFF  }
0xad: {  	[dreg:$0x0] =	wrdreg $0x60  }
0xae: {  	[dreg:$0x2] =	wrdreg s24  }
0xaf: {  	[dreg:$0x3] =	wrdreg $0x9  }
0xb0: {  	_ =	task.clear_ibuf [dreg:s6], $0x4FFFF;
	_ =	strace $0x90000046  }
0xb1: {  	s29 =	simm.s32 $0x9;
	_ =	strace $0x80000048  }
0xb2: {  	_ =	swait.ge [sflag:s29], $0x1  }
0xb3: {  	[sflag:s29] =	ssyncadd.s32 $0xFFFFFFFF  }
0xb4: {  	_ =	strace $0x90000048  }
0xb5: {  	_ =	sfence  }
0xb6: {  	s30 =	sld [smem:$0x0];
	_ =	sdelay $0x2  }
0xb7: {  	s31 =	sshll.u32 s1, $0xD;
	s1 =	sshrl.u32 s1, $0x2  }
0xb8: {  	s3 =	sand.u32 $0x4000, s31;
	s1 =	sadd.s32 s1, s30  }
0xb9: {  	s0 =	sor.u32 s3, s0;
	s1 =	sshll.u32 s1, $0x11  }
0xba: {  	s0 =	sor.u32 s1, s0  }
0xbb: {  	s0 =	sadd.s32 $0x8F2B, s0  }
0xbc: {  	[sflag:s0] =	ssyncadd.remote.s32 $0x1  }
0xbd: {  	_ =	sfence.sel $0xFFFF  }
0xbe: {  	[dreg:$0x0] =	wrdreg $0xFFFFFFFF;
	(pc) =	sbr.abs _section_cstart, $3  }
0xbf: {  	[dreg:$0x1] =	wrdreg $0xFFFFFFFF  }
0xc0: {  	_ =	task.clear_ibuf [dreg:s6], $0x2FFFF;
	_ =	strace $0x9FFFFFFF  }
0xc1: {  	(tm) =	ssettm $0x7FFFFFFF  }
tec
execute0_lowered:
.L_overlay_start_1:
0x0: {  	(tag) =	ssettag $0x1  }
0x1: {  	s5 =	rddreg [dreg:$0x0]  }
0x2: {  	s0 =	rddreg [dreg:$0x1]  }
0x3: {  	s1 =	simm.s32 $0x0;
	s2 =	srdreg.scid;
	s10 =	simm.s32 $0x1  }
0x4: {  	s11 =	simm.s32 $0x4080;
	s12 =	simm.s32 $0x0;
	[smem:$0x7FF] =	sst s1  }
0x5: {  	s3 =	sadd.s32 $0x620400, s5;
	s6 =	sand.u32 $0x1, s2;
	s4 =	sadd.s32 $0x400, s5  }
0x6: {  	v0 =	vlaneseq.u32;
	s2 =	stileid.u32;
	s5 =	sadd.s32 $0x2400, s5;
	s7 =	ssub.s32 $0x2, s6  }
0x7: {  	v0 =	vmul.u32 $0xFFFFFFFF, v0;
	s9 =	sshll.u32 s2, $0x9;
	s6 =	sshll.u32 s6, $0x8;
	s8 =	sshrl.u32 s7, $0x1  }
0x8: {  	_ =	strace $0x80000047;
	s6 =	sor.u32 s6, s9;
	s7 =	ssub.s32 s7, s8  }
0x9: {  	s9 =	simm.s32 $0x80;
	v0 =	vadd.s32 $0xF, v0;
	s8 =	simm.s32 $0x2;
	s7 =	smax.u32 s7, $0x1  }
.LBB2_1:
0xa: {  	s13 =	simm.s32 $0x0  }
.LBB2_2:
0xb: {  	s14 =	sshll.u32 s13, $0x4  }
0xc: {  	s14 =	sadd.s32 s6, s14  }
0xd: {  	s15 =	simm.s32 $0x0;
	s16 =	sadd.s32 s4, s14  }
0xe: {  	[tilespmem:s15], [sflag:$0x2] =	stream.linear.gather [hbm4b:s16+s15], $0x80, $0x38;
	[tilespmem:$0x4100] =	vst v63  }
0xf: {  	_ =	swait.ge [sflag:s8], $0x80  }
0x10: {  	[sflag:s8] =	ssyncset.done $0x0  }
0x11: {  	[sflag:s8] =	ssyncadd.s32 $0xFFFFFF80  }
0x12: {  	[tilespmem:s9], [sflag:$0x1] =	stream.indirect.gather [hbm4b:s3+s9], $0x80, s15, s9, $0xb8;
	[tilespmem:$0x4100] =	vst v63  }
0x13: {  	_ =	swait.ge [sflag:s10], $0x4000  }
0x14: {  	[sflag:s10] =	ssyncset.done $0x0  }
0x15: {  	s16 =	simm.s32 $0x2C0;
	[sflag:s10] =	ssyncadd.s32 $0xFFFFC000  }
0x16: {  	s17 =	simm.s32 $0x40;
	v1 =	vld [tilespmem:s16+$0xFFFFFDC0]  }
.LBB2_3:
0x17: {  	p0 =	sne.s32 s17, $0x1C0;
	_ =	sdelay $0x3  }
0x18: {  	(xrf1) =	vsort.ascd.msk.f32 $0xffff, v1, v1;
	_ =	sdelay $0xa  }
0x19: {  	v1 =	vld [tilespmem:s16+$0xFFFFFDD0];
	_ =	sdelay $0x2  }
0x1a: {  	v2, _, _ =	vpop (xrf1)  }
0x1b: {  	v2 =	vperm.xlane v2, v0  }
0x1c: {  	(xrf1) =	vsort.ascd.msk.f32 $0xffff, v1, v1  }
0x1d: {  	v1 =	vmin.f32 v2, $1.000000020e+30  }
0x1e: {  	(xrf1) =	vsort.ascd.msk.f32 $0xffff, v1, v1;
	_ =	sdelay $0x8  }
0x1f: {  	v1 =	vld [tilespmem:s16+$0xFFFFFDE0];
	_ =	sdelay $0x2  }
0x20: {  	v2, _, _ =	vpop (xrf1)  }
0x21: {  	v2 =	vperm.xlane v2, v0  }
0x22: {  	v3, _, _ =	vpop (xrf1);
	(xrf1) =	vsort.ascd.msk.f32 $0xffff, v1, v1  }
0x23: {  	v1 =	vmin.f32 v3, v2  }
0x24: {  	(xrf1) =	vsort.ascd.msk.f32 $0xffff, v1, v1;
	_ =	sdelay $0x8  }
0x25: {  	v1 =	vld [tilespmem:s16+$0xFFFFFDF0];
	_ =	sdelay $0x2  }
0x26: {  	v2, _, _ =	vpop (xrf1)  }
0x27: {  	v2 =	vperm.xlane v2, v0  }
0x28: {  	v3, _, _ =	vpop (xrf1);
	(xrf1) =	vsort.ascd.msk.f32 $0xffff, v1, v1  }
0x29: {  	v1 =	vmin.f32 v3, v2  }
0x2a: {  	(xrf1) =	vsort.ascd.msk.f32 $0xffff, v1, v1;
	_ =	sdelay $0x8  }
0x2b: {  	v1 =	vld [tilespmem:s16+$0xFFFFFE00];
	_ =	sdelay $0x2  }
0x2c: {  	v2, _, _ =	vpop (xrf1)  }
0x2d: {  	v2 =	vperm.xlane v2, v0  }
0x2e: {  	v3, _, _ =	vpop (xrf1);
	(xrf1) =	vsort.ascd.msk.f32 $0xffff, v1, v1  }
0x2f: {  	v1 =	vmin.f32 v3, v2  }
0x30: {  	(xrf1) =	vsort.ascd.msk.f32 $0xffff, v1, v1;
	_ =	sdelay $0x8  }
0x31: {  	v1 =	vld [tilespmem:s16+$0xFFFFFE10];
	_ =	sdelay $0x2  }
0x32: {  	v2, _, _ =	vpop (xrf1)  }
0x33: {  	v2 =	vperm.xlane v2, v0  }
0x34: {  	v3, _, _ =	vpop (xrf1);
	(xrf1) =	vsort.ascd.msk.f32 $0xffff, v1, v1  }
0x35: {  	v1 =	vmin.f32 v3, v2  }
0x36: {  	(xrf1) =	vsort.ascd.msk.f32 $0xffff, v1, v1;
	_ =	sdelay $0x8  }
0x37: {  	v1 =	vld [tilespmem:s16+$0xFFFFFE20];
	_ =	sdelay $0x2  }
0x38: {  	v2, _, _ =	vpop (xrf1)  }
0x39: {  	v2 =	vperm.xlane v2, v0  }
0x3a: {  	v3, _, _ =	vpop (xrf1);
	(xrf1) =	vsort.ascd.msk.f32 $0xffff, v1, v1  }
0x3b: {  	v1 =	vmin.f32 v3, v2  }
0x3c: {  	(xrf1) =	vsort.ascd.msk.f32 $0xffff, v1, v1;
	_ =	sdelay $0x8  }
0x3d: {  	v1 =	vld [tilespmem:s16+$0xFFFFFE30];
	_ =	sdelay $0x2  }
0x3e: {  	v2, _, _ =	vpop (xrf1)  }
0x3f: {  	v2 =	vperm.xlane v2, v0  }
0x40: {  	v3, _, _ =	vpop (xrf1);
	(xrf1) =	vsort.ascd.msk.f32 $0xffff, v1, v1  }
0x41: {  	v1 =	vmin.f32 v3, v2  }
0x42: {  	(xrf1) =	vsort.ascd.msk.f32 $0xffff, v1, v1;
	_ =	sdelay $0x8  }
0x43: {  	v1 =	vld [tilespmem:s16+$0xFFFFFE40];
	_ =	sdelay $0x2  }
0x44: {  	v2, _, _ =	vpop (xrf1)  }
0x45: {  	v2 =	vperm.xlane v2, v0  }
0x46: {  	v3, _, _ =	vpop (xrf1);
	(xrf1) =	vsort.ascd.msk.f32 $0xffff, v1, v1  }
0x47: {  	v1 =	vmin.f32 v3, v2  }
0x48: {  	(xrf1) =	vsort.ascd.msk.f32 $0xffff, v1, v1;
	_ =	sdelay $0x8  }
0x49: {  	v1 =	vld [tilespmem:s16+$0xFFFFFE50];
	_ =	sdelay $0x2  }
0x4a: {  	v2, _, _ =	vpop (xrf1)  }
0x4b: {  	v2 =	vperm.xlane v2, v0  }
0x4c: {  	v3, _, _ =	vpop (xrf1);
	(xrf1) =	vsort.ascd.msk.f32 $0xffff, v1, v1  }
0x4d: {  	v1 =	vmin.f32 v3, v2  }
0x4e: {  	(xrf1) =	vsort.ascd.msk.f32 $0xffff, v1, v1;
	_ =	sdelay $0x8  }
0x4f: {  	v1 =	vld [tilespmem:s16+$0xFFFFFE60];
	_ =	sdelay $0x2  }
0x50: {  	v2, _, _ =	vpop (xrf1)  }
0x51: {  	v2 =	vperm.xlane v2, v0  }
0x52: {  	v3, _, _ =	vpop (xrf1);
	(xrf1) =	vsort.ascd.msk.f32 $0xffff, v1, v1  }
0x53: {  	v1 =	vmin.f32 v3, v2  }
0x54: {  	(xrf1) =	vsort.ascd.msk.f32 $0xffff, v1, v1;
	_ =	sdelay $0x8  }
0x55: {  	v1 =	vld [tilespmem:s16+$0xFFFFFE70];
	_ =	sdelay $0x2  }
0x56: {  	v2, _, _ =	vpop (xrf1)  }
0x57: {  	v2 =	vperm.xlane v2, v0  }
0x58: {  	v3, _, _ =	vpop (xrf1);
	(xrf1) =	vsort.ascd.msk.f32 $0xffff, v1, v1  }
0x59: {  	v1 =	vmin.f32 v3, v2  }
0x5a: {  	(xrf1) =	vsort.ascd.msk.f32 $0xffff, v1, v1;
	_ =	sdelay $0x8  }
0x5b: {  	v1 =	vld [tilespmem:s16+$0xFFFFFE80];
	_ =	sdelay $0x2  }
0x5c: {  	v2, _, _ =	vpop (xrf1)  }
0x5d: {  	v2 =	vperm.xlane v2, v0  }
0x5e: {  	v3, _, _ =	vpop (xrf1);
	(xrf1) =	vsort.ascd.msk.f32 $0xffff, v1, v1  }
0x5f: {  	v1 =	vmin.f32 v3, v2  }
0x60: {  	(xrf1) =	vsort.ascd.msk.f32 $0xffff, v1, v1;
	_ =	sdelay $0x8  }
0x61: {  	v1 =	vld [tilespmem:s16+$0xFFFFFE90];
	_ =	sdelay $0x2  }
0x62: {  	v2, _, _ =	vpop (xrf1)  }
0x63: {  	v2 =	vperm.xlane v2, v0  }
0x64: {  	v3, _, _ =	vpop (xrf1);
	(xrf1) =	vsort.ascd.msk.f32 $0xffff, v1, v1  }
0x65: {  	v1 =	vmin.f32 v3, v2  }
0x66: {  	(xrf1) =	vsort.ascd.msk.f32 $0xffff, v1, v1;
	_ =	sdelay $0x8  }
0x67: {  	v1 =	vld [tilespmem:s16+$0xFFFFFEA0];
	_ =	sdelay $0x2  }
0x68: {  	v2, _, _ =	vpop (xrf1)  }
0x69: {  	v2 =	vperm.xlane v2, v0  }
0x6a: {  	v3, _, _ =	vpop (xrf1);
	(xrf1) =	vsort.ascd.msk.f32 $0xffff, v1, v1  }
0x6b: {  	v1 =	vmin.f32 v3, v2  }
0x6c: {  	(xrf1) =	vsort.ascd.msk.f32 $0xffff, v1, v1;
	_ =	sdelay $0x8  }
0x6d: {  	v1 =	vld [tilespmem:s16+$0xFFFFFEB0];
	_ =	sdelay $0x2  }
0x6e: {  	v2, _, _ =	vpop (xrf1)  }
0x6f: {  	v2 =	vperm.xlane v2, v0  }
0x70: {  	v3, _, _ =	vpop (xrf1);
	(xrf1) =	vsort.ascd.msk.f32 $0xffff, v1, v1  }
0x71: {  	v1 =	vmin.f32 v3, v2  }
0x72: {  	(xrf1) =	vsort.ascd.msk.f32 $0xffff, v1, v1;
	_ =	sdelay $0x8  }
0x73: {  	v1 =	vld [tilespmem:s16+$0xFFFFFEC0];
	_ =	sdelay $0x2  }
0x74: {  	v2, _, _ =	vpop (xrf1)  }
0x75: {  	v2 =	vperm.xlane v2, v0  }
0x76: {  	v3, _, _ =	vpop (xrf1);
	(xrf1) =	vsort.ascd.msk.f32 $0xffff, v1, v1  }
0x77: {  	v1 =	vmin.f32 v3, v2  }
0x78: {  	(xrf1) =	vsort.ascd.msk.f32 $0xffff, v1, v1;
	_ =	sdelay $0x8  }
0x79: {  	v1 =	vld [tilespmem:s16+$0xFFFFFED0];
	_ =	sdelay $0x2  }
0x7a: {  	v2, _, _ =	vpop (xrf1)  }
0x7b: {  	v2 =	vperm.xlane v2, v0  }
0x7c: {  	v3, _, _ =	vpop (xrf1);
	(xrf1) =	vsort.ascd.msk.f32 $0xffff, v1, v1  }
0x7d: {  	v1 =	vmin.f32 v3, v2  }
0x7e: {  	(xrf1) =	vsort.ascd.msk.f32 $0xffff, v1, v1;
	_ =	sdelay $0x8  }
0x7f: {  	v1 =	vld [tilespmem:s16+$0xFFFFFEE0];
	_ =	sdelay $0x2  }
0x80: {  	v2, _, _ =	vpop (xrf1)  }
0x81: {  	v2 =	vperm.xlane v2, v0  }
0x82: {  	v3, _, _ =	vpop (xrf1);
	(xrf1) =	vsort.ascd.msk.f32 $0xffff, v1, v1  }
0x83: {  	v1 =	vmin.f32 v3, v2  }
0x84: {  	(xrf1) =	vsort.ascd.msk.f32 $0xffff, v1, v1;
	_ =	sdelay $0x8  }
0x85: {  	v1 =	vld [tilespmem:s16+$0xFFFFFEF0];
	_ =	sdelay $0x2  }
0x86: {  	v2, _, _ =	vpop (xrf1)  }
0x87: {  	v2 =	vperm.xlane v2, v0  }
0x88: {  	v3, _, _ =	vpop (xrf1);
	(xrf1) =	vsort.ascd.msk.f32 $0xffff, v1, v1  }
0x89: {  	v1 =	vmin.f32 v3, v2  }
0x8a: {  	(xrf1) =	vsort.ascd.msk.f32 $0xffff, v1, v1;
	_ =	sdelay $0x8  }
0x8b: {  	v1 =	vld [tilespmem:s16+$0xFFFFFF00];
	_ =	sdelay $0x2  }
0x8c: {  	v2, _, _ =	vpop (xrf1)  }
0x8d: {  	v2 =	vperm.xlane v2, v0  }
0x8e: {  	v3, _, _ =	vpop (xrf1);
	(xrf1) =	vsort.ascd.msk.f32 $0xffff, v1, v1  }
0x8f: {  	v1 =	vmin.f32 v3, v2  }
0x90: {  	(xrf1) =	vsort.ascd.msk.f32 $0xffff, v1, v1;
	_ =	sdelay $0x8  }
0x91: {  	v1 =	vld [tilespmem:s16+$0xFFFFFF10];
	_ =	sdelay $0x2  }
0x92: {  	v2, _, _ =	vpop (xrf1)  }
0x93: {  	v2 =	vperm.xlane v2, v0  }
0x94: {  	v3, _, _ =	vpop (xrf1);
	(xrf1) =	vsort.ascd.msk.f32 $0xffff, v1, v1  }
0x95: {  	v1 =	vmin.f32 v3, v2  }
0x96: {  	(xrf1) =	vsort.ascd.msk.f32 $0xffff, v1, v1;
	_ =	sdelay $0x8  }
0x97: {  	v1 =	vld [tilespmem:s16+$0xFFFFFF20];
	_ =	sdelay $0x2  }
0x98: {  	v2, _, _ =	vpop (xrf1)  }
0x99: {  	v2 =	vperm.xlane v2, v0  }
0x9a: {  	v3, _, _ =	vpop (xrf1);
	(xrf1) =	vsort.ascd.msk.f32 $0xffff, v1, v1  }
0x9b: {  	v1 =	vmin.f32 v3, v2  }
0x9c: {  	(xrf1) =	vsort.ascd.msk.f32 $0xffff, v1, v1;
	_ =	sdelay $0x8  }
0x9d: {  	v1 =	vld [tilespmem:s16+$0xFFFFFF30];
	_ =	sdelay $0x2  }
0x9e: {  	v2, _, _ =	vpop (xrf1)  }
0x9f: {  	v2 =	vperm.xlane v2, v0  }
0xa0: {  	v3, _, _ =	vpop (xrf1);
	(xrf1) =	vsort.ascd.msk.f32 $0xffff, v1, v1  }
0xa1: {  	v1 =	vmin.f32 v3, v2  }
0xa2: {  	(xrf1) =	vsort.ascd.msk.f32 $0xffff, v1, v1;
	_ =	sdelay $0x8  }
0xa3: {  	v1 =	vld [tilespmem:s16+$0xFFFFFF40];
	_ =	sdelay $0x2  }
0xa4: {  	v2, _, _ =	vpop (xrf1)  }
0xa5: {  	v2 =	vperm.xlane v2, v0  }
0xa6: {  	v3, _, _ =	vpop (xrf1);
	(xrf1) =	vsort.ascd.msk.f32 $0xffff, v1, v1  }
0xa7: {  	v1 =	vmin.f32 v3, v2  }
0xa8: {  	(xrf1) =	vsort.ascd.msk.f32 $0xffff, v1, v1;
	_ =	sdelay $0x8  }
0xa9: {  	v1 =	vld [tilespmem:s16+$0xFFFFFF50];
	_ =	sdelay $0x2  }
0xaa: {  	v2, _, _ =	vpop (xrf1)  }
0xab: {  	v2 =	vperm.xlane v2, v0  }
0xac: {  	v3, _, _ =	vpop (xrf1);
	(xrf1) =	vsort.ascd.msk.f32 $0xffff, v1, v1  }
0xad: {  	v1 =	vmin.f32 v3, v2  }
0xae: {  	(xrf1) =	vsort.ascd.msk.f32 $0xffff, v1, v1;
	_ =	sdelay $0x8  }
0xaf: {  	v1 =	vld [tilespmem:s16+$0xFFFFFF60];
	_ =	sdelay $0x2  }
0xb0: {  	v2, _, _ =	vpop (xrf1)  }
0xb1: {  	v2 =	vperm.xlane v2, v0  }
0xb2: {  	v3, _, _ =	vpop (xrf1);
	(xrf1) =	vsort.ascd.msk.f32 $0xffff, v1, v1  }
0xb3: {  	v1 =	vmin.f32 v3, v2  }
0xb4: {  	(xrf1) =	vsort.ascd.msk.f32 $0xffff, v1, v1;
	_ =	sdelay $0x8  }
0xb5: {  	v1 =	vld [tilespmem:s16+$0xFFFFFF70];
	_ =	sdelay $0x2  }
0xb6: {  	v2, _, _ =	vpop (xrf1)  }
0xb7: {  	v2 =	vperm.xlane v2, v0  }
0xb8: {  	v3, _, _ =	vpop (xrf1);
	(xrf1) =	vsort.ascd.msk.f32 $0xffff, v1, v1  }
0xb9: {  	v1 =	vmin.f32 v3, v2  }
0xba: {  	(xrf1) =	vsort.ascd.msk.f32 $0xffff, v1, v1;
	_ =	sdelay $0x8  }
0xbb: {  	v1 =	vld [tilespmem:s16+$0xFFFFFF80];
	_ =	sdelay $0x2  }
0xbc: {  	v2, _, _ =	vpop (xrf1)  }
0xbd: {  	v2 =	vperm.xlane v2, v0  }
0xbe: {  	v3, _, _ =	vpop (xrf1);
	(xrf1) =	vsort.ascd.msk.f32 $0xffff, v1, v1  }
0xbf: {  	v1 =	vmin.f32 v3, v2  }
0xc0: {  	(xrf1) =	vsort.ascd.msk.f32 $0xffff, v1, v1;
	_ =	sdelay $0x8  }
0xc1: {  	v1 =	vld [tilespmem:s16+$0xFFFFFF90];
	_ =	sdelay $0x2  }
0xc2: {  	v2, _, _ =	vpop (xrf1)  }
0xc3: {  	v2 =	vperm.xlane v2, v0  }
0xc4: {  	v3, _, _ =	vpop (xrf1);
	(xrf1) =	vsort.ascd.msk.f32 $0xffff, v1, v1  }
0xc5: {  	v1 =	vmin.f32 v3, v2  }
0xc6: {  	(xrf1) =	vsort.ascd.msk.f32 $0xffff, v1, v1;
	_ =	sdelay $0x8  }
0xc7: {  	v1 =	vld [tilespmem:s16+$0xFFFFFFA0];
	_ =	sdelay $0x2  }
0xc8: {  	v2, _, _ =	vpop (xrf1)  }
0xc9: {  	v2 =	vperm.xlane v2, v0  }
0xca: {  	v3, _, _ =	vpop (xrf1);
	(xrf1) =	vsort.ascd.msk.f32 $0xffff, v1, v1  }
0xcb: {  	v1 =	vmin.f32 v3, v2  }
0xcc: {  	(xrf1) =	vsort.ascd.msk.f32 $0xffff, v1, v1;
	_ =	sdelay $0x8  }
0xcd: {  	v1 =	vld [tilespmem:s16+$0xFFFFFFB0];
	_ =	sdelay $0x2  }
0xce: {  	v2, _, _ =	vpop (xrf1)  }
0xcf: {  	v2 =	vperm.xlane v2, v0  }
0xd0: {  	v3, _, _ =	vpop (xrf1);
	(xrf1) =	vsort.ascd.msk.f32 $0xffff, v1, v1  }
0xd1: {  	v1 =	vmin.f32 v3, v2  }
0xd2: {  	(xrf1) =	vsort.ascd.msk.f32 $0xffff, v1, v1;
	_ =	sdelay $0x8  }
0xd3: {  	v1 =	vld [tilespmem:s16+$0xFFFFFFC0];
	_ =	sdelay $0x2  }
0xd4: {  	v2, _, _ =	vpop (xrf1)  }
0xd5: {  	v2 =	vperm.xlane v2, v0  }
0xd6: {  	v3, _, _ =	vpop (xrf1);
	(xrf1) =	vsort.ascd.msk.f32 $0xffff, v1, v1  }
0xd7: {  	v1 =	vmin.f32 v3, v2  }
0xd8: {  	(xrf1) =	vsort.ascd.msk.f32 $0xffff, v1, v1;
	_ =	sdelay $0x8  }
0xd9: {  	v1 =	vld [tilespmem:s16+$0xFFFFFFD0];
	_ =	sdelay $0x2  }
0xda: {  	v2, _, _ =	vpop (xrf1)  }
0xdb: {  	v2 =	vperm.xlane v2, v0  }
0xdc: {  	v3, _, _ =	vpop (xrf1);
	(xrf1) =	vsort.ascd.msk.f32 $0xffff, v1, v1  }
0xdd: {  	v1 =	vmin.f32 v3, v2  }
0xde: {  	(xrf1) =	vsort.ascd.msk.f32 $0xffff, v1, v1;
	_ =	sdelay $0x8  }
0xdf: {  	v1 =	vld [tilespmem:s16+$0xFFFFFFE0];
	_ =	sdelay $0x2  }
0xe0: {  	v2, _, _ =	vpop (xrf1)  }
0xe1: {  	v2 =	vperm.xlane v2, v0  }
0xe2: {  	v3, _, _ =	vpop (xrf1);
	(xrf1) =	vsort.ascd.msk.f32 $0xffff, v1, v1  }
0xe3: {  	v1 =	vmin.f32 v3, v2  }
0xe4: {  	(xrf1) =	vsort.ascd.msk.f32 $0xffff, v1, v1;
	_ =	sdelay $0x8  }
0xe5: {  	v1 =	vld [tilespmem:s16+$0xFFFFFFF0];
	_ =	sdelay $0x2  }
0xe6: {  	v2, _, _ =	vpop (xrf1)  }
0xe7: {  	v2 =	vperm.xlane v2, v0  }
0xe8: {  	v3, _, _ =	vpop (xrf1);
	(xrf1) =	vsort.ascd.msk.f32 $0xffff, v1, v1  }
0xe9: {  	v1 =	vmin.f32 v3, v2  }
0xea: {  	(xrf1) =	vsort.ascd.msk.f32 $0xffff, v1, v1;
	_ =	sdelay $0x8  }
0xeb: {  	v1 =	vld [tilespmem:s16+$0x0];
	_ =	sdelay $0x2  }
0xec: {  	v2, _, _ =	vpop (xrf1)  }
0xed: {  	v2 =	vperm.xlane v2, v0  }
0xee: {  	v3, _, _ =	vpop (xrf1);
	(xrf1) =	vsort.ascd.msk.f32 $0xffff, v1, v1  }
0xef: {  	v1 =	vmin.f32 v3, v2  }
0xf0: {  	(xrf1) =	vsort.ascd.msk.f32 $0xffff, v1, v1;
	_ =	sdelay $0x8  }
0xf1: {  	v1 =	vld [tilespmem:s16+$0x10];
	_ =	sdelay $0x2  }
0xf2: {  	v2, _, _ =	vpop (xrf1)  }
0xf3: {  	v2 =	vperm.xlane v2, v0  }
0xf4: {  	v3, _, _ =	vpop (xrf1);
	(xrf1) =	vsort.ascd.msk.f32 $0xffff, v1, v1  }
0xf5: {  	v1 =	vmin.f32 v3, v2  }
0xf6: {  	(xrf1) =	vsort.ascd.msk.f32 $0xffff, v1, v1;
	_ =	sdelay $0x8  }
0xf7: {  	v1 =	vld [tilespmem:s16+$0x20];
	_ =	sdelay $0x2  }
0xf8: {  	v2, _, _ =	vpop (xrf1)  }
0xf9: {  	v2 =	vperm.xlane v2, v0  }
0xfa: {  	v3, _, _ =	vpop (xrf1);
	(xrf1) =	vsort.ascd.msk.f32 $0xffff, v1, v1  }
0xfb: {  	v1 =	vmin.f32 v3, v2  }
0xfc: {  	(xrf1) =	vsort.ascd.msk.f32 $0xffff, v1, v1;
	_ =	sdelay $0x8  }
0xfd: {  	v1 =	vld [tilespmem:s16+$0x30];
	_ =	sdelay $0x2  }
0xfe: {  	v2, _, _ =	vpop (xrf1)  }
0xff: {  	v2 =	vperm.xlane v2, v0  }
0x100: {  	v3, _, _ =	vpop (xrf1);
	(xrf1) =	vsort.ascd.msk.f32 $0xffff, v1, v1  }
0x101: {  	v1 =	vmin.f32 v3, v2  }
0x102: {  	(xrf1) =	vsort.ascd.msk.f32 $0xffff, v1, v1;
	_ =	sdelay $0x8  }
0x103: {  	v1 =	vld [tilespmem:s16+$0x40];
	_ =	sdelay $0x2  }
0x104: {  	v2, _, _ =	vpop (xrf1)  }
0x105: {  	v2 =	vperm.xlane v2, v0  }
0x106: {  	v3, _, _ =	vpop (xrf1);
	(xrf1) =	vsort.ascd.msk.f32 $0xffff, v1, v1  }
0x107: {  	v1 =	vmin.f32 v3, v2  }
0x108: {  	(xrf1) =	vsort.ascd.msk.f32 $0xffff, v1, v1;
	_ =	sdelay $0x8  }
0x109: {  	v1 =	vld [tilespmem:s16+$0x50];
	_ =	sdelay $0x2  }
0x10a: {  	v2, _, _ =	vpop (xrf1)  }
0x10b: {  	v2 =	vperm.xlane v2, v0  }
0x10c: {  	v3, _, _ =	vpop (xrf1);
	(xrf1) =	vsort.ascd.msk.f32 $0xffff, v1, v1  }
0x10d: {  	v1 =	vmin.f32 v3, v2  }
0x10e: {  	(xrf1) =	vsort.ascd.msk.f32 $0xffff, v1, v1;
	_ =	sdelay $0x8  }
0x10f: {  	v1 =	vld [tilespmem:s16+$0x60];
	_ =	sdelay $0x2  }
0x110: {  	v2, _, _ =	vpop (xrf1)  }
0x111: {  	v2 =	vperm.xlane v2, v0  }
0x112: {  	v3, _, _ =	vpop (xrf1);
	(xrf1) =	vsort.ascd.msk.f32 $0xffff, v1, v1  }
0x113: {  	v1 =	vmin.f32 v3, v2  }
0x114: {  	(xrf1) =	vsort.ascd.msk.f32 $0xffff, v1, v1;
	_ =	sdelay $0x8  }
0x115: {  	v1 =	vld [tilespmem:s16+$0x70];
	_ =	sdelay $0x2  }
0x116: {  	v2, _, _ =	vpop (xrf1)  }
0x117: {  	v2 =	vperm.xlane v2, v0  }
0x118: {  	v3, _, _ =	vpop (xrf1);
	(xrf1) =	vsort.ascd.msk.f32 $0xffff, v1, v1  }
0x119: {  	v1 =	vmin.f32 v3, v2  }
0x11a: {  	(xrf1) =	vsort.ascd.msk.f32 $0xffff, v1, v1;
	_ =	sdelay $0x8  }
0x11b: {  	v1 =	vld [tilespmem:s16+$0x80];
	_ =	sdelay $0x2  }
0x11c: {  	v2, _, _ =	vpop (xrf1)  }
0x11d: {  	v2 =	vperm.xlane v2, v0  }
0x11e: {  	v3, _, _ =	vpop (xrf1);
	(xrf1) =	vsort.ascd.msk.f32 $0xffff, v1, v1  }
0x11f: {  	v1 =	vmin.f32 v3, v2  }
0x120: {  	(xrf1) =	vsort.ascd.msk.f32 $0xffff, v1, v1;
	_ =	sdelay $0x8  }
0x121: {  	v1 =	vld [tilespmem:s16+$0x90];
	_ =	sdelay $0x2  }
0x122: {  	v2, _, _ =	vpop (xrf1)  }
0x123: {  	v2 =	vperm.xlane v2, v0  }
0x124: {  	v3, _, _ =	vpop (xrf1);
	(xrf1) =	vsort.ascd.msk.f32 $0xffff, v1, v1  }
0x125: {  	v1 =	vmin.f32 v3, v2  }
0x126: {  	(xrf1) =	vsort.ascd.msk.f32 $0xffff, v1, v1;
	_ =	sdelay $0x8  }
0x127: {  	v1 =	vld [tilespmem:s16+$0xA0];
	_ =	sdelay $0x2  }
0x128: {  	v2, _, _ =	vpop (xrf1)  }
0x129: {  	v2 =	vperm.xlane v2, v0  }
0x12a: {  	v3, _, _ =	vpop (xrf1);
	(xrf1) =	vsort.ascd.msk.f32 $0xffff, v1, v1  }
0x12b: {  	v1 =	vmin.f32 v3, v2  }
0x12c: {  	(xrf1) =	vsort.ascd.msk.f32 $0xffff, v1, v1;
	_ =	sdelay $0x8  }
0x12d: {  	v1 =	vld [tilespmem:s16+$0xB0];
	_ =	sdelay $0x2  }
0x12e: {  	v2, _, _ =	vpop (xrf1)  }
0x12f: {  	v2 =	vperm.xlane v2, v0  }
0x130: {  	v3, _, _ =	vpop (xrf1);
	(xrf1) =	vsort.ascd.msk.f32 $0xffff, v1, v1  }
0x131: {  	v1 =	vmin.f32 v3, v2  }
0x132: {  	(xrf1) =	vsort.ascd.msk.f32 $0xffff, v1, v1;
	_ =	sdelay $0x8  }
0x133: {  	v1 =	vld [tilespmem:s16+$0xC0];
	_ =	sdelay $0x2  }
0x134: {  	v2, _, _ =	vpop (xrf1)  }
0x135: {  	v2 =	vperm.xlane v2, v0  }
0x136: {  	v3, _, _ =	vpop (xrf1);
	(xrf1) =	vsort.ascd.msk.f32 $0xffff, v1, v1  }
0x137: {  	v1 =	vmin.f32 v3, v2  }
0x138: {  	(xrf1) =	vsort.ascd.msk.f32 $0xffff, v1, v1;
	_ =	sdelay $0x8  }
0x139: {  	v1 =	vld [tilespmem:s16+$0xD0];
	_ =	sdelay $0x2  }
0x13a: {  	v2, _, _ =	vpop (xrf1)  }
0x13b: {  	v2 =	vperm.xlane v2, v0  }
0x13c: {  	v3, _, _ =	vpop (xrf1);
	(xrf1) =	vsort.ascd.msk.f32 $0xffff, v1, v1  }
0x13d: {  	v1 =	vmin.f32 v3, v2  }
0x13e: {  	(xrf1) =	vsort.ascd.msk.f32 $0xffff, v1, v1;
	_ =	sdelay $0x8  }
0x13f: {  	v1 =	vld [tilespmem:s16+$0xE0];
	_ =	sdelay $0x2  }
0x140: {  	v2, _, _ =	vpop (xrf1)  }
0x141: {  	v2 =	vperm.xlane v2, v0  }
0x142: {  	v3, _, _ =	vpop (xrf1);
	(xrf1) =	vsort.ascd.msk.f32 $0xffff, v1, v1  }
0x143: {  	v1 =	vmin.f32 v3, v2  }
0x144: {  	(xrf1) =	vsort.ascd.msk.f32 $0xffff, v1, v1;
	_ =	sdelay $0x8  }
0x145: {  	v1 =	vld [tilespmem:s16+$0xF0];
	_ =	sdelay $0x2  }
0x146: {  	v2, _, _ =	vpop (xrf1)  }
0x147: {  	v2 =	vperm.xlane v2, v0  }
0x148: {  	v3, _, _ =	vpop (xrf1);
	(xrf1) =	vsort.ascd.msk.f32 $0xffff, v1, v1  }
0x149: {  	v1 =	vmin.f32 v3, v2  }
0x14a: {  	(xrf1) =	vsort.ascd.msk.f32 $0xffff, v1, v1;
	_ =	sdelay $0x8  }
0x14b: {  	v1 =	vld [tilespmem:s16+$0x100];
	_ =	sdelay $0x2  }
0x14c: {  	v2, _, _ =	vpop (xrf1)  }
0x14d: {  	v2 =	vperm.xlane v2, v0  }
0x14e: {  	v3, _, _ =	vpop (xrf1);
	(xrf1) =	vsort.ascd.msk.f32 $0xffff, v1, v1  }
0x14f: {  	v1 =	vmin.f32 v3, v2  }
0x150: {  	(xrf1) =	vsort.ascd.msk.f32 $0xffff, v1, v1;
	_ =	sdelay $0x8  }
0x151: {  	v1 =	vld [tilespmem:s16+$0x110];
	_ =	sdelay $0x2  }
0x152: {  	v2, _, _ =	vpop (xrf1)  }
0x153: {  	v2 =	vperm.xlane v2, v0  }
0x154: {  	v3, _, _ =	vpop (xrf1);
	(xrf1) =	vsort.ascd.msk.f32 $0xffff, v1, v1  }
0x155: {  	v1 =	vmin.f32 v3, v2  }
0x156: {  	(xrf1) =	vsort.ascd.msk.f32 $0xffff, v1, v1;
	_ =	sdelay $0x8  }
0x157: {  	v1 =	vld [tilespmem:s16+$0x120];
	_ =	sdelay $0x2  }
0x158: {  	v2, _, _ =	vpop (xrf1)  }
0x159: {  	v2 =	vperm.xlane v2, v0  }
0x15a: {  	v3, _, _ =	vpop (xrf1);
	(xrf1) =	vsort.ascd.msk.f32 $0xffff, v1, v1  }
0x15b: {  	v1 =	vmin.f32 v3, v2  }
0x15c: {  	(xrf1) =	vsort.ascd.msk.f32 $0xffff, v1, v1;
	_ =	sdelay $0x8  }
0x15d: {  	v1 =	vld [tilespmem:s16+$0x130];
	_ =	sdelay $0x2  }
0x15e: {  	v2, _, _ =	vpop (xrf1)  }
0x15f: {  	v2 =	vperm.xlane v2, v0  }
0x160: {  	v3, _, _ =	vpop (xrf1);
	(xrf1) =	vsort.ascd.msk.f32 $0xffff, v1, v1  }
0x161: {  	v1 =	vmin.f32 v3, v2  }
0x162: {  	(xrf1) =	vsort.ascd.msk.f32 $0xffff, v1, v1;
	_ =	sdelay $0x8  }
0x163: {  	v1 =	vld [tilespmem:s16+$0x140];
	_ =	sdelay $0x2  }
0x164: {  	v2, _, _ =	vpop (xrf1)  }
0x165: {  	v2 =	vperm.xlane v2, v0  }
0x166: {  	v3, _, _ =	vpop (xrf1);
	(xrf1) =	vsort.ascd.msk.f32 $0xffff, v1, v1  }
0x167: {  	v1 =	vmin.f32 v3, v2  }
0x168: {  	(xrf1) =	vsort.ascd.msk.f32 $0xffff, v1, v1;
	_ =	sdelay $0x8  }
0x169: {  	v1 =	vld [tilespmem:s16+$0x150];
	_ =	sdelay $0x2  }
0x16a: {  	v2, _, _ =	vpop (xrf1)  }
0x16b: {  	v2 =	vperm.xlane v2, v0  }
0x16c: {  	v3, _, _ =	vpop (xrf1);
	(xrf1) =	vsort.ascd.msk.f32 $0xffff, v1, v1  }
0x16d: {  	v1 =	vmin.f32 v3, v2  }
0x16e: {  	(xrf1) =	vsort.ascd.msk.f32 $0xffff, v1, v1;
	_ =	sdelay $0x8  }
0x16f: {  	v1 =	vld [tilespmem:s16+$0x160];
	_ =	sdelay $0x2  }
0x170: {  	v2, _, _ =	vpop (xrf1)  }
0x171: {  	v2 =	vperm.xlane v2, v0  }
0x172: {  	v3, _, _ =	vpop (xrf1);
	(xrf1) =	vsort.ascd.msk.f32 $0xffff, v1, v1  }
0x173: {  	v1 =	vmin.f32 v3, v2  }
0x174: {  	(xrf1) =	vsort.ascd.msk.f32 $0xffff, v1, v1;
	_ =	sdelay $0x8  }
0x175: {  	v1 =	vld [tilespmem:s16+$0x170];
	_ =	sdelay $0x2  }
0x176: {  	v2, _, _ =	vpop (xrf1)  }
0x177: {  	v2 =	vperm.xlane v2, v0  }
0x178: {  	v3, _, _ =	vpop (xrf1);
	(xrf1) =	vsort.ascd.msk.f32 $0xffff, v1, v1  }
0x179: {  	v1 =	vmin.f32 v3, v2  }
0x17a: {  	(xrf1) =	vsort.ascd.msk.f32 $0xffff, v1, v1;
	_ =	sdelay $0x8  }
0x17b: {  	v1 =	vld [tilespmem:s16+$0x180];
	_ =	sdelay $0x2  }
0x17c: {  	v2, _, _ =	vpop (xrf1)  }
0x17d: {  	v2 =	vperm.xlane v2, v0  }
0x17e: {  	v3, _, _ =	vpop (xrf1);
	(xrf1) =	vsort.ascd.msk.f32 $0xffff, v1, v1  }
0x17f: {  	v1 =	vmin.f32 v3, v2  }
0x180: {  	(xrf1) =	vsort.ascd.msk.f32 $0xffff, v1, v1;
	_ =	sdelay $0x8  }
0x181: {  	v1 =	vld [tilespmem:s16+$0x190];
	_ =	sdelay $0x2  }
0x182: {  	v2, _, _ =	vpop (xrf1)  }
0x183: {  	v2 =	vperm.xlane v2, v0  }
0x184: {  	v3, _, _ =	vpop (xrf1);
	(xrf1) =	vsort.ascd.msk.f32 $0xffff, v1, v1  }
0x185: {  	v1 =	vmin.f32 v3, v2  }
0x186: {  	(xrf1) =	vsort.ascd.msk.f32 $0xffff, v1, v1;
	_ =	sdelay $0x8  }
0x187: {  	v1 =	vld [tilespmem:s16+$0x1A0];
	_ =	sdelay $0x2  }
0x188: {  	v2, _, _ =	vpop (xrf1)  }
0x189: {  	v2 =	vperm.xlane v2, v0  }
0x18a: {  	v3, _, _ =	vpop (xrf1);
	(xrf1) =	vsort.ascd.msk.f32 $0xffff, v1, v1  }
0x18b: {  	v1 =	vmin.f32 v3, v2  }
0x18c: {  	(xrf1) =	vsort.ascd.msk.f32 $0xffff, v1, v1;
	_ =	sdelay $0x8  }
0x18d: {  	v1 =	vld [tilespmem:s16+$0x1B0];
	_ =	sdelay $0x2  }
0x18e: {  	v2, _, _ =	vpop (xrf1)  }
0x18f: {  	v2 =	vperm.xlane v2, v0  }
0x190: {  	v3, _, _ =	vpop (xrf1);
	(xrf1) =	vsort.ascd.msk.f32 $0xffff, v1, v1  }
0x191: {  	v1 =	vmin.f32 v3, v2  }
0x192: {  	(xrf1) =	vsort.ascd.msk.f32 $0xffff, v1, v1;
	_ =	sdelay $0x8  }
0x193: {  	v1 =	vld [tilespmem:s16+$0x1C0];
	_ =	sdelay $0x2  }
0x194: {  	v2, _, _ =	vpop (xrf1)  }
0x195: {  	v2 =	vperm.xlane v2, v0  }
0x196: {  	v3, _, _ =	vpop (xrf1);
	(xrf1) =	vsort.ascd.msk.f32 $0xffff, v1, v1  }
0x197: {  	v1 =	vmin.f32 v3, v2  }
0x198: {  	(xrf1) =	vsort.ascd.msk.f32 $0xffff, v1, v1;
	_ =	sdelay $0x8  }
0x199: {  	v1 =	vld [tilespmem:s16+$0x1D0];
	_ =	sdelay $0x2  }
0x19a: {  	v2, _, _ =	vpop (xrf1)  }
0x19b: {  	v2 =	vperm.xlane v2, v0  }
0x19c: {  	v3, _, _ =	vpop (xrf1);
	(xrf1) =	vsort.ascd.msk.f32 $0xffff, v1, v1  }
0x19d: {  	v1 =	vmin.f32 v3, v2  }
0x19e: {  	(xrf1) =	vsort.ascd.msk.f32 $0xffff, v1, v1;
	_ =	sdelay $0x8  }
0x19f: {  	v1 =	vld [tilespmem:s16+$0x1E0];
	_ =	sdelay $0x2  }
0x1a0: {  	v2, _, _ =	vpop (xrf1)  }
0x1a1: {  	v2 =	vperm.xlane v2, v0  }
0x1a2: {  	v3, _, _ =	vpop (xrf1);
	(xrf1) =	vsort.ascd.msk.f32 $0xffff, v1, v1  }
0x1a3: {  	v1 =	vmin.f32 v3, v2  }
0x1a4: {  	(xrf1) =	vsort.ascd.msk.f32 $0xffff, v1, v1;
	_ =	sdelay $0x8  }
0x1a5: {  	v1 =	vld [tilespmem:s16+$0x1F0];
	_ =	sdelay $0x2  }
0x1a6: {  	v2, _, _ =	vpop (xrf1)  }
0x1a7: {  	v2 =	vperm.xlane v2, v0  }
0x1a8: {  	v3, _, _ =	vpop (xrf1);
	(xrf1) =	vsort.ascd.msk.f32 $0xffff, v1, v1  }
0x1a9: {  	v1 =	vmin.f32 v3, v2  }
0x1aa: {  	(xrf1) =	vsort.ascd.msk.f32 $0xffff, v1, v1;
	_ =	sdelay $0x8  }
0x1ab: {  	v1 =	vld [tilespmem:s16+$0x200];
	_ =	sdelay $0x2  }
0x1ac: {  	v2, _, _ =	vpop (xrf1)  }
0x1ad: {  	v2 =	vperm.xlane v2, v0  }
0x1ae: {  	v3, _, _ =	vpop (xrf1);
	(xrf1) =	vsort.ascd.msk.f32 $0xffff, v1, v1  }
0x1af: {  	v1 =	vmin.f32 v3, v2  }
0x1b0: {  	(xrf1) =	vsort.ascd.msk.f32 $0xffff, v1, v1;
	_ =	sdelay $0x8  }
0x1b1: {  	v1 =	vld [tilespmem:s16+$0x210];
	_ =	sdelay $0x2  }
0x1b2: {  	v2, _, _ =	vpop (xrf1)  }
0x1b3: {  	v2 =	vperm.xlane v2, v0  }
0x1b4: {  	v3, _, _ =	vpop (xrf1);
	(xrf1) =	vsort.ascd.msk.f32 $0xffff, v1, v1  }
0x1b5: {  	v1 =	vmin.f32 v3, v2  }
0x1b6: {  	(xrf1) =	vsort.ascd.msk.f32 $0xffff, v1, v1;
	_ =	sdelay $0x8  }
0x1b7: {  	v1 =	vld [tilespmem:s16+$0x220];
	_ =	sdelay $0x2  }
0x1b8: {  	v2, _, _ =	vpop (xrf1)  }
0x1b9: {  	v2 =	vperm.xlane v2, v0  }
0x1ba: {  	v3, _, _ =	vpop (xrf1);
	(xrf1) =	vsort.ascd.msk.f32 $0xffff, v1, v1  }
0x1bb: {  	v1 =	vmin.f32 v3, v2  }
0x1bc: {  	(xrf1) =	vsort.ascd.msk.f32 $0xffff, v1, v1;
	_ =	sdelay $0x8  }
0x1bd: {  	v1 =	vld [tilespmem:s16+$0x230];
	_ =	sdelay $0x2  }
0x1be: {  	v2, _, _ =	vpop (xrf1)  }
0x1bf: {  	v2 =	vperm.xlane v2, v0  }
0x1c0: {  	v3, _, _ =	vpop (xrf1);
	(xrf1) =	vsort.ascd.msk.f32 $0xffff, v1, v1  }
0x1c1: {  	v1 =	vmin.f32 v3, v2  }
0x1c2: {  	(xrf1) =	vsort.ascd.msk.f32 $0xffff, v1, v1;
	_ =	sdelay $0xb  }
0x1c3: {  	v1, _, _ =	vpop (xrf1)  }
0x1c4: {  	v1 =	vperm.xlane v1, v0  }
0x1c5: {  	v2, _, _ =	vpop (xrf1)  }
0x1c6: {  	v1 =	vmin.f32 v2, v1  }
0x1c7: {  	(xrf1) =	vsort.ascd.msk.f32 $0xffff, v1, v1;
	_ =	sdelay $0xb  }
.Ltmp0:
0x1c8: {  	(pc) =	sbr.rel @p0 .LBB2_3-.Ltmp0, $4  }
0x1c9: {  	_ = 	snop  }
0x1ca: {  	s18 =	sshra.s32 s15, $0x2;
	s15 =	smov.u32 s17;
	v1, _, _ =	vpop (xrf1)  }
0x1cb: {  	s16 =	sadd.s32 $0x800, s16;
	[tilespmem:s18+$0x4080] =	vst v1  }
0x1cc: {  	s17 =	sadd.s32 $0x40, s17;
	v1 =	vld [tilespmem:s16+$0xFFFFFDC0]  }
0x1cd: {  	_ =	sdelay $0x3  }
0x1ce: {  	(xrf1) =	vsort.ascd.msk.f32 $0xffff, v1, v1;
	_ =	sdelay $0xa  }
0x1cf: {  	v1 =	vld [tilespmem:s16+$0xFFFFFDD0];
	_ =	sdelay $0x2  }
0x1d0: {  	v2, _, _ =	vpop (xrf1)  }
0x1d1: {  	v2 =	vperm.xlane v2, v0  }
0x1d2: {  	(xrf1) =	vsort.ascd.msk.f32 $0xffff, v1, v1  }
0x1d3: {  	v1 =	vmin.f32 v2, $1.000000020e+30  }
0x1d4: {  	(xrf1) =	vsort.ascd.msk.f32 $0xffff, v1, v1;
	_ =	sdelay $0x8  }
0x1d5: {  	v1 =	vld [tilespmem:s16+$0xFFFFFDE0];
	_ =	sdelay $0x2  }
0x1d6: {  	v2, _, _ =	vpop (xrf1)  }
0x1d7: {  	v2 =	vperm.xlane v2, v0  }
0x1d8: {  	(xrf1) =	vsort.ascd.msk.f32 $0xffff, v1, v1;
	v3, _, _ =	vpop (xrf1)  }
0x1d9: {  	v1 =	vmin.f32 v3, v2  }
0x1da: {  	(xrf1) =	vsort.ascd.msk.f32 $0xffff, v1, v1;
	_ =	sdelay $0x8  }
0x1db: {  	v1 =	vld [tilespmem:s16+$0xFFFFFDF0];
	_ =	sdelay $0x2  }
0x1dc: {  	v2, _, _ =	vpop (xrf1)  }
0x1dd: {  	v2 =	vperm.xlane v2, v0  }
0x1de: {  	(xrf1) =	vsort.ascd.msk.f32 $0xffff, v1, v1;
	v3, _, _ =	vpop (xrf1)  }
0x1df: {  	v1 =	vmin.f32 v3, v2  }
0x1e0: {  	(xrf1) =	vsort.ascd.msk.f32 $0xffff, v1, v1;
	_ =	sdelay $0x8  }
0x1e1: {  	v1 =	vld [tilespmem:s16+$0xFFFFFE00];
	_ =	sdelay $0x2  }
0x1e2: {  	v2, _, _ =	vpop (xrf1)  }
0x1e3: {  	v2 =	vperm.xlane v2, v0  }
0x1e4: {  	(xrf1) =	vsort.ascd.msk.f32 $0xffff, v1, v1;
	v3, _, _ =	vpop (xrf1)  }
0x1e5: {  	v1 =	vmin.f32 v3, v2  }
0x1e6: {  	(xrf1) =	vsort.ascd.msk.f32 $0xffff, v1, v1;
	_ =	sdelay $0x8  }
0x1e7: {  	v1 =	vld [tilespmem:s16+$0xFFFFFE10];
	_ =	sdelay $0x2  }
0x1e8: {  	v2, _, _ =	vpop (xrf1)  }
0x1e9: {  	v2 =	vperm.xlane v2, v0  }
0x1ea: {  	(xrf1) =	vsort.ascd.msk.f32 $0xffff, v1, v1;
	v3, _, _ =	vpop (xrf1)  }
0x1eb: {  	v1 =	vmin.f32 v3, v2  }
0x1ec: {  	(xrf1) =	vsort.ascd.msk.f32 $0xffff, v1, v1;
	_ =	sdelay $0x8  }
0x1ed: {  	v1 =	vld [tilespmem:s16+$0xFFFFFE20];
	_ =	sdelay $0x2  }
0x1ee: {  	v2, _, _ =	vpop (xrf1)  }
0x1ef: {  	v2 =	vperm.xlane v2, v0  }
0x1f0: {  	(xrf1) =	vsort.ascd.msk.f32 $0xffff, v1, v1;
	v3, _, _ =	vpop (xrf1)  }
0x1f1: {  	v1 =	vmin.f32 v3, v2  }
0x1f2: {  	(xrf1) =	vsort.ascd.msk.f32 $0xffff, v1, v1;
	_ =	sdelay $0x8  }
0x1f3: {  	v1 =	vld [tilespmem:s16+$0xFFFFFE30];
	_ =	sdelay $0x2  }
0x1f4: {  	v2, _, _ =	vpop (xrf1)  }
0x1f5: {  	v2 =	vperm.xlane v2, v0  }
0x1f6: {  	(xrf1) =	vsort.ascd.msk.f32 $0xffff, v1, v1;
	v3, _, _ =	vpop (xrf1)  }
0x1f7: {  	v1 =	vmin.f32 v3, v2  }
0x1f8: {  	(xrf1) =	vsort.ascd.msk.f32 $0xffff, v1, v1;
	_ =	sdelay $0x8  }
0x1f9: {  	v1 =	vld [tilespmem:s16+$0xFFFFFE40];
	_ =	sdelay $0x2  }
0x1fa: {  	v2, _, _ =	vpop (xrf1)  }
0x1fb: {  	v2 =	vperm.xlane v2, v0  }
0x1fc: {  	(xrf1) =	vsort.ascd.msk.f32 $0xffff, v1, v1;
	v3, _, _ =	vpop (xrf1)  }
0x1fd: {  	v1 =	vmin.f32 v3, v2  }
0x1fe: {  	(xrf1) =	vsort.ascd.msk.f32 $0xffff, v1, v1;
	_ =	sdelay $0x8  }
0x1ff: {  	v1 =	vld [tilespmem:s16+$0xFFFFFE50];
	_ =	sdelay $0x2  }
0x200: {  	v2, _, _ =	vpop (xrf1)  }
0x201: {  	v2 =	vperm.xlane v2, v0  }
0x202: {  	(xrf1) =	vsort.ascd.msk.f32 $0xffff, v1, v1;
	v3, _, _ =	vpop (xrf1)  }
0x203: {  	v1 =	vmin.f32 v3, v2  }
0x204: {  	(xrf1) =	vsort.ascd.msk.f32 $0xffff, v1, v1;
	_ =	sdelay $0x8  }
0x205: {  	v1 =	vld [tilespmem:s16+$0xFFFFFE60];
	_ =	sdelay $0x2  }
0x206: {  	v2, _, _ =	vpop (xrf1)  }
0x207: {  	v2 =	vperm.xlane v2, v0  }
0x208: {  	(xrf1) =	vsort.ascd.msk.f32 $0xffff, v1, v1;
	v3, _, _ =	vpop (xrf1)  }
0x209: {  	v1 =	vmin.f32 v3, v2  }
0x20a: {  	(xrf1) =	vsort.ascd.msk.f32 $0xffff, v1, v1;
	_ =	sdelay $0x8  }
0x20b: {  	v1 =	vld [tilespmem:s16+$0xFFFFFE70];
	_ =	sdelay $0x2  }
0x20c: {  	v2, _, _ =	vpop (xrf1)  }
0x20d: {  	v2 =	vperm.xlane v2, v0  }
0x20e: {  	(xrf1) =	vsort.ascd.msk.f32 $0xffff, v1, v1;
	v3, _, _ =	vpop (xrf1)  }
0x20f: {  	v1 =	vmin.f32 v3, v2  }
0x210: {  	(xrf1) =	vsort.ascd.msk.f32 $0xffff, v1, v1;
	_ =	sdelay $0x8  }
0x211: {  	v1 =	vld [tilespmem:s16+$0xFFFFFE80];
	_ =	sdelay $0x2  }
0x212: {  	v2, _, _ =	vpop (xrf1)  }
0x213: {  	v2 =	vperm.xlane v2, v0  }
0x214: {  	(xrf1) =	vsort.ascd.msk.f32 $0xffff, v1, v1;
	v3, _, _ =	vpop (xrf1)  }
0x215: {  	v1 =	vmin.f32 v3, v2  }
0x216: {  	(xrf1) =	vsort.ascd.msk.f32 $0xffff, v1, v1;
	_ =	sdelay $0x8  }
0x217: {  	v1 =	vld [tilespmem:s16+$0xFFFFFE90];
	_ =	sdelay $0x2  }
0x218: {  	v2, _, _ =	vpop (xrf1)  }
0x219: {  	v2 =	vperm.xlane v2, v0  }
0x21a: {  	(xrf1) =	vsort.ascd.msk.f32 $0xffff, v1, v1;
	v3, _, _ =	vpop (xrf1)  }
0x21b: {  	v1 =	vmin.f32 v3, v2  }
0x21c: {  	(xrf1) =	vsort.ascd.msk.f32 $0xffff, v1, v1;
	_ =	sdelay $0x8  }
0x21d: {  	v1 =	vld [tilespmem:s16+$0xFFFFFEA0];
	_ =	sdelay $0x2  }
0x21e: {  	v2, _, _ =	vpop (xrf1)  }
0x21f: {  	v2 =	vperm.xlane v2, v0  }
0x220: {  	(xrf1) =	vsort.ascd.msk.f32 $0xffff, v1, v1;
	v3, _, _ =	vpop (xrf1)  }
0x221: {  	v1 =	vmin.f32 v3, v2  }
0x222: {  	(xrf1) =	vsort.ascd.msk.f32 $0xffff, v1, v1;
	_ =	sdelay $0x8  }
0x223: {  	v1 =	vld [tilespmem:s16+$0xFFFFFEB0];
	_ =	sdelay $0x2  }
0x224: {  	v2, _, _ =	vpop (xrf1)  }
0x225: {  	v2 =	vperm.xlane v2, v0  }
0x226: {  	(xrf1) =	vsort.ascd.msk.f32 $0xffff, v1, v1;
	v3, _, _ =	vpop (xrf1)  }
0x227: {  	v1 =	vmin.f32 v3, v2  }
0x228: {  	(xrf1) =	vsort.ascd.msk.f32 $0xffff, v1, v1;
	_ =	sdelay $0x8  }
0x229: {  	v1 =	vld [tilespmem:s16+$0xFFFFFEC0];
	_ =	sdelay $0x2  }
0x22a: {  	v2, _, _ =	vpop (xrf1)  }
0x22b: {  	v2 =	vperm.xlane v2, v0  }
0x22c: {  	(xrf1) =	vsort.ascd.msk.f32 $0xffff, v1, v1;
	v3, _, _ =	vpop (xrf1)  }
0x22d: {  	v1 =	vmin.f32 v3, v2  }
0x22e: {  	(xrf1) =	vsort.ascd.msk.f32 $0xffff, v1, v1;
	_ =	sdelay $0x8  }
0x22f: {  	v1 =	vld [tilespmem:s16+$0xFFFFFED0];
	_ =	sdelay $0x2  }
0x230: {  	v2, _, _ =	vpop (xrf1)  }
0x231: {  	v2 =	vperm.xlane v2, v0  }
0x232: {  	(xrf1) =	vsort.ascd.msk.f32 $0xffff, v1, v1;
	v3, _, _ =	vpop (xrf1)  }
0x233: {  	v1 =	vmin.f32 v3, v2  }
0x234: {  	(xrf1) =	vsort.ascd.msk.f32 $0xffff, v1, v1;
	_ =	sdelay $0x8  }
0x235: {  	v1 =	vld [tilespmem:s16+$0xFFFFFEE0];
	_ =	sdelay $0x2  }
0x236: {  	v2, _, _ =	vpop (xrf1)  }
0x237: {  	v2 =	vperm.xlane v2, v0  }
0x238: {  	(xrf1) =	vsort.ascd.msk.f32 $0xffff, v1, v1;
	v3, _, _ =	vpop (xrf1)  }
0x239: {  	v1 =	vmin.f32 v3, v2  }
0x23a: {  	(xrf1) =	vsort.ascd.msk.f32 $0xffff, v1, v1;
	_ =	sdelay $0x8  }
0x23b: {  	v1 =	vld [tilespmem:s16+$0xFFFFFEF0];
	_ =	sdelay $0x2  }
0x23c: {  	v2, _, _ =	vpop (xrf1)  }
0x23d: {  	v2 =	vperm.xlane v2, v0  }
0x23e: {  	(xrf1) =	vsort.ascd.msk.f32 $0xffff, v1, v1;
	v3, _, _ =	vpop (xrf1)  }
0x23f: {  	v1 =	vmin.f32 v3, v2  }
0x240: {  	(xrf1) =	vsort.ascd.msk.f32 $0xffff, v1, v1;
	_ =	sdelay $0x8  }
0x241: {  	v1 =	vld [tilespmem:s16+$0xFFFFFF00];
	_ =	sdelay $0x2  }
0x242: {  	v2, _, _ =	vpop (xrf1)  }
0x243: {  	v2 =	vperm.xlane v2, v0  }
0x244: {  	(xrf1) =	vsort.ascd.msk.f32 $0xffff, v1, v1;
	v3, _, _ =	vpop (xrf1)  }
0x245: {  	v1 =	vmin.f32 v3, v2  }
0x246: {  	(xrf1) =	vsort.ascd.msk.f32 $0xffff, v1, v1;
	_ =	sdelay $0x8  }
0x247: {  	v1 =	vld [tilespmem:s16+$0xFFFFFF10];
	_ =	sdelay $0x2  }
0x248: {  	v2, _, _ =	vpop (xrf1)  }
0x249: {  	v2 =	vperm.xlane v2, v0  }
0x24a: {  	(xrf1) =	vsort.ascd.msk.f32 $0xffff, v1, v1;
	v3, _, _ =	vpop (xrf1)  }
0x24b: {  	v1 =	vmin.f32 v3, v2  }
0x24c: {  	(xrf1) =	vsort.ascd.msk.f32 $0xffff, v1, v1;
	_ =	sdelay $0x8  }
0x24d: {  	v1 =	vld [tilespmem:s16+$0xFFFFFF20];
	_ =	sdelay $0x2  }
0x24e: {  	v2, _, _ =	vpop (xrf1)  }
0x24f: {  	v2 =	vperm.xlane v2, v0  }
0x250: {  	(xrf1) =	vsort.ascd.msk.f32 $0xffff, v1, v1;
	v3, _, _ =	vpop (xrf1)  }
0x251: {  	v1 =	vmin.f32 v3, v2  }
0x252: {  	(xrf1) =	vsort.ascd.msk.f32 $0xffff, v1, v1;
	_ =	sdelay $0x8  }
0x253: {  	v1 =	vld [tilespmem:s16+$0xFFFFFF30];
	_ =	sdelay $0x2  }
0x254: {  	v2, _, _ =	vpop (xrf1)  }
0x255: {  	v2 =	vperm.xlane v2, v0  }
0x256: {  	(xrf1) =	vsort.ascd.msk.f32 $0xffff, v1, v1;
	v3, _, _ =	vpop (xrf1)  }
0x257: {  	v1 =	vmin.f32 v3, v2  }
0x258: {  	(xrf1) =	vsort.ascd.msk.f32 $0xffff, v1, v1;
	_ =	sdelay $0x8  }
0x259: {  	v1 =	vld [tilespmem:s16+$0xFFFFFF40];
	_ =	sdelay $0x2  }
0x25a: {  	v2, _, _ =	vpop (xrf1)  }
0x25b: {  	v2 =	vperm.xlane v2, v0  }
0x25c: {  	(xrf1) =	vsort.ascd.msk.f32 $0xffff, v1, v1;
	v3, _, _ =	vpop (xrf1)  }
0x25d: {  	v1 =	vmin.f32 v3, v2  }
0x25e: {  	(xrf1) =	vsort.ascd.msk.f32 $0xffff, v1, v1;
	_ =	sdelay $0x8  }
0x25f: {  	v1 =	vld [tilespmem:s16+$0xFFFFFF50];
	_ =	sdelay $0x2  }
0x260: {  	v2, _, _ =	vpop (xrf1)  }
0x261: {  	v2 =	vperm.xlane v2, v0  }
0x262: {  	(xrf1) =	vsort.ascd.msk.f32 $0xffff, v1, v1;
	v3, _, _ =	vpop (xrf1)  }
0x263: {  	v1 =	vmin.f32 v3, v2  }
0x264: {  	(xrf1) =	vsort.ascd.msk.f32 $0xffff, v1, v1;
	_ =	sdelay $0x8  }
0x265: {  	v1 =	vld [tilespmem:s16+$0xFFFFFF60];
	_ =	sdelay $0x2  }
0x266: {  	v2, _, _ =	vpop (xrf1)  }
0x267: {  	v2 =	vperm.xlane v2, v0  }
0x268: {  	(xrf1) =	vsort.ascd.msk.f32 $0xffff, v1, v1;
	v3, _, _ =	vpop (xrf1)  }
0x269: {  	v1 =	vmin.f32 v3, v2  }
0x26a: {  	(xrf1) =	vsort.ascd.msk.f32 $0xffff, v1, v1;
	_ =	sdelay $0x8  }
0x26b: {  	v1 =	vld [tilespmem:s16+$0xFFFFFF70];
	_ =	sdelay $0x2  }
0x26c: {  	v2, _, _ =	vpop (xrf1)  }
0x26d: {  	v2 =	vperm.xlane v2, v0  }
0x26e: {  	(xrf1) =	vsort.ascd.msk.f32 $0xffff, v1, v1;
	v3, _, _ =	vpop (xrf1)  }
0x26f: {  	v1 =	vmin.f32 v3, v2  }
0x270: {  	(xrf1) =	vsort.ascd.msk.f32 $0xffff, v1, v1;
	_ =	sdelay $0x8  }
0x271: {  	v1 =	vld [tilespmem:s16+$0xFFFFFF80];
	_ =	sdelay $0x2  }
0x272: {  	v2, _, _ =	vpop (xrf1)  }
0x273: {  	v2 =	vperm.xlane v2, v0  }
0x274: {  	(xrf1) =	vsort.ascd.msk.f32 $0xffff, v1, v1;
	v3, _, _ =	vpop (xrf1)  }
0x275: {  	v1 =	vmin.f32 v3, v2  }
0x276: {  	(xrf1) =	vsort.ascd.msk.f32 $0xffff, v1, v1;
	_ =	sdelay $0x8  }
0x277: {  	v1 =	vld [tilespmem:s16+$0xFFFFFF90];
	_ =	sdelay $0x2  }
0x278: {  	v2, _, _ =	vpop (xrf1)  }
0x279: {  	v2 =	vperm.xlane v2, v0  }
0x27a: {  	(xrf1) =	vsort.ascd.msk.f32 $0xffff, v1, v1;
	v3, _, _ =	vpop (xrf1)  }
0x27b: {  	v1 =	vmin.f32 v3, v2  }
0x27c: {  	(xrf1) =	vsort.ascd.msk.f32 $0xffff, v1, v1;
	_ =	sdelay $0x8  }
0x27d: {  	v1 =	vld [tilespmem:s16+$0xFFFFFFA0];
	_ =	sdelay $0x2  }
0x27e: {  	v2, _, _ =	vpop (xrf1)  }
0x27f: {  	v2 =	vperm.xlane v2, v0  }
0x280: {  	(xrf1) =	vsort.ascd.msk.f32 $0xffff, v1, v1;
	v3, _, _ =	vpop (xrf1)  }
0x281: {  	v1 =	vmin.f32 v3, v2  }
0x282: {  	(xrf1) =	vsort.ascd.msk.f32 $0xffff, v1, v1;
	_ =	sdelay $0x8  }
0x283: {  	v1 =	vld [tilespmem:s16+$0xFFFFFFB0];
	_ =	sdelay $0x2  }
0x284: {  	v2, _, _ =	vpop (xrf1)  }
0x285: {  	v2 =	vperm.xlane v2, v0  }
0x286: {  	(xrf1) =	vsort.ascd.msk.f32 $0xffff, v1, v1;
	v3, _, _ =	vpop (xrf1)  }
0x287: {  	v1 =	vmin.f32 v3, v2  }
0x288: {  	(xrf1) =	vsort.ascd.msk.f32 $0xffff, v1, v1;
	_ =	sdelay $0x8  }
0x289: {  	v1 =	vld [tilespmem:s16+$0xFFFFFFC0];
	_ =	sdelay $0x2  }
0x28a: {  	v2, _, _ =	vpop (xrf1)  }
0x28b: {  	v2 =	vperm.xlane v2, v0  }
0x28c: {  	(xrf1) =	vsort.ascd.msk.f32 $0xffff, v1, v1;
	v3, _, _ =	vpop (xrf1)  }
0x28d: {  	v1 =	vmin.f32 v3, v2  }
0x28e: {  	(xrf1) =	vsort.ascd.msk.f32 $0xffff, v1, v1;
	_ =	sdelay $0x8  }
0x28f: {  	v1 =	vld [tilespmem:s16+$0xFFFFFFD0];
	_ =	sdelay $0x2  }
0x290: {  	v2, _, _ =	vpop (xrf1)  }
0x291: {  	v2 =	vperm.xlane v2, v0  }
0x292: {  	(xrf1) =	vsort.ascd.msk.f32 $0xffff, v1, v1;
	v3, _, _ =	vpop (xrf1)  }
0x293: {  	v1 =	vmin.f32 v3, v2  }
0x294: {  	(xrf1) =	vsort.ascd.msk.f32 $0xffff, v1, v1;
	_ =	sdelay $0x8  }
0x295: {  	v1 =	vld [tilespmem:s16+$0xFFFFFFE0];
	_ =	sdelay $0x2  }
0x296: {  	v2, _, _ =	vpop (xrf1)  }
0x297: {  	v2 =	vperm.xlane v2, v0  }
0x298: {  	(xrf1) =	vsort.ascd.msk.f32 $0xffff, v1, v1;
	v3, _, _ =	vpop (xrf1)  }
0x299: {  	v1 =	vmin.f32 v3, v2  }
0x29a: {  	(xrf1) =	vsort.ascd.msk.f32 $0xffff, v1, v1;
	_ =	sdelay $0x8  }
0x29b: {  	v1 =	vld [tilespmem:s16+$0xFFFFFFF0];
	_ =	sdelay $0x2  }
0x29c: {  	v2, _, _ =	vpop (xrf1)  }
0x29d: {  	v2 =	vperm.xlane v2, v0  }
0x29e: {  	(xrf1) =	vsort.ascd.msk.f32 $0xffff, v1, v1;
	v3, _, _ =	vpop (xrf1)  }
0x29f: {  	v1 =	vmin.f32 v3, v2  }
0x2a0: {  	(xrf1) =	vsort.ascd.msk.f32 $0xffff, v1, v1;
	_ =	sdelay $0x8  }
0x2a1: {  	v1 =	vld [tilespmem:s16+$0x0];
	_ =	sdelay $0x2  }
0x2a2: {  	v2, _, _ =	vpop (xrf1)  }
0x2a3: {  	v2 =	vperm.xlane v2, v0  }
0x2a4: {  	(xrf1) =	vsort.ascd.msk.f32 $0xffff, v1, v1;
	v3, _, _ =	vpop (xrf1)  }
0x2a5: {  	v1 =	vmin.f32 v3, v2  }
0x2a6: {  	(xrf1) =	vsort.ascd.msk.f32 $0xffff, v1, v1;
	_ =	sdelay $0x8  }
0x2a7: {  	v1 =	vld [tilespmem:s16+$0x10];
	_ =	sdelay $0x2  }
0x2a8: {  	v2, _, _ =	vpop (xrf1)  }
0x2a9: {  	v2 =	vperm.xlane v2, v0  }
0x2aa: {  	(xrf1) =	vsort.ascd.msk.f32 $0xffff, v1, v1;
	v3, _, _ =	vpop (xrf1)  }
0x2ab: {  	v1 =	vmin.f32 v3, v2  }
0x2ac: {  	(xrf1) =	vsort.ascd.msk.f32 $0xffff, v1, v1;
	_ =	sdelay $0x8  }
0x2ad: {  	v1 =	vld [tilespmem:s16+$0x20];
	_ =	sdelay $0x2  }
0x2ae: {  	v2, _, _ =	vpop (xrf1)  }
0x2af: {  	v2 =	vperm.xlane v2, v0  }
0x2b0: {  	(xrf1) =	vsort.ascd.msk.f32 $0xffff, v1, v1;
	v3, _, _ =	vpop (xrf1)  }
0x2b1: {  	v1 =	vmin.f32 v3, v2  }
0x2b2: {  	(xrf1) =	vsort.ascd.msk.f32 $0xffff, v1, v1;
	_ =	sdelay $0x8  }
0x2b3: {  	v1 =	vld [tilespmem:s16+$0x30];
	_ =	sdelay $0x2  }
0x2b4: {  	v2, _, _ =	vpop (xrf1)  }
0x2b5: {  	v2 =	vperm.xlane v2, v0  }
0x2b6: {  	(xrf1) =	vsort.ascd.msk.f32 $0xffff, v1, v1;
	v3, _, _ =	vpop (xrf1)  }
0x2b7: {  	v1 =	vmin.f32 v3, v2  }
0x2b8: {  	(xrf1) =	vsort.ascd.msk.f32 $0xffff, v1, v1;
	_ =	sdelay $0x8  }
0x2b9: {  	v1 =	vld [tilespmem:s16+$0x40];
	_ =	sdelay $0x2  }
0x2ba: {  	v2, _, _ =	vpop (xrf1)  }
0x2bb: {  	v2 =	vperm.xlane v2, v0  }
0x2bc: {  	(xrf1) =	vsort.ascd.msk.f32 $0xffff, v1, v1;
	v3, _, _ =	vpop (xrf1)  }
0x2bd: {  	v1 =	vmin.f32 v3, v2  }
0x2be: {  	(xrf1) =	vsort.ascd.msk.f32 $0xffff, v1, v1;
	_ =	sdelay $0x8  }
0x2bf: {  	v1 =	vld [tilespmem:s16+$0x50];
	_ =	sdelay $0x2  }
0x2c0: {  	v2, _, _ =	vpop (xrf1)  }
0x2c1: {  	v2 =	vperm.xlane v2, v0  }
0x2c2: {  	(xrf1) =	vsort.ascd.msk.f32 $0xffff, v1, v1;
	v3, _, _ =	vpop (xrf1)  }
0x2c3: {  	v1 =	vmin.f32 v3, v2  }
0x2c4: {  	(xrf1) =	vsort.ascd.msk.f32 $0xffff, v1, v1;
	_ =	sdelay $0x8  }
0x2c5: {  	v1 =	vld [tilespmem:s16+$0x60];
	_ =	sdelay $0x2  }
0x2c6: {  	v2, _, _ =	vpop (xrf1)  }
0x2c7: {  	v2 =	vperm.xlane v2, v0  }
0x2c8: {  	(xrf1) =	vsort.ascd.msk.f32 $0xffff, v1, v1;
	v3, _, _ =	vpop (xrf1)  }
0x2c9: {  	v1 =	vmin.f32 v3, v2  }
0x2ca: {  	(xrf1) =	vsort.ascd.msk.f32 $0xffff, v1, v1;
	_ =	sdelay $0x8  }
0x2cb: {  	v1 =	vld [tilespmem:s16+$0x70];
	_ =	sdelay $0x2  }
0x2cc: {  	v2, _, _ =	vpop (xrf1)  }
0x2cd: {  	v2 =	vperm.xlane v2, v0  }
0x2ce: {  	(xrf1) =	vsort.ascd.msk.f32 $0xffff, v1, v1;
	v3, _, _ =	vpop (xrf1)  }
0x2cf: {  	v1 =	vmin.f32 v3, v2  }
0x2d0: {  	(xrf1) =	vsort.ascd.msk.f32 $0xffff, v1, v1;
	_ =	sdelay $0x8  }
0x2d1: {  	v1 =	vld [tilespmem:s16+$0x80];
	_ =	sdelay $0x2  }
0x2d2: {  	v2, _, _ =	vpop (xrf1)  }
0x2d3: {  	v2 =	vperm.xlane v2, v0  }
0x2d4: {  	(xrf1) =	vsort.ascd.msk.f32 $0xffff, v1, v1;
	v3, _, _ =	vpop (xrf1)  }
0x2d5: {  	v1 =	vmin.f32 v3, v2  }
0x2d6: {  	(xrf1) =	vsort.ascd.msk.f32 $0xffff, v1, v1;
	_ =	sdelay $0x8  }
0x2d7: {  	v1 =	vld [tilespmem:s16+$0x90];
	_ =	sdelay $0x2  }
0x2d8: {  	v2, _, _ =	vpop (xrf1)  }
0x2d9: {  	v2 =	vperm.xlane v2, v0  }
0x2da: {  	(xrf1) =	vsort.ascd.msk.f32 $0xffff, v1, v1;
	v3, _, _ =	vpop (xrf1)  }
0x2db: {  	v1 =	vmin.f32 v3, v2  }
0x2dc: {  	(xrf1) =	vsort.ascd.msk.f32 $0xffff, v1, v1;
	_ =	sdelay $0x8  }
0x2dd: {  	v1 =	vld [tilespmem:s16+$0xA0];
	_ =	sdelay $0x2  }
0x2de: {  	v2, _, _ =	vpop (xrf1)  }
0x2df: {  	v2 =	vperm.xlane v2, v0  }
0x2e0: {  	(xrf1) =	vsort.ascd.msk.f32 $0xffff, v1, v1;
	v3, _, _ =	vpop (xrf1)  }
0x2e1: {  	v1 =	vmin.f32 v3, v2  }
0x2e2: {  	(xrf1) =	vsort.ascd.msk.f32 $0xffff, v1, v1;
	_ =	sdelay $0x8  }
0x2e3: {  	v1 =	vld [tilespmem:s16+$0xB0];
	_ =	sdelay $0x2  }
0x2e4: {  	v2, _, _ =	vpop (xrf1)  }
0x2e5: {  	v2 =	vperm.xlane v2, v0  }
0x2e6: {  	(xrf1) =	vsort.ascd.msk.f32 $0xffff, v1, v1;
	v3, _, _ =	vpop (xrf1)  }
0x2e7: {  	v1 =	vmin.f32 v3, v2  }
0x2e8: {  	(xrf1) =	vsort.ascd.msk.f32 $0xffff, v1, v1;
	_ =	sdelay $0x8  }
0x2e9: {  	v1 =	vld [tilespmem:s16+$0xC0];
	_ =	sdelay $0x2  }
0x2ea: {  	v2, _, _ =	vpop (xrf1)  }
0x2eb: {  	v2 =	vperm.xlane v2, v0  }
0x2ec: {  	(xrf1) =	vsort.ascd.msk.f32 $0xffff, v1, v1;
	v3, _, _ =	vpop (xrf1)  }
0x2ed: {  	v1 =	vmin.f32 v3, v2  }
0x2ee: {  	(xrf1) =	vsort.ascd.msk.f32 $0xffff, v1, v1;
	_ =	sdelay $0x8  }
0x2ef: {  	v1 =	vld [tilespmem:s16+$0xD0];
	_ =	sdelay $0x2  }
0x2f0: {  	v2, _, _ =	vpop (xrf1)  }
0x2f1: {  	v2 =	vperm.xlane v2, v0  }
0x2f2: {  	(xrf1) =	vsort.ascd.msk.f32 $0xffff, v1, v1;
	v3, _, _ =	vpop (xrf1)  }
0x2f3: {  	v1 =	vmin.f32 v3, v2  }
0x2f4: {  	(xrf1) =	vsort.ascd.msk.f32 $0xffff, v1, v1;
	_ =	sdelay $0x8  }
0x2f5: {  	v1 =	vld [tilespmem:s16+$0xE0];
	_ =	sdelay $0x2  }
0x2f6: {  	v2, _, _ =	vpop (xrf1)  }
0x2f7: {  	v2 =	vperm.xlane v2, v0  }
0x2f8: {  	(xrf1) =	vsort.ascd.msk.f32 $0xffff, v1, v1;
	v3, _, _ =	vpop (xrf1)  }
0x2f9: {  	v1 =	vmin.f32 v3, v2  }
0x2fa: {  	(xrf1) =	vsort.ascd.msk.f32 $0xffff, v1, v1;
	_ =	sdelay $0x8  }
0x2fb: {  	v1 =	vld [tilespmem:s16+$0xF0];
	_ =	sdelay $0x2  }
0x2fc: {  	v2, _, _ =	vpop (xrf1)  }
0x2fd: {  	v2 =	vperm.xlane v2, v0  }
0x2fe: {  	(xrf1) =	vsort.ascd.msk.f32 $0xffff, v1, v1;
	v3, _, _ =	vpop (xrf1)  }
0x2ff: {  	v1 =	vmin.f32 v3, v2  }
0x300: {  	(xrf1) =	vsort.ascd.msk.f32 $0xffff, v1, v1;
	_ =	sdelay $0x8  }
0x301: {  	v1 =	vld [tilespmem:s16+$0x100];
	_ =	sdelay $0x2  }
0x302: {  	v2, _, _ =	vpop (xrf1)  }
0x303: {  	v2 =	vperm.xlane v2, v0  }
0x304: {  	(xrf1) =	vsort.ascd.msk.f32 $0xffff, v1, v1;
	v3, _, _ =	vpop (xrf1)  }
0x305: {  	v1 =	vmin.f32 v3, v2  }
0x306: {  	(xrf1) =	vsort.ascd.msk.f32 $0xffff, v1, v1;
	_ =	sdelay $0x8  }
0x307: {  	v1 =	vld [tilespmem:s16+$0x110];
	_ =	sdelay $0x2  }
0x308: {  	v2, _, _ =	vpop (xrf1)  }
0x309: {  	v2 =	vperm.xlane v2, v0  }
0x30a: {  	(xrf1) =	vsort.ascd.msk.f32 $0xffff, v1, v1;
	v3, _, _ =	vpop (xrf1)  }
0x30b: {  	v1 =	vmin.f32 v3, v2  }
0x30c: {  	(xrf1) =	vsort.ascd.msk.f32 $0xffff, v1, v1;
	_ =	sdelay $0x8  }
0x30d: {  	v1 =	vld [tilespmem:s16+$0x120];
	_ =	sdelay $0x2  }
0x30e: {  	v2, _, _ =	vpop (xrf1)  }
0x30f: {  	v2 =	vperm.xlane v2, v0  }
0x310: {  	(xrf1) =	vsort.ascd.msk.f32 $0xffff, v1, v1;
	v3, _, _ =	vpop (xrf1)  }
0x311: {  	v1 =	vmin.f32 v3, v2  }
0x312: {  	(xrf1) =	vsort.ascd.msk.f32 $0xffff, v1, v1;
	_ =	sdelay $0x8  }
0x313: {  	v1 =	vld [tilespmem:s16+$0x130];
	_ =	sdelay $0x2  }
0x314: {  	v2, _, _ =	vpop (xrf1)  }
0x315: {  	v2 =	vperm.xlane v2, v0  }
0x316: {  	(xrf1) =	vsort.ascd.msk.f32 $0xffff, v1, v1;
	v3, _, _ =	vpop (xrf1)  }
0x317: {  	v1 =	vmin.f32 v3, v2  }
0x318: {  	(xrf1) =	vsort.ascd.msk.f32 $0xffff, v1, v1;
	_ =	sdelay $0x8  }
0x319: {  	v1 =	vld [tilespmem:s16+$0x140];
	_ =	sdelay $0x2  }
0x31a: {  	v2, _, _ =	vpop (xrf1)  }
0x31b: {  	v2 =	vperm.xlane v2, v0  }
0x31c: {  	(xrf1) =	vsort.ascd.msk.f32 $0xffff, v1, v1;
	v3, _, _ =	vpop (xrf1)  }
0x31d: {  	v1 =	vmin.f32 v3, v2  }
0x31e: {  	(xrf1) =	vsort.ascd.msk.f32 $0xffff, v1, v1;
	_ =	sdelay $0x8  }
0x31f: {  	v1 =	vld [tilespmem:s16+$0x150];
	_ =	sdelay $0x2  }
0x320: {  	v2, _, _ =	vpop (xrf1)  }
0x321: {  	v2 =	vperm.xlane v2, v0  }
0x322: {  	(xrf1) =	vsort.ascd.msk.f32 $0xffff, v1, v1;
	v3, _, _ =	vpop (xrf1)  }
0x323: {  	v1 =	vmin.f32 v3, v2  }
0x324: {  	(xrf1) =	vsort.ascd.msk.f32 $0xffff, v1, v1;
	_ =	sdelay $0x8  }
0x325: {  	v1 =	vld [tilespmem:s16+$0x160];
	_ =	sdelay $0x2  }
0x326: {  	v2, _, _ =	vpop (xrf1)  }
0x327: {  	v2 =	vperm.xlane v2, v0  }
0x328: {  	(xrf1) =	vsort.ascd.msk.f32 $0xffff, v1, v1;
	v3, _, _ =	vpop (xrf1)  }
0x329: {  	v1 =	vmin.f32 v3, v2  }
0x32a: {  	(xrf1) =	vsort.ascd.msk.f32 $0xffff, v1, v1;
	_ =	sdelay $0x8  }
0x32b: {  	v1 =	vld [tilespmem:s16+$0x170];
	_ =	sdelay $0x2  }
0x32c: {  	v2, _, _ =	vpop (xrf1)  }
0x32d: {  	v2 =	vperm.xlane v2, v0  }
0x32e: {  	(xrf1) =	vsort.ascd.msk.f32 $0xffff, v1, v1;
	v3, _, _ =	vpop (xrf1)  }
0x32f: {  	v1 =	vmin.f32 v3, v2  }
0x330: {  	(xrf1) =	vsort.ascd.msk.f32 $0xffff, v1, v1;
	_ =	sdelay $0x8  }
0x331: {  	v1 =	vld [tilespmem:s16+$0x180];
	_ =	sdelay $0x2  }
0x332: {  	v2, _, _ =	vpop (xrf1)  }
0x333: {  	v2 =	vperm.xlane v2, v0  }
0x334: {  	(xrf1) =	vsort.ascd.msk.f32 $0xffff, v1, v1;
	v3, _, _ =	vpop (xrf1)  }
0x335: {  	v1 =	vmin.f32 v3, v2  }
0x336: {  	(xrf1) =	vsort.ascd.msk.f32 $0xffff, v1, v1;
	_ =	sdelay $0x8  }
0x337: {  	v1 =	vld [tilespmem:s16+$0x190];
	_ =	sdelay $0x2  }
0x338: {  	v2, _, _ =	vpop (xrf1)  }
0x339: {  	v2 =	vperm.xlane v2, v0  }
0x33a: {  	(xrf1) =	vsort.ascd.msk.f32 $0xffff, v1, v1;
	v3, _, _ =	vpop (xrf1)  }
0x33b: {  	v1 =	vmin.f32 v3, v2  }
0x33c: {  	(xrf1) =	vsort.ascd.msk.f32 $0xffff, v1, v1;
	_ =	sdelay $0x8  }
0x33d: {  	v1 =	vld [tilespmem:s16+$0x1A0];
	_ =	sdelay $0x2  }
0x33e: {  	v2, _, _ =	vpop (xrf1)  }
0x33f: {  	v2 =	vperm.xlane v2, v0  }
0x340: {  	(xrf1) =	vsort.ascd.msk.f32 $0xffff, v1, v1;
	v3, _, _ =	vpop (xrf1)  }
0x341: {  	v1 =	vmin.f32 v3, v2  }
0x342: {  	(xrf1) =	vsort.ascd.msk.f32 $0xffff, v1, v1;
	_ =	sdelay $0x8  }
0x343: {  	v1 =	vld [tilespmem:s16+$0x1B0];
	_ =	sdelay $0x2  }
0x344: {  	v2, _, _ =	vpop (xrf1)  }
0x345: {  	v2 =	vperm.xlane v2, v0  }
0x346: {  	(xrf1) =	vsort.ascd.msk.f32 $0xffff, v1, v1;
	v3, _, _ =	vpop (xrf1)  }
0x347: {  	v1 =	vmin.f32 v3, v2  }
0x348: {  	(xrf1) =	vsort.ascd.msk.f32 $0xffff, v1, v1;
	_ =	sdelay $0x8  }
0x349: {  	v1 =	vld [tilespmem:s16+$0x1C0];
	_ =	sdelay $0x2  }
0x34a: {  	v2, _, _ =	vpop (xrf1)  }
0x34b: {  	v2 =	vperm.xlane v2, v0  }
0x34c: {  	(xrf1) =	vsort.ascd.msk.f32 $0xffff, v1, v1;
	v3, _, _ =	vpop (xrf1)  }
0x34d: {  	v1 =	vmin.f32 v3, v2  }
0x34e: {  	(xrf1) =	vsort.ascd.msk.f32 $0xffff, v1, v1;
	_ =	sdelay $0x8  }
0x34f: {  	v1 =	vld [tilespmem:s16+$0x1D0];
	_ =	sdelay $0x2  }
0x350: {  	v2, _, _ =	vpop (xrf1)  }
0x351: {  	v2 =	vperm.xlane v2, v0  }
0x352: {  	(xrf1) =	vsort.ascd.msk.f32 $0xffff, v1, v1;
	v3, _, _ =	vpop (xrf1)  }
0x353: {  	v1 =	vmin.f32 v3, v2  }
0x354: {  	(xrf1) =	vsort.ascd.msk.f32 $0xffff, v1, v1;
	_ =	sdelay $0x8  }
0x355: {  	v1 =	vld [tilespmem:s16+$0x1E0];
	_ =	sdelay $0x2  }
0x356: {  	v2, _, _ =	vpop (xrf1)  }
0x357: {  	v2 =	vperm.xlane v2, v0  }
0x358: {  	(xrf1) =	vsort.ascd.msk.f32 $0xffff, v1, v1;
	v3, _, _ =	vpop (xrf1)  }
0x359: {  	v1 =	vmin.f32 v3, v2  }
0x35a: {  	(xrf1) =	vsort.ascd.msk.f32 $0xffff, v1, v1;
	_ =	sdelay $0x8  }
0x35b: {  	v1 =	vld [tilespmem:s16+$0x1F0];
	_ =	sdelay $0x2  }
0x35c: {  	v2, _, _ =	vpop (xrf1)  }
0x35d: {  	v2 =	vperm.xlane v2, v0  }
0x35e: {  	(xrf1) =	vsort.ascd.msk.f32 $0xffff, v1, v1;
	v3, _, _ =	vpop (xrf1)  }
0x35f: {  	v1 =	vmin.f32 v3, v2  }
0x360: {  	(xrf1) =	vsort.ascd.msk.f32 $0xffff, v1, v1;
	_ =	sdelay $0x8  }
0x361: {  	v1 =	vld [tilespmem:s16+$0x200];
	_ =	sdelay $0x2  }
0x362: {  	v2, _, _ =	vpop (xrf1)  }
0x363: {  	v2 =	vperm.xlane v2, v0  }
0x364: {  	(xrf1) =	vsort.ascd.msk.f32 $0xffff, v1, v1;
	v3, _, _ =	vpop (xrf1)  }
0x365: {  	v1 =	vmin.f32 v3, v2  }
0x366: {  	(xrf1) =	vsort.ascd.msk.f32 $0xffff, v1, v1;
	_ =	sdelay $0x8  }
0x367: {  	v1 =	vld [tilespmem:s16+$0x210];
	_ =	sdelay $0x2  }
0x368: {  	v2, _, _ =	vpop (xrf1)  }
0x369: {  	v2 =	vperm.xlane v2, v0  }
0x36a: {  	(xrf1) =	vsort.ascd.msk.f32 $0xffff, v1, v1;
	v3, _, _ =	vpop (xrf1)  }
0x36b: {  	v1 =	vmin.f32 v3, v2  }
0x36c: {  	(xrf1) =	vsort.ascd.msk.f32 $0xffff, v1, v1;
	_ =	sdelay $0x8  }
0x36d: {  	v1 =	vld [tilespmem:s16+$0x220];
	_ =	sdelay $0x2  }
0x36e: {  	v2, _, _ =	vpop (xrf1)  }
0x36f: {  	v2 =	vperm.xlane v2, v0  }
0x370: {  	(xrf1) =	vsort.ascd.msk.f32 $0xffff, v1, v1;
	v3, _, _ =	vpop (xrf1)  }
0x371: {  	v1 =	vmin.f32 v3, v2  }
0x372: {  	(xrf1) =	vsort.ascd.msk.f32 $0xffff, v1, v1;
	_ =	sdelay $0x8  }
0x373: {  	v1 =	vld [tilespmem:s16+$0x230];
	_ =	sdelay $0x2  }
0x374: {  	v2, _, _ =	vpop (xrf1)  }
0x375: {  	v2 =	vperm.xlane v2, v0  }
0x376: {  	(xrf1) =	vsort.ascd.msk.f32 $0xffff, v1, v1;
	v3, _, _ =	vpop (xrf1)  }
0x377: {  	v1 =	vmin.f32 v3, v2  }
0x378: {  	(xrf1) =	vsort.ascd.msk.f32 $0xffff, v1, v1;
	_ =	sdelay $0xb  }
0x379: {  	v1, _, _ =	vpop (xrf1)  }
0x37a: {  	v1 =	vperm.xlane v1, v0  }
0x37b: {  	v2, _, _ =	vpop (xrf1)  }
0x37c: {  	v1 =	vmin.f32 v2, v1  }
0x37d: {  	(xrf1) =	vsort.ascd.msk.f32 $0xffff, v1, v1;
	_ =	sdelay $0xc  }
0x37e: {  	s13 =	sadd.s32 $0x1, s13  }
0x37f: {  	s15 =	sshra.s32 s15, $0x2;
	p0 =	sne.s32 s13, $0x10;
	v1, _, _ =	vpop (xrf1)  }
.Ltmp1:
0x380: {  	s14 =	sadd.s32 s5, s14;
	[tilespmem:s15+$0x4080] =	vst v1;
	(pc) =	sbr.rel @p0 .LBB2_2-.Ltmp1, $4  }
0x381: {  	[hbm4b:s14+s1] =	stream.linear.scatter [tilespmem:s11], [sflag:$0x2], $0x80, $0x38;
	[tilespmem:$0x4100] =	vst v63  }
0x382: {  	_ =	swait.ge [sflag:s8], $0x80  }
0x383: {  	[sflag:s8] =	ssyncset.done $0x0  }
0x384: {  	[sflag:s8] =	ssyncadd.s32 $0xFFFFFF80  }
0x385: {  	s12 =	sadd.s32 $0x1, s12  }
0x386: {  	p0 =	sne.s32 s12, s7  }
.Ltmp2:
0x387: {  	_ = 	snop;
	(pc) =	sbr.rel @p0 .LBB2_1-.Ltmp2, $1  }
0x388: {  	_ =	sdelay $0x3  }
0x389: {  	_ =	sfence.sel $0x180000  }
0x38a: {  	[bflag:$0x0] =	sbarrier.arrive $0xFFFF  }
0x38b: {  	p0 =	sne.s32 s2, $0x0;
	_ =	strace $0x90000047  }
0x38c: {  	s0 =	sadd.s32 @!p0 $0x100000, s0;
	[bflag:$0x2] =	sbarrier.arrive $0xFFFF  }
0x38d: {  	[sflag:s0] =	ssyncadd.tile.s32 @!p0 $0x1;
	_ =	shalt  }
.Lfunc_end2:
_tile_overlayer_lowered:
.L_overlay_start_2:
0x38e: {  	(tag) =	ssettag $0x2  }
0x38f: {  	s0 =	rddreg [dreg:$0x0];
	s2 =	stileid.u32  }
0x390: {  	s1 =	rddreg [dreg:$0x1];
	p0 =	sne.s32 s2, $0x0  }
0x391: {  	s3 =	rddreg [dreg:$0x2];
	[bflag:$0x3] =	sbarrier.arrive $0xFFFF;
	s2 =	simm.s32 @!p0 $0x1C02  }
0x392: {  	[timem:s3], [sflag:s2] =	dma.local @!p0 [hbm:s0], s1  }
0x393: {  	s0 =	simm.s32 @!p0 $0x2  }
0x394: {  	_ =	swait.ge @!p0 [sflag:s0], s1  }
0x395: {  	s1 =	ssub.s32 @!p0 $0x0, s1;
	[sflag:s0] =	ssyncset.done @!p0 $0x0  }
0x396: {  	[sflag:s0] =	ssyncadd.s32 @!p0 s1  }
0x397: {  	[bflag:$0x3] =	sbarrier.arrive $0xFFFF  }
0x398: {  	_ =	shalt  }

</sc_bundles>
